<compile_context>
chip_gen: v7x
topology: tpu7x:2x2x1
jax: 0.10.2.dev20260603
libtpu: 0.0.44.dev20260713+nightly
codegen_flags: <defaults>
</compile_context>

<pallas_src>
import functools

import jax
import jax.numpy as jnp
import numpy as np
from jax import lax
from jax.experimental import pallas as pl
from jax.experimental.pallas import tpu as pltpu
from jax.experimental.pallas import tpu_sc as plsc

B = 16384
D = 128
L = 16
CHUNK = 64
NBUF = 3
KD = 8
_SQRT_MAGIC = np.int32(0x1FBD1DF5)


def _sqrt16(x):
    xi = lax.bitcast_convert_type(x, jnp.int32)
    y = lax.bitcast_convert_type(_SQRT_MAGIC + (xi >> 1), jnp.float32)
    for _ in range(3):
        y = 0.5 * (y + x / y)
    return y


def _make_kernel():
    info = plsc.get_sparse_core_info()
    nc, ns = info.num_cores, info.num_subcores
    nw = nc * ns
    b_per_w = B // nw
    n_chunks = b_per_w // CHUNK

    mesh = plsc.VectorSubcoreMesh(core_axis_name="c", subcore_axis_name="s")

    @functools.partial(
        pl.kernel,
        mesh=mesh,
        compiler_params=pltpu.CompilerParams(
            needs_layout_passes=False, disable_bounds_checks=True),
        out_type=jax.ShapeDtypeStruct((B,), jnp.float32),
        scratch_types=(
            [pltpu.VMEM((b_per_w,), jnp.int32)] * 3
            + [pltpu.VMEM((CHUNK, D), jnp.float32)] * (3 * NBUF)
            + [pltpu.VMEM((b_per_w,), jnp.float32)]
            + [pltpu.SemaphoreType.DMA] * (NBUF + 1)
        ),
    )
    def trans_e(h_hbm, r_hbm, t_hbm, en_hbm, rel_hbm, out_hbm, *scratch):
        hix, rix, tix = scratch[0:3]
        bufs = tuple(tuple(scratch[3 + 3 * i:6 + 3 * i]) for i in range(NBUF))
        ssq = scratch[3 + 3 * NBUF]
        sems = scratch[4 + 3 * NBUF:4 + 4 * NBUF]
        ixsem = scratch[4 + 4 * NBUF]

        wid = lax.axis_index("s") * nc + lax.axis_index("c")
        base = wid * b_per_w
        lane = jnp.arange(L, dtype=jnp.int32)

        cpi = (pltpu.async_copy(h_hbm.at[pl.ds(base, b_per_w)], hix, ixsem),
               pltpu.async_copy(r_hbm.at[pl.ds(base, b_per_w)], rix, ixsem),
               pltpu.async_copy(t_hbm.at[pl.ds(base, b_per_w)], tix, ixsem))
        for cp in cpi:
            cp.wait()

        def fire(c):
            hbuf, rbuf, tbuf = bufs[c % NBUF]
            sem = sems[c % NBUF]
            sl = pl.ds(c * CHUNK, CHUNK)
            return (
                pltpu.async_copy(en_hbm.at[hix.at[sl]], hbuf, sem),
                pltpu.async_copy(rel_hbm.at[rix.at[sl]], rbuf, sem),
                pltpu.async_copy(en_hbm.at[tix.at[sl]], tbuf, sem),
            )

        cps = [fire(c) for c in range(NBUF)]

        for c in range(n_chunks):
            for cp in cps[c % NBUF]:
                cp.wait()
            hbuf, rbuf, tbuf = bufs[c % NBUF]

            def group_body(g, _, hbuf=hbuf, rbuf=rbuf, tbuf=tbuf, c=c):
                rows = lane + g * L
                zero = jnp.zeros((L,), jnp.float32)

                @plsc.parallel_loop(0, D // KD, carry=(lane,) + (zero,) * 4)
                def carry(it, cr, rows=rows, hbuf=hbuf, rbuf=rbuf, tbuf=tbuf):
                    col0, *a = cr
                    for k in range(KD):
                        col = (col0 + k) & (D - 1)
                        tv = plsc.load_gather(tbuf, [rows, col])
                        hv = plsc.load_gather(hbuf, [rows, col])
                        rv = plsc.load_gather(rbuf, [rows, col])
                        dd = tv - hv - rv
                        a[k % 4] = a[k % 4] + dd * dd
                    return (col0 + KD, *a)

                s = tuple(carry[1:])
                while len(s) > 1:
                    s = tuple(s[i] + s[i + 1] for i in range(0, len(s), 2))
                ssq[pl.ds(c * CHUNK + g * L, L)] = _sqrt16(s[0])
                return _

            lax.fori_loop(0, CHUNK // L, group_body, None)

            if c + NBUF < n_chunks:
                cps[c % NBUF] = fire(c + NBUF)

        pltpu.sync_copy(ssq, out_hbm.at[pl.ds(base, b_per_w)])

    return trans_e


_trans_e = _make_kernel()


def kernel(h_batch, r_batch, t_batch, en_embedding, rel_embedding):
    if h_batch.dtype != jnp.int32:
        h_batch = h_batch.astype(jnp.int32)
        r_batch = r_batch.astype(jnp.int32)
        t_batch = t_batch.astype(jnp.int32)
    return _trans_e(h_batch, r_batch, t_batch, en_embedding, rel_embedding)

# --- scband reference (transcript-rebuilt; emitter-appended) ---
"""Pipeline reference for scband-trans-e-51719996179017 (READ-ONLY COPY).

The authoritative reference and input builder live on the scoring server;
editing this copy changes nothing except your own understanding.
"""

import jax, jax.numpy as jnp
import numpy as np

EN_COUNT = 100000
REL_COUNT = 1000
DIM = 128
BATCH = 16384


def setup_inputs(seed: int = 0) -> dict:
    key = jax.random.key(seed)
    k1, k2, k3, k4, k5 = jax.random.split(key, 5)
    h_batch = jax.random.randint(k1, (BATCH,), 0, EN_COUNT, dtype=jnp.int64 if jax.config.jax_enable_x64 else jnp.int32)
    r_batch = jax.random.randint(k2, (BATCH,), 0, REL_COUNT, dtype=jnp.int64 if jax.config.jax_enable_x64 else jnp.int32)
    t_batch = jax.random.randint(k3, (BATCH,), 0, EN_COUNT, dtype=jnp.int64 if jax.config.jax_enable_x64 else jnp.int32)
    # learned parameters (xavier-uniform style init)
    bound_en = float(np.sqrt(6.0 / (EN_COUNT + DIM)))
    bound_rel = float(np.sqrt(6.0 / (REL_COUNT + DIM)))
    en_embedding = jax.random.uniform(k4, (EN_COUNT, DIM), minval=-bound_en, maxval=bound_en, dtype=jnp.float32)
    rel_embedding = jax.random.uniform(k5, (REL_COUNT, DIM), minval=-bound_rel, maxval=bound_rel, dtype=jnp.float32)
    return {
        "h_batch": h_batch,
        "r_batch": r_batch,
        "t_batch": t_batch,
        "en_embedding": en_embedding,
        "rel_embedding": rel_embedding,
    }


def reference(h_batch, r_batch, t_batch, en_embedding, rel_embedding):
    # TransE.forward with L1=False (L2 norm)
    h_em = jnp.take(en_embedding, h_batch, axis=0)
    r_em = jnp.take(rel_embedding, r_batch, axis=0)
    t_em = jnp.take(en_embedding, t_batch, axis=0)
    res = t_em - h_em - r_em
    return jnp.linalg.norm(res, ord=2, axis=1)

if __name__ == "__main__":
    import jax
    _d = setup_inputs()
    print(jax.jit(kernel)(*tuple(_d.values())))

</pallas_src>

<mosaic_0001>
#map = affine_map<(d0, d1) -> (0)>
#map1 = affine_map<(d0, d1) -> (0, 0)>
module attributes {stable_mosaic.version = 14 : i64} {
  func.func @trans_e(%arg0: i32, %arg1: i32, %arg2: memref<16384xi32, #tpu.memory_space<hbm>>, %arg3: memref<16384xi32, #tpu.memory_space<hbm>>, %arg4: memref<16384xi32, #tpu.memory_space<hbm>>, %arg5: memref<100000x128xf32, #tpu.memory_space<hbm>>, %arg6: memref<1000x128xf32, #tpu.memory_space<hbm>>, %arg7: memref<16384xf32, #tpu.memory_space<hbm>>, %arg8: memref<512xi32, #tpu.memory_space<vmem>>, %arg9: memref<512xi32, #tpu.memory_space<vmem>>, %arg10: memref<512xi32, #tpu.memory_space<vmem>>, %arg11: memref<64x128xf32, #tpu.memory_space<vmem>>, %arg12: memref<64x128xf32, #tpu.memory_space<vmem>>, %arg13: memref<64x128xf32, #tpu.memory_space<vmem>>, %arg14: memref<64x128xf32, #tpu.memory_space<vmem>>, %arg15: memref<64x128xf32, #tpu.memory_space<vmem>>, %arg16: memref<64x128xf32, #tpu.memory_space<vmem>>, %arg17: memref<64x128xf32, #tpu.memory_space<vmem>>, %arg18: memref<64x128xf32, #tpu.memory_space<vmem>>, %arg19: memref<64x128xf32, #tpu.memory_space<vmem>>, %arg20: memref<512xf32, #tpu.memory_space<vmem>>, %arg21: memref<!tpu.dma_semaphore, #tpu.memory_space<semaphore_mem>>, %arg22: memref<!tpu.dma_semaphore, #tpu.memory_space<semaphore_mem>>, %arg23: memref<!tpu.dma_semaphore, #tpu.memory_space<semaphore_mem>>, %arg24: memref<!tpu.dma_semaphore, #tpu.memory_space<semaphore_mem>>) attributes {dimension_semantics = [#tpu.dimension_semantics<core_parallel>, #tpu.dimension_semantics<subcore_parallel>], iteration_bounds = array<i64: 2, 16>, scalar_prefetch = 0 : i64, scratch_operands = 17 : i64, tpu.core_type = #tpu.core_type<sc_vector_subcore>, window_params = [{transform_indices = #map}, {transform_indices = #map}, {transform_indices = #map}, {transform_indices = #map1}, {transform_indices = #map1}, {transform_indices = #map}]} {
    %mul3A = arith.constant 2 : i32
    %mul3A_0 = arith.muli %arg1, %mul3A : i32
    %add3A = arith.addi %mul3A_0, %arg0 : i32
    %mul3A_1 = arith.constant 512 : i32
    %mul3A_2 = arith.muli %add3A, %mul3A_1 : i32
    %iota3A = tpu.iota {dimensions = array<i32: 0>} : vector<16xi32>
    %dma_start3A = tpu.memref_slice %arg2[%mul3A_2] : memref<16384xi32, #tpu.memory_space<hbm>> -> memref<512xi32, #tpu.memory_space<hbm>>
    %dma_start3A_3 = tpu.memref_slice %arg2[%mul3A_2] : memref<16384xi32, #tpu.memory_space<hbm>> -> memref<512xi32, #tpu.memory_space<hbm>>
    tpu.enqueue_dma source(%dma_start3A_3 : memref<512xi32, #tpu.memory_space<hbm>>) target(%arg8 : memref<512xi32, #tpu.memory_space<vmem>>) target_semaphore(%arg24 : memref<!tpu.dma_semaphore, #tpu.memory_space<semaphore_mem>>)
    %dma_start3A_4 = tpu.memref_slice %arg3[%mul3A_2] : memref<16384xi32, #tpu.memory_space<hbm>> -> memref<512xi32, #tpu.memory_space<hbm>>
    %dma_start3A_5 = tpu.memref_slice %arg3[%mul3A_2] : memref<16384xi32, #tpu.memory_space<hbm>> -> memref<512xi32, #tpu.memory_space<hbm>>
    tpu.enqueue_dma source(%dma_start3A_5 : memref<512xi32, #tpu.memory_space<hbm>>) target(%arg9 : memref<512xi32, #tpu.memory_space<vmem>>) target_semaphore(%arg24 : memref<!tpu.dma_semaphore, #tpu.memory_space<semaphore_mem>>)
    %dma_start3A_6 = tpu.memref_slice %arg4[%mul3A_2] : memref<16384xi32, #tpu.memory_space<hbm>> -> memref<512xi32, #tpu.memory_space<hbm>>
    %dma_start3A_7 = tpu.memref_slice %arg4[%mul3A_2] : memref<16384xi32, #tpu.memory_space<hbm>> -> memref<512xi32, #tpu.memory_space<hbm>>
    tpu.enqueue_dma source(%dma_start3A_7 : memref<512xi32, #tpu.memory_space<hbm>>) target(%arg10 : memref<512xi32, #tpu.memory_space<vmem>>) target_semaphore(%arg24 : memref<!tpu.dma_semaphore, #tpu.memory_space<semaphore_mem>>)
    %dma_wait3A = tpu.memref_slice %arg2[%mul3A_2] : memref<16384xi32, #tpu.memory_space<hbm>> -> memref<512xi32, #tpu.memory_space<hbm>>
    %dma_wait3A_8 = tpu.memref_slice %arg2[%mul3A_2] : memref<16384xi32, #tpu.memory_space<hbm>> -> memref<512xi32, #tpu.memory_space<hbm>>
    tpu.wait_dma2 semaphore(%arg24 : memref<!tpu.dma_semaphore, #tpu.memory_space<semaphore_mem>>) src(%dma_wait3A_8 : memref<512xi32, #tpu.memory_space<hbm>>) dst(%arg8 : memref<512xi32, #tpu.memory_space<vmem>>)
    %dma_wait3A_9 = tpu.memref_slice %arg3[%mul3A_2] : memref<16384xi32, #tpu.memory_space<hbm>> -> memref<512xi32, #tpu.memory_space<hbm>>
    %dma_wait3A_10 = tpu.memref_slice %arg3[%mul3A_2] : memref<16384xi32, #tpu.memory_space<hbm>> -> memref<512xi32, #tpu.memory_space<hbm>>
    tpu.wait_dma2 semaphore(%arg24 : memref<!tpu.dma_semaphore, #tpu.memory_space<semaphore_mem>>) src(%dma_wait3A_10 : memref<512xi32, #tpu.memory_space<hbm>>) dst(%arg9 : memref<512xi32, #tpu.memory_space<vmem>>)
    %dma_wait3A_11 = tpu.memref_slice %arg4[%mul3A_2] : memref<16384xi32, #tpu.memory_space<hbm>> -> memref<512xi32, #tpu.memory_space<hbm>>
    %dma_wait3A_12 = tpu.memref_slice %arg4[%mul3A_2] : memref<16384xi32, #tpu.memory_space<hbm>> -> memref<512xi32, #tpu.memory_space<hbm>>
    tpu.wait_dma2 semaphore(%arg24 : memref<!tpu.dma_semaphore, #tpu.memory_space<semaphore_mem>>) src(%dma_wait3A_12 : memref<512xi32, #tpu.memory_space<hbm>>) dst(%arg10 : memref<512xi32, #tpu.memory_space<vmem>>)
    %dma_start3A_13 = arith.constant 0 : i32
    %dma_start3A_14 = tpu.memref_slice %arg8[%dma_start3A_13] : memref<512xi32, #tpu.memory_space<vmem>> -> memref<64xi32, #tpu.memory_space<vmem>>
    %dma_start3A_15 = arith.constant 0 : i32
    %dma_start3A_16 = arith.constant 0 : i32
    %dma_start3A_17 = tpu.memref_slice %arg5[%dma_start3A_15, %dma_start3A_16] : memref<100000x128xf32, #tpu.memory_space<hbm>> -> memref<100000x128xf32, #tpu.memory_space<hbm>>
    tpu.enqueue_indirect_dma source(%dma_start3A_17 : memref<100000x128xf32, #tpu.memory_space<hbm>>) target(%arg11 : memref<64x128xf32, #tpu.memory_space<vmem>>) offsets(%dma_start3A_14 : memref<64xi32, #tpu.memory_space<vmem>>) semaphore(%arg21 : memref<!tpu.dma_semaphore, #tpu.memory_space<semaphore_mem>>)
    %dma_start3A_18 = arith.constant 0 : i32
    %dma_start3A_19 = tpu.memref_slice %arg9[%dma_start3A_18] : memref<512xi32, #tpu.memory_space<vmem>> -> memref<64xi32, #tpu.memory_space<vmem>>
    %dma_start3A_20 = arith.constant 0 : i32
    %dma_start3A_21 = arith.constant 0 : i32
    %dma_start3A_22 = tpu.memref_slice %arg6[%dma_start3A_20, %dma_start3A_21] : memref<1000x128xf32, #tpu.memory_space<hbm>> -> memref<1000x128xf32, #tpu.memory_space<hbm>>
    tpu.enqueue_indirect_dma source(%dma_start3A_22 : memref<1000x128xf32, #tpu.memory_space<hbm>>) target(%arg12 : memref<64x128xf32, #tpu.memory_space<vmem>>) offsets(%dma_start3A_19 : memref<64xi32, #tpu.memory_space<vmem>>) semaphore(%arg21 : memref<!tpu.dma_semaphore, #tpu.memory_space<semaphore_mem>>)
    %dma_start3A_23 = arith.constant 0 : i32
    %dma_start3A_24 = tpu.memref_slice %arg10[%dma_start3A_23] : memref<512xi32, #tpu.memory_space<vmem>> -> memref<64xi32, #tpu.memory_space<vmem>>
    %dma_start3A_25 = arith.constant 0 : i32
    %dma_start3A_26 = arith.constant 0 : i32
    %dma_start3A_27 = tpu.memref_slice %arg5[%dma_start3A_25, %dma_start3A_26] : memref<100000x128xf32, #tpu.memory_space<hbm>> -> memref<100000x128xf32, #tpu.memory_space<hbm>>
    tpu.enqueue_indirect_dma source(%dma_start3A_27 : memref<100000x128xf32, #tpu.memory_space<hbm>>) target(%arg13 : memref<64x128xf32, #tpu.memory_space<vmem>>) offsets(%dma_start3A_24 : memref<64xi32, #tpu.memory_space<vmem>>) semaphore(%arg21 : memref<!tpu.dma_semaphore, #tpu.memory_space<semaphore_mem>>)
    %dma_start3A_28 = arith.constant 64 : i32
    %dma_start3A_29 = tpu.memref_slice %arg8[%dma_start3A_28] : memref<512xi32, #tpu.memory_space<vmem>> -> memref<64xi32, #tpu.memory_space<vmem>>
    %dma_start3A_30 = arith.constant 0 : i32
    %dma_start3A_31 = arith.constant 0 : i32
    %dma_start3A_32 = tpu.memref_slice %arg5[%dma_start3A_30, %dma_start3A_31] : memref<100000x128xf32, #tpu.memory_space<hbm>> -> memref<100000x128xf32, #tpu.memory_space<hbm>>
    tpu.enqueue_indirect_dma source(%dma_start3A_32 : memref<100000x128xf32, #tpu.memory_space<hbm>>) target(%arg14 : memref<64x128xf32, #tpu.memory_space<vmem>>) offsets(%dma_start3A_29 : memref<64xi32, #tpu.memory_space<vmem>>) semaphore(%arg22 : memref<!tpu.dma_semaphore, #tpu.memory_space<semaphore_mem>>)
    %dma_start3A_33 = arith.constant 64 : i32
    %dma_start3A_34 = tpu.memref_slice %arg9[%dma_start3A_33] : memref<512xi32, #tpu.memory_space<vmem>> -> memref<64xi32, #tpu.memory_space<vmem>>
    %dma_start3A_35 = arith.constant 0 : i32
    %dma_start3A_36 = arith.constant 0 : i32
    %dma_start3A_37 = tpu.memref_slice %arg6[%dma_start3A_35, %dma_start3A_36] : memref<1000x128xf32, #tpu.memory_space<hbm>> -> memref<1000x128xf32, #tpu.memory_space<hbm>>
    tpu.enqueue_indirect_dma source(%dma_start3A_37 : memref<1000x128xf32, #tpu.memory_space<hbm>>) target(%arg15 : memref<64x128xf32, #tpu.memory_space<vmem>>) offsets(%dma_start3A_34 : memref<64xi32, #tpu.memory_space<vmem>>) semaphore(%arg22 : memref<!tpu.dma_semaphore, #tpu.memory_space<semaphore_mem>>)
    %dma_start3A_38 = arith.constant 64 : i32
    %dma_start3A_39 = tpu.memref_slice %arg10[%dma_start3A_38] : memref<512xi32, #tpu.memory_space<vmem>> -> memref<64xi32, #tpu.memory_space<vmem>>
    %dma_start3A_40 = arith.constant 0 : i32
    %dma_start3A_41 = arith.constant 0 : i32
    %dma_start3A_42 = tpu.memref_slice %arg5[%dma_start3A_40, %dma_start3A_41] : memref<100000x128xf32, #tpu.memory_space<hbm>> -> memref<100000x128xf32, #tpu.memory_space<hbm>>
    tpu.enqueue_indirect_dma source(%dma_start3A_42 : memref<100000x128xf32, #tpu.memory_space<hbm>>) target(%arg16 : memref<64x128xf32, #tpu.memory_space<vmem>>) offsets(%dma_start3A_39 : memref<64xi32, #tpu.memory_space<vmem>>) semaphore(%arg22 : memref<!tpu.dma_semaphore, #tpu.memory_space<semaphore_mem>>)
    %dma_start3A_43 = arith.constant 128 : i32
    %dma_start3A_44 = tpu.memref_slice %arg8[%dma_start3A_43] : memref<512xi32, #tpu.memory_space<vmem>> -> memref<64xi32, #tpu.memory_space<vmem>>
    %dma_start3A_45 = arith.constant 0 : i32
    %dma_start3A_46 = arith.constant 0 : i32
    %dma_start3A_47 = tpu.memref_slice %arg5[%dma_start3A_45, %dma_start3A_46] : memref<100000x128xf32, #tpu.memory_space<hbm>> -> memref<100000x128xf32, #tpu.memory_space<hbm>>
    tpu.enqueue_indirect_dma source(%dma_start3A_47 : memref<100000x128xf32, #tpu.memory_space<hbm>>) target(%arg17 : memref<64x128xf32, #tpu.memory_space<vmem>>) offsets(%dma_start3A_44 : memref<64xi32, #tpu.memory_space<vmem>>) semaphore(%arg23 : memref<!tpu.dma_semaphore, #tpu.memory_space<semaphore_mem>>)
    %dma_start3A_48 = arith.constant 128 : i32
    %dma_start3A_49 = tpu.memref_slice %arg9[%dma_start3A_48] : memref<512xi32, #tpu.memory_space<vmem>> -> memref<64xi32, #tpu.memory_space<vmem>>
    %dma_start3A_50 = arith.constant 0 : i32
    %dma_start3A_51 = arith.constant 0 : i32
    %dma_start3A_52 = tpu.memref_slice %arg6[%dma_start3A_50, %dma_start3A_51] : memref<1000x128xf32, #tpu.memory_space<hbm>> -> memref<1000x128xf32, #tpu.memory_space<hbm>>
    tpu.enqueue_indirect_dma source(%dma_start3A_52 : memref<1000x128xf32, #tpu.memory_space<hbm>>) target(%arg18 : memref<64x128xf32, #tpu.memory_space<vmem>>) offsets(%dma_start3A_49 : memref<64xi32, #tpu.memory_space<vmem>>) semaphore(%arg23 : memref<!tpu.dma_semaphore, #tpu.memory_space<semaphore_mem>>)
    %dma_start3A_53 = arith.constant 128 : i32
    %dma_start3A_54 = tpu.memref_slice %arg10[%dma_start3A_53] : memref<512xi32, #tpu.memory_space<vmem>> -> memref<64xi32, #tpu.memory_space<vmem>>
    %dma_start3A_55 = arith.constant 0 : i32
    %dma_start3A_56 = arith.constant 0 : i32
    %dma_start3A_57 = tpu.memref_slice %arg5[%dma_start3A_55, %dma_start3A_56] : memref<100000x128xf32, #tpu.memory_space<hbm>> -> memref<100000x128xf32, #tpu.memory_space<hbm>>
    tpu.enqueue_indirect_dma source(%dma_start3A_57 : memref<100000x128xf32, #tpu.memory_space<hbm>>) target(%arg19 : memref<64x128xf32, #tpu.memory_space<vmem>>) offsets(%dma_start3A_54 : memref<64xi32, #tpu.memory_space<vmem>>) semaphore(%arg23 : memref<!tpu.dma_semaphore, #tpu.memory_space<semaphore_mem>>)
    %dma_wait3A_58 = arith.constant 0 : i32
    %dma_wait3A_59 = tpu.memref_slice %arg8[%dma_wait3A_58] : memref<512xi32, #tpu.memory_space<vmem>> -> memref<64xi32, #tpu.memory_space<vmem>>
    %dma_wait3A_60 = arith.constant 0 : i32
    %dma_wait3A_61 = arith.constant 0 : i32
    %dma_wait3A_62 = tpu.memref_slice %arg5[%dma_wait3A_60, %dma_wait3A_61] : memref<100000x128xf32, #tpu.memory_space<hbm>> -> memref<100000x128xf32, #tpu.memory_space<hbm>>
    tpu.wait_indirect_dma semaphore(%arg21 : memref<!tpu.dma_semaphore, #tpu.memory_space<semaphore_mem>>) src(%dma_wait3A_62 : memref<100000x128xf32, #tpu.memory_space<hbm>>) dst(%arg11 : memref<64x128xf32, #tpu.memory_space<vmem>>)
    %dma_wait3A_63 = arith.constant 0 : i32
    %dma_wait3A_64 = tpu.memref_slice %arg9[%dma_wait3A_63] : memref<512xi32, #tpu.memory_space<vmem>> -> memref<64xi32, #tpu.memory_space<vmem>>
    %dma_wait3A_65 = arith.constant 0 : i32
    %dma_wait3A_66 = arith.constant 0 : i32
    %dma_wait3A_67 = tpu.memref_slice %arg6[%dma_wait3A_65, %dma_wait3A_66] : memref<1000x128xf32, #tpu.memory_space<hbm>> -> memref<1000x128xf32, #tpu.memory_space<hbm>>
    tpu.wait_indirect_dma semaphore(%arg21 : memref<!tpu.dma_semaphore, #tpu.memory_space<semaphore_mem>>) src(%dma_wait3A_67 : memref<1000x128xf32, #tpu.memory_space<hbm>>) dst(%arg12 : memref<64x128xf32, #tpu.memory_space<vmem>>)
    %dma_wait3A_68 = arith.constant 0 : i32
    %dma_wait3A_69 = tpu.memref_slice %arg10[%dma_wait3A_68] : memref<512xi32, #tpu.memory_space<vmem>> -> memref<64xi32, #tpu.memory_space<vmem>>
    %dma_wait3A_70 = arith.constant 0 : i32
    %dma_wait3A_71 = arith.constant 0 : i32
    %dma_wait3A_72 = tpu.memref_slice %arg5[%dma_wait3A_70, %dma_wait3A_71] : memref<100000x128xf32, #tpu.memory_space<hbm>> -> memref<100000x128xf32, #tpu.memory_space<hbm>>
    tpu.wait_indirect_dma semaphore(%arg21 : memref<!tpu.dma_semaphore, #tpu.memory_space<semaphore_mem>>) src(%dma_wait3A_72 : memref<100000x128xf32, #tpu.memory_space<hbm>>) dst(%arg13 : memref<64x128xf32, #tpu.memory_space<vmem>>)
    %scan3A = arith.constant 0 : i32
    %scan3A_73 = arith.constant 4 : i32
    %scan3A_74 = arith.addi %scan3A, %scan3A_73 : i32
    %scan3A_75 = arith.constant 1 : i32
    scf.for %scan3A_292 = %scan3A to %scan3A_74 step %scan3A_75  : i32 {
      %mul3A_293 = arith.constant 16 : i32
      %mul3A_294 = arith.muli %scan3A_292, %mul3A_293 : i32
      %add3A_295 = vector.broadcast %mul3A_294 : i32 to vector<16xi32>
      %add3A_296 = arith.addi %iota3A, %add3A_295 : vector<16xi32>
      %broadcast_in_dim3A = arith.constant 0.000000e+00 : f32
      %broadcast_in_dim3A_297 = vector.broadcast %broadcast_in_dim3A : f32 to vector<16xf32>
      %parallel_loop3A = arith.constant 0 : i32
      %parallel_loop3A_298 = arith.constant 16 : i32
      %parallel_loop3A_299 = arith.constant 1 : i32
      %parallel_loop3A_300:5 = scf.for %parallel_loop3A_329 = %parallel_loop3A to %parallel_loop3A_298 step %parallel_loop3A_299 iter_args(%parallel_loop3A_330 = %iota3A, %parallel_loop3A_331 = %broadcast_in_dim3A_297, %parallel_loop3A_332 = %broadcast_in_dim3A_297, %parallel_loop3A_333 = %broadcast_in_dim3A_297, %parallel_loop3A_334 = %broadcast_in_dim3A_297) -> (vector<16xi32>, vector<16xf32>, vector<16xf32>, vector<16xf32>, vector<16xf32>)  : i32 {
        %parallel_loop3A_335 = arith.constant 0 : i32
        %parallel_loop3A_336 = vector.broadcast %parallel_loop3A_335 : i32 to vector<16xi32>
        %parallel_loop3A_337 = arith.addi %parallel_loop3A_330, %parallel_loop3A_336 : vector<16xi32>
        %parallel_loop3A_338 = arith.constant 127 : i32
        %parallel_loop3A_339 = vector.broadcast %parallel_loop3A_338 : i32 to vector<16xi32>
        %parallel_loop3A_340 = arith.andi %parallel_loop3A_337, %parallel_loop3A_339 : vector<16xi32>
        %parallel_loop3A_341 = tpu.vector_load_idx %arg13[%add3A_296, %parallel_loop3A_340] : memref<64x128xf32, #tpu.memory_space<vmem>>[vector<16xi32>, vector<16xi32>], vector<16xf32>,
        %parallel_loop3A_342 = tpu.vector_load_idx %arg11[%add3A_296, %parallel_loop3A_340] : memref<64x128xf32, #tpu.memory_space<vmem>>[vector<16xi32>, vector<16xi32>], vector<16xf32>,
        %parallel_loop3A_343 = tpu.vector_load_idx %arg12[%add3A_296, %parallel_loop3A_340] : memref<64x128xf32, #tpu.memory_space<vmem>>[vector<16xi32>, vector<16xi32>], vector<16xf32>,
        %parallel_loop3A_344 = arith.subf %parallel_loop3A_341, %parallel_loop3A_342 : vector<16xf32>
        %parallel_loop3A_345 = arith.subf %parallel_loop3A_344, %parallel_loop3A_343 : vector<16xf32>
        %parallel_loop3A_346 = arith.mulf %parallel_loop3A_345, %parallel_loop3A_345 : vector<16xf32>
        %parallel_loop3A_347 = arith.addf %parallel_loop3A_331, %parallel_loop3A_346 : vector<16xf32>
        %parallel_loop3A_348 = arith.constant 1 : i32
        %parallel_loop3A_349 = vector.broadcast %parallel_loop3A_348 : i32 to vector<16xi32>
        %parallel_loop3A_350 = arith.addi %parallel_loop3A_330, %parallel_loop3A_349 : vector<16xi32>
        %parallel_loop3A_351 = arith.constant 127 : i32
        %parallel_loop3A_352 = vector.broadcast %parallel_loop3A_351 : i32 to vector<16xi32>
        %parallel_loop3A_353 = arith.andi %parallel_loop3A_350, %parallel_loop3A_352 : vector<16xi32>
        %parallel_loop3A_354 = tpu.vector_load_idx %arg13[%add3A_296, %parallel_loop3A_353] : memref<64x128xf32, #tpu.memory_space<vmem>>[vector<16xi32>, vector<16xi32>], vector<16xf32>,
        %parallel_loop3A_355 = tpu.vector_load_idx %arg11[%add3A_296, %parallel_loop3A_353] : memref<64x128xf32, #tpu.memory_space<vmem>>[vector<16xi32>, vector<16xi32>], vector<16xf32>,
        %parallel_loop3A_356 = tpu.vector_load_idx %arg12[%add3A_296, %parallel_loop3A_353] : memref<64x128xf32, #tpu.memory_space<vmem>>[vector<16xi32>, vector<16xi32>], vector<16xf32>,
        %parallel_loop3A_357 = arith.subf %parallel_loop3A_354, %parallel_loop3A_355 : vector<16xf32>
        %parallel_loop3A_358 = arith.subf %parallel_loop3A_357, %parallel_loop3A_356 : vector<16xf32>
        %parallel_loop3A_359 = arith.mulf %parallel_loop3A_358, %parallel_loop3A_358 : vector<16xf32>
        %parallel_loop3A_360 = arith.addf %parallel_loop3A_332, %parallel_loop3A_359 : vector<16xf32>
        %parallel_loop3A_361 = arith.constant 2 : i32
        %parallel_loop3A_362 = vector.broadcast %parallel_loop3A_361 : i32 to vector<16xi32>
        %parallel_loop3A_363 = arith.addi %parallel_loop3A_330, %parallel_loop3A_362 : vector<16xi32>
        %parallel_loop3A_364 = arith.constant 127 : i32
        %parallel_loop3A_365 = vector.broadcast %parallel_loop3A_364 : i32 to vector<16xi32>
        %parallel_loop3A_366 = arith.andi %parallel_loop3A_363, %parallel_loop3A_365 : vector<16xi32>
        %parallel_loop3A_367 = tpu.vector_load_idx %arg13[%add3A_296, %parallel_loop3A_366] : memref<64x128xf32, #tpu.memory_space<vmem>>[vector<16xi32>, vector<16xi32>], vector<16xf32>,
        %parallel_loop3A_368 = tpu.vector_load_idx %arg11[%add3A_296, %parallel_loop3A_366] : memref<64x128xf32, #tpu.memory_space<vmem>>[vector<16xi32>, vector<16xi32>], vector<16xf32>,
        %parallel_loop3A_369 = tpu.vector_load_idx %arg12[%add3A_296, %parallel_loop3A_366] : memref<64x128xf32, #tpu.memory_space<vmem>>[vector<16xi32>, vector<16xi32>], vector<16xf32>,
        %parallel_loop3A_370 = arith.subf %parallel_loop3A_367, %parallel_loop3A_368 : vector<16xf32>
        %parallel_loop3A_371 = arith.subf %parallel_loop3A_370, %parallel_loop3A_369 : vector<16xf32>
        %parallel_loop3A_372 = arith.mulf %parallel_loop3A_371, %parallel_loop3A_371 : vector<16xf32>
        %parallel_loop3A_373 = arith.addf %parallel_loop3A_333, %parallel_loop3A_372 : vector<16xf32>
        %parallel_loop3A_374 = arith.constant 3 : i32
        %parallel_loop3A_375 = vector.broadcast %parallel_loop3A_374 : i32 to vector<16xi32>
        %parallel_loop3A_376 = arith.addi %parallel_loop3A_330, %parallel_loop3A_375 : vector<16xi32>
        %parallel_loop3A_377 = arith.constant 127 : i32
        %parallel_loop3A_378 = vector.broadcast %parallel_loop3A_377 : i32 to vector<16xi32>
        %parallel_loop3A_379 = arith.andi %parallel_loop3A_376, %parallel_loop3A_378 : vector<16xi32>
        %parallel_loop3A_380 = tpu.vector_load_idx %arg13[%add3A_296, %parallel_loop3A_379] : memref<64x128xf32, #tpu.memory_space<vmem>>[vector<16xi32>, vector<16xi32>], vector<16xf32>,
        %parallel_loop3A_381 = tpu.vector_load_idx %arg11[%add3A_296, %parallel_loop3A_379] : memref<64x128xf32, #tpu.memory_space<vmem>>[vector<16xi32>, vector<16xi32>], vector<16xf32>,
        %parallel_loop3A_382 = tpu.vector_load_idx %arg12[%add3A_296, %parallel_loop3A_379] : memref<64x128xf32, #tpu.memory_space<vmem>>[vector<16xi32>, vector<16xi32>], vector<16xf32>,
        %parallel_loop3A_383 = arith.subf %parallel_loop3A_380, %parallel_loop3A_381 : vector<16xf32>
        %parallel_loop3A_384 = arith.subf %parallel_loop3A_383, %parallel_loop3A_382 : vector<16xf32>
        %parallel_loop3A_385 = arith.mulf %parallel_loop3A_384, %parallel_loop3A_384 : vector<16xf32>
        %parallel_loop3A_386 = arith.addf %parallel_loop3A_334, %parallel_loop3A_385 : vector<16xf32>
        %parallel_loop3A_387 = arith.constant 4 : i32
        %parallel_loop3A_388 = vector.broadcast %parallel_loop3A_387 : i32 to vector<16xi32>
        %parallel_loop3A_389 = arith.addi %parallel_loop3A_330, %parallel_loop3A_388 : vector<16xi32>
        %parallel_loop3A_390 = arith.constant 127 : i32
        %parallel_loop3A_391 = vector.broadcast %parallel_loop3A_390 : i32 to vector<16xi32>
        %parallel_loop3A_392 = arith.andi %parallel_loop3A_389, %parallel_loop3A_391 : vector<16xi32>
        %parallel_loop3A_393 = tpu.vector_load_idx %arg13[%add3A_296, %parallel_loop3A_392] : memref<64x128xf32, #tpu.memory_space<vmem>>[vector<16xi32>, vector<16xi32>], vector<16xf32>,
        %parallel_loop3A_394 = tpu.vector_load_idx %arg11[%add3A_296, %parallel_loop3A_392] : memref<64x128xf32, #tpu.memory_space<vmem>>[vector<16xi32>, vector<16xi32>], vector<16xf32>,
        %parallel_loop3A_395 = tpu.vector_load_idx %arg12[%add3A_296, %parallel_loop3A_392] : memref<64x128xf32, #tpu.memory_space<vmem>>[vector<16xi32>, vector<16xi32>], vector<16xf32>,
        %parallel_loop3A_396 = arith.subf %parallel_loop3A_393, %parallel_loop3A_394 : vector<16xf32>
        %parallel_loop3A_397 = arith.subf %parallel_loop3A_396, %parallel_loop3A_395 : vector<16xf32>
        %parallel_loop3A_398 = arith.mulf %parallel_loop3A_397, %parallel_loop3A_397 : vector<16xf32>
        %parallel_loop3A_399 = arith.addf %parallel_loop3A_347, %parallel_loop3A_398 : vector<16xf32>
        %parallel_loop3A_400 = arith.constant 5 : i32
        %parallel_loop3A_401 = vector.broadcast %parallel_loop3A_400 : i32 to vector<16xi32>
        %parallel_loop3A_402 = arith.addi %parallel_loop3A_330, %parallel_loop3A_401 : vector<16xi32>
        %parallel_loop3A_403 = arith.constant 127 : i32
        %parallel_loop3A_404 = vector.broadcast %parallel_loop3A_403 : i32 to vector<16xi32>
        %parallel_loop3A_405 = arith.andi %parallel_loop3A_402, %parallel_loop3A_404 : vector<16xi32>
        %parallel_loop3A_406 = tpu.vector_load_idx %arg13[%add3A_296, %parallel_loop3A_405] : memref<64x128xf32, #tpu.memory_space<vmem>>[vector<16xi32>, vector<16xi32>], vector<16xf32>,
        %parallel_loop3A_407 = tpu.vector_load_idx %arg11[%add3A_296, %parallel_loop3A_405] : memref<64x128xf32, #tpu.memory_space<vmem>>[vector<16xi32>, vector<16xi32>], vector<16xf32>,
        %parallel_loop3A_408 = tpu.vector_load_idx %arg12[%add3A_296, %parallel_loop3A_405] : memref<64x128xf32, #tpu.memory_space<vmem>>[vector<16xi32>, vector<16xi32>], vector<16xf32>,
        %parallel_loop3A_409 = arith.subf %parallel_loop3A_406, %parallel_loop3A_407 : vector<16xf32>
        %parallel_loop3A_410 = arith.subf %parallel_loop3A_409, %parallel_loop3A_408 : vector<16xf32>
        %parallel_loop3A_411 = arith.mulf %parallel_loop3A_410, %parallel_loop3A_410 : vector<16xf32>
        %parallel_loop3A_412 = arith.addf %parallel_loop3A_360, %parallel_loop3A_411 : vector<16xf32>
        %parallel_loop3A_413 = arith.constant 6 : i32
        %parallel_loop3A_414 = vector.broadcast %parallel_loop3A_413 : i32 to vector<16xi32>
        %parallel_loop3A_415 = arith.addi %parallel_loop3A_330, %parallel_loop3A_414 : vector<16xi32>
        %parallel_loop3A_416 = arith.constant 127 : i32
        %parallel_loop3A_417 = vector.broadcast %parallel_loop3A_416 : i32 to vector<16xi32>
        %parallel_loop3A_418 = arith.andi %parallel_loop3A_415, %parallel_loop3A_417 : vector<16xi32>
        %parallel_loop3A_419 = tpu.vector_load_idx %arg13[%add3A_296, %parallel_loop3A_418] : memref<64x128xf32, #tpu.memory_space<vmem>>[vector<16xi32>, vector<16xi32>], vector<16xf32>,
        %parallel_loop3A_420 = tpu.vector_load_idx %arg11[%add3A_296, %parallel_loop3A_418] : memref<64x128xf32, #tpu.memory_space<vmem>>[vector<16xi32>, vector<16xi32>], vector<16xf32>,
        %parallel_loop3A_421 = tpu.vector_load_idx %arg12[%add3A_296, %parallel_loop3A_418] : memref<64x128xf32, #tpu.memory_space<vmem>>[vector<16xi32>, vector<16xi32>], vector<16xf32>,
        %parallel_loop3A_422 = arith.subf %parallel_loop3A_419, %parallel_loop3A_420 : vector<16xf32>
        %parallel_loop3A_423 = arith.subf %parallel_loop3A_422, %parallel_loop3A_421 : vector<16xf32>
        %parallel_loop3A_424 = arith.mulf %parallel_loop3A_423, %parallel_loop3A_423 : vector<16xf32>
        %parallel_loop3A_425 = arith.addf %parallel_loop3A_373, %parallel_loop3A_424 : vector<16xf32>
        %parallel_loop3A_426 = arith.constant 7 : i32
        %parallel_loop3A_427 = vector.broadcast %parallel_loop3A_426 : i32 to vector<16xi32>
        %parallel_loop3A_428 = arith.addi %parallel_loop3A_330, %parallel_loop3A_427 : vector<16xi32>
        %parallel_loop3A_429 = arith.constant 127 : i32
        %parallel_loop3A_430 = vector.broadcast %parallel_loop3A_429 : i32 to vector<16xi32>
        %parallel_loop3A_431 = arith.andi %parallel_loop3A_428, %parallel_loop3A_430 : vector<16xi32>
        %parallel_loop3A_432 = tpu.vector_load_idx %arg13[%add3A_296, %parallel_loop3A_431] : memref<64x128xf32, #tpu.memory_space<vmem>>[vector<16xi32>, vector<16xi32>], vector<16xf32>,
        %parallel_loop3A_433 = tpu.vector_load_idx %arg11[%add3A_296, %parallel_loop3A_431] : memref<64x128xf32, #tpu.memory_space<vmem>>[vector<16xi32>, vector<16xi32>], vector<16xf32>,
        %parallel_loop3A_434 = tpu.vector_load_idx %arg12[%add3A_296, %parallel_loop3A_431] : memref<64x128xf32, #tpu.memory_space<vmem>>[vector<16xi32>, vector<16xi32>], vector<16xf32>,
        %parallel_loop3A_435 = arith.subf %parallel_loop3A_432, %parallel_loop3A_433 : vector<16xf32>
        %parallel_loop3A_436 = arith.subf %parallel_loop3A_435, %parallel_loop3A_434 : vector<16xf32>
        %parallel_loop3A_437 = arith.mulf %parallel_loop3A_436, %parallel_loop3A_436 : vector<16xf32>
        %parallel_loop3A_438 = arith.addf %parallel_loop3A_386, %parallel_loop3A_437 : vector<16xf32>
        %parallel_loop3A_439 = arith.constant 8 : i32
        %parallel_loop3A_440 = vector.broadcast %parallel_loop3A_439 : i32 to vector<16xi32>
        %parallel_loop3A_441 = arith.addi %parallel_loop3A_330, %parallel_loop3A_440 : vector<16xi32>
        scf.yield %parallel_loop3A_441, %parallel_loop3A_399, %parallel_loop3A_412, %parallel_loop3A_425, %parallel_loop3A_438 : vector<16xi32>, vector<16xf32>, vector<16xf32>, vector<16xf32>, vector<16xf32>
      } {sc.loop_unroll_factor = 1 : i64, sc.parallel_access}
      %add3A_301 = arith.addf %parallel_loop3A_300#1, %parallel_loop3A_300#2 : vector<16xf32>
      %add3A_302 = arith.addf %parallel_loop3A_300#3, %parallel_loop3A_300#4 : vector<16xf32>
      %add3A_303 = arith.addf %add3A_301, %add3A_302 : vector<16xf32>
      %bitcast_convert_type3A = tpu.bitcast %add3A_303 : vector<16xf32> -> vector<16xi32>
      %shift_right_arithmetic3A = arith.constant 1 : i32
      %shift_right_arithmetic3A_304 = vector.broadcast %shift_right_arithmetic3A : i32 to vector<16xi32>
      %shift_right_arithmetic3A_305 = arith.shrsi %bitcast_convert_type3A, %shift_right_arithmetic3A_304 : vector<16xi32>
      %add3A_306 = arith.constant 532487669 : i32
      %add3A_307 = vector.broadcast %add3A_306 : i32 to vector<16xi32>
      %add3A_308 = arith.addi %add3A_307, %shift_right_arithmetic3A_305 : vector<16xi32>
      %bitcast_convert_type3A_309 = tpu.bitcast %add3A_308 : vector<16xi32> -> vector<16xf32>
      %div3A = arith.divf %add3A_303, %bitcast_convert_type3A_309 : vector<16xf32>
      %add3A_310 = arith.addf %bitcast_convert_type3A_309, %div3A : vector<16xf32>
      %mul3A_311 = arith.constant 5.000000e-01 : f32
      %mul3A_312 = vector.broadcast %mul3A_311 : f32 to vector<16xf32>
      %mul3A_313 = arith.mulf %mul3A_312, %add3A_310 : vector<16xf32>
      %div3A_314 = arith.divf %add3A_303, %mul3A_313 : vector<16xf32>
      %add3A_315 = arith.addf %mul3A_313, %div3A_314 : vector<16xf32>
      %mul3A_316 = arith.constant 5.000000e-01 : f32
      %mul3A_317 = vector.broadcast %mul3A_316 : f32 to vector<16xf32>
      %mul3A_318 = arith.mulf %mul3A_317, %add3A_315 : vector<16xf32>
      %div3A_319 = arith.divf %add3A_303, %mul3A_318 : vector<16xf32>
      %add3A_320 = arith.addf %mul3A_318, %div3A_319 : vector<16xf32>
      %mul3A_321 = arith.constant 5.000000e-01 : f32
      %mul3A_322 = vector.broadcast %mul3A_321 : f32 to vector<16xf32>
      %mul3A_323 = arith.mulf %mul3A_322, %add3A_320 : vector<16xf32>
      %mul3A_324 = arith.constant 16 : i32
      %mul3A_325 = arith.muli %scan3A_292, %mul3A_324 : i32
      %add3A_326 = arith.constant 0 : i32
      %add3A_327 = arith.addi %add3A_326, %mul3A_325 : i32
      %swap3A = arith.index_cast %add3A_327 : i32 to index
      %swap3A_328 = tpu.vector_load %arg20[%swap3A] {strides = array<i32>} : memref<512xf32, #tpu.memory_space<vmem>>, vector<16xf32>,
      tpu.vector_store %arg20[%swap3A], %mul3A_323 {strides = array<i32>} : memref<512xf32, #tpu.memory_space<vmem>>, vector<16xf32>,
    }
    %scan3A_76 = arith.constant 4 : i32
    %dma_start3A_77 = arith.constant 192 : i32
    %dma_start3A_78 = tpu.memref_slice %arg8[%dma_start3A_77] : memref<512xi32, #tpu.memory_space<vmem>> -> memref<64xi32, #tpu.memory_space<vmem>>
    %dma_start3A_79 = arith.constant 0 : i32
    %dma_start3A_80 = arith.constant 0 : i32
    %dma_start3A_81 = tpu.memref_slice %arg5[%dma_start3A_79, %dma_start3A_80] : memref<100000x128xf32, #tpu.memory_space<hbm>> -> memref<100000x128xf32, #tpu.memory_space<hbm>>
    tpu.enqueue_indirect_dma source(%dma_start3A_81 : memref<100000x128xf32, #tpu.memory_space<hbm>>) target(%arg11 : memref<64x128xf32, #tpu.memory_space<vmem>>) offsets(%dma_start3A_78 : memref<64xi32, #tpu.memory_space<vmem>>) semaphore(%arg21 : memref<!tpu.dma_semaphore, #tpu.memory_space<semaphore_mem>>)
    %dma_start3A_82 = arith.constant 192 : i32
    %dma_start3A_83 = tpu.memref_slice %arg9[%dma_start3A_82] : memref<512xi32, #tpu.memory_space<vmem>> -> memref<64xi32, #tpu.memory_space<vmem>>
    %dma_start3A_84 = arith.constant 0 : i32
    %dma_start3A_85 = arith.constant 0 : i32
    %dma_start3A_86 = tpu.memref_slice %arg6[%dma_start3A_84, %dma_start3A_85] : memref<1000x128xf32, #tpu.memory_space<hbm>> -> memref<1000x128xf32, #tpu.memory_space<hbm>>
    tpu.enqueue_indirect_dma source(%dma_start3A_86 : memref<1000x128xf32, #tpu.memory_space<hbm>>) target(%arg12 : memref<64x128xf32, #tpu.memory_space<vmem>>) offsets(%dma_start3A_83 : memref<64xi32, #tpu.memory_space<vmem>>) semaphore(%arg21 : memref<!tpu.dma_semaphore, #tpu.memory_space<semaphore_mem>>)
    %dma_start3A_87 = arith.constant 192 : i32
    %dma_start3A_88 = tpu.memref_slice %arg10[%dma_start3A_87] : memref<512xi32, #tpu.memory_space<vmem>> -> memref<64xi32, #tpu.memory_space<vmem>>
    %dma_start3A_89 = arith.constant 0 : i32
    %dma_start3A_90 = arith.constant 0 : i32
    %dma_start3A_91 = tpu.memref_slice %arg5[%dma_start3A_89, %dma_start3A_90] : memref<100000x128xf32, #tpu.memory_space<hbm>> -> memref<100000x128xf32, #tpu.memory_space<hbm>>
    tpu.enqueue_indirect_dma source(%dma_start3A_91 : memref<100000x128xf32, #tpu.memory_space<hbm>>) target(%arg13 : memref<64x128xf32, #tpu.memory_space<vmem>>) offsets(%dma_start3A_88 : memref<64xi32, #tpu.memory_space<vmem>>) semaphore(%arg21 : memref<!tpu.dma_semaphore, #tpu.memory_space<semaphore_mem>>)
    %dma_wait3A_92 = arith.constant 64 : i32
    %dma_wait3A_93 = tpu.memref_slice %arg8[%dma_wait3A_92] : memref<512xi32, #tpu.memory_space<vmem>> -> memref<64xi32, #tpu.memory_space<vmem>>
    %dma_wait3A_94 = arith.constant 0 : i32
    %dma_wait3A_95 = arith.constant 0 : i32
    %dma_wait3A_96 = tpu.memref_slice %arg5[%dma_wait3A_94, %dma_wait3A_95] : memref<100000x128xf32, #tpu.memory_space<hbm>> -> memref<100000x128xf32, #tpu.memory_space<hbm>>
    tpu.wait_indirect_dma semaphore(%arg22 : memref<!tpu.dma_semaphore, #tpu.memory_space<semaphore_mem>>) src(%dma_wait3A_96 : memref<100000x128xf32, #tpu.memory_space<hbm>>) dst(%arg14 : memref<64x128xf32, #tpu.memory_space<vmem>>)
    %dma_wait3A_97 = arith.constant 64 : i32
    %dma_wait3A_98 = tpu.memref_slice %arg9[%dma_wait3A_97] : memref<512xi32, #tpu.memory_space<vmem>> -> memref<64xi32, #tpu.memory_space<vmem>>
    %dma_wait3A_99 = arith.constant 0 : i32
    %dma_wait3A_100 = arith.constant 0 : i32
    %dma_wait3A_101 = tpu.memref_slice %arg6[%dma_wait3A_99, %dma_wait3A_100] : memref<1000x128xf32, #tpu.memory_space<hbm>> -> memref<1000x128xf32, #tpu.memory_space<hbm>>
    tpu.wait_indirect_dma semaphore(%arg22 : memref<!tpu.dma_semaphore, #tpu.memory_space<semaphore_mem>>) src(%dma_wait3A_101 : memref<1000x128xf32, #tpu.memory_space<hbm>>) dst(%arg15 : memref<64x128xf32, #tpu.memory_space<vmem>>)
    %dma_wait3A_102 = arith.constant 64 : i32
    %dma_wait3A_103 = tpu.memref_slice %arg10[%dma_wait3A_102] : memref<512xi32, #tpu.memory_space<vmem>> -> memref<64xi32, #tpu.memory_space<vmem>>
    %dma_wait3A_104 = arith.constant 0 : i32
    %dma_wait3A_105 = arith.constant 0 : i32
    %dma_wait3A_106 = tpu.memref_slice %arg5[%dma_wait3A_104, %dma_wait3A_105] : memref<100000x128xf32, #tpu.memory_space<hbm>> -> memref<100000x128xf32, #tpu.memory_space<hbm>>
    tpu.wait_indirect_dma semaphore(%arg22 : memref<!tpu.dma_semaphore, #tpu.memory_space<semaphore_mem>>) src(%dma_wait3A_106 : memref<100000x128xf32, #tpu.memory_space<hbm>>) dst(%arg16 : memref<64x128xf32, #tpu.memory_space<vmem>>)
    %scan3A_107 = arith.constant 0 : i32
    %scan3A_108 = arith.constant 4 : i32
    %scan3A_109 = arith.addi %scan3A_107, %scan3A_108 : i32
    %scan3A_110 = arith.constant 1 : i32
    scf.for %scan3A_292 = %scan3A_107 to %scan3A_109 step %scan3A_110  : i32 {
      %mul3A_293 = arith.constant 16 : i32
      %mul3A_294 = arith.muli %scan3A_292, %mul3A_293 : i32
      %add3A_295 = vector.broadcast %mul3A_294 : i32 to vector<16xi32>
      %add3A_296 = arith.addi %iota3A, %add3A_295 : vector<16xi32>
      %broadcast_in_dim3A = arith.constant 0.000000e+00 : f32
      %broadcast_in_dim3A_297 = vector.broadcast %broadcast_in_dim3A : f32 to vector<16xf32>
      %parallel_loop3A = arith.constant 0 : i32
      %parallel_loop3A_298 = arith.constant 16 : i32
      %parallel_loop3A_299 = arith.constant 1 : i32
      %parallel_loop3A_300:5 = scf.for %parallel_loop3A_329 = %parallel_loop3A to %parallel_loop3A_298 step %parallel_loop3A_299 iter_args(%parallel_loop3A_330 = %iota3A, %parallel_loop3A_331 = %broadcast_in_dim3A_297, %parallel_loop3A_332 = %broadcast_in_dim3A_297, %parallel_loop3A_333 = %broadcast_in_dim3A_297, %parallel_loop3A_334 = %broadcast_in_dim3A_297) -> (vector<16xi32>, vector<16xf32>, vector<16xf32>, vector<16xf32>, vector<16xf32>)  : i32 {
        %parallel_loop3A_335 = arith.constant 0 : i32
        %parallel_loop3A_336 = vector.broadcast %parallel_loop3A_335 : i32 to vector<16xi32>
        %parallel_loop3A_337 = arith.addi %parallel_loop3A_330, %parallel_loop3A_336 : vector<16xi32>
        %parallel_loop3A_338 = arith.constant 127 : i32
        %parallel_loop3A_339 = vector.broadcast %parallel_loop3A_338 : i32 to vector<16xi32>
        %parallel_loop3A_340 = arith.andi %parallel_loop3A_337, %parallel_loop3A_339 : vector<16xi32>
        %parallel_loop3A_341 = tpu.vector_load_idx %arg16[%add3A_296, %parallel_loop3A_340] : memref<64x128xf32, #tpu.memory_space<vmem>>[vector<16xi32>, vector<16xi32>], vector<16xf32>,
        %parallel_loop3A_342 = tpu.vector_load_idx %arg14[%add3A_296, %parallel_loop3A_340] : memref<64x128xf32, #tpu.memory_space<vmem>>[vector<16xi32>, vector<16xi32>], vector<16xf32>,
        %parallel_loop3A_343 = tpu.vector_load_idx %arg15[%add3A_296, %parallel_loop3A_340] : memref<64x128xf32, #tpu.memory_space<vmem>>[vector<16xi32>, vector<16xi32>], vector<16xf32>,
        %parallel_loop3A_344 = arith.subf %parallel_loop3A_341, %parallel_loop3A_342 : vector<16xf32>
        %parallel_loop3A_345 = arith.subf %parallel_loop3A_344, %parallel_loop3A_343 : vector<16xf32>
        %parallel_loop3A_346 = arith.mulf %parallel_loop3A_345, %parallel_loop3A_345 : vector<16xf32>
        %parallel_loop3A_347 = arith.addf %parallel_loop3A_331, %parallel_loop3A_346 : vector<16xf32>
        %parallel_loop3A_348 = arith.constant 1 : i32
        %parallel_loop3A_349 = vector.broadcast %parallel_loop3A_348 : i32 to vector<16xi32>
        %parallel_loop3A_350 = arith.addi %parallel_loop3A_330, %parallel_loop3A_349 : vector<16xi32>
        %parallel_loop3A_351 = arith.constant 127 : i32
        %parallel_loop3A_352 = vector.broadcast %parallel_loop3A_351 : i32 to vector<16xi32>
        %parallel_loop3A_353 = arith.andi %parallel_loop3A_350, %parallel_loop3A_352 : vector<16xi32>
        %parallel_loop3A_354 = tpu.vector_load_idx %arg16[%add3A_296, %parallel_loop3A_353] : memref<64x128xf32, #tpu.memory_space<vmem>>[vector<16xi32>, vector<16xi32>], vector<16xf32>,
        %parallel_loop3A_355 = tpu.vector_load_idx %arg14[%add3A_296, %parallel_loop3A_353] : memref<64x128xf32, #tpu.memory_space<vmem>>[vector<16xi32>, vector<16xi32>], vector<16xf32>,
        %parallel_loop3A_356 = tpu.vector_load_idx %arg15[%add3A_296, %parallel_loop3A_353] : memref<64x128xf32, #tpu.memory_space<vmem>>[vector<16xi32>, vector<16xi32>], vector<16xf32>,
        %parallel_loop3A_357 = arith.subf %parallel_loop3A_354, %parallel_loop3A_355 : vector<16xf32>
        %parallel_loop3A_358 = arith.subf %parallel_loop3A_357, %parallel_loop3A_356 : vector<16xf32>
        %parallel_loop3A_359 = arith.mulf %parallel_loop3A_358, %parallel_loop3A_358 : vector<16xf32>
        %parallel_loop3A_360 = arith.addf %parallel_loop3A_332, %parallel_loop3A_359 : vector<16xf32>
        %parallel_loop3A_361 = arith.constant 2 : i32
        %parallel_loop3A_362 = vector.broadcast %parallel_loop3A_361 : i32 to vector<16xi32>
        %parallel_loop3A_363 = arith.addi %parallel_loop3A_330, %parallel_loop3A_362 : vector<16xi32>
        %parallel_loop3A_364 = arith.constant 127 : i32
        %parallel_loop3A_365 = vector.broadcast %parallel_loop3A_364 : i32 to vector<16xi32>
        %parallel_loop3A_366 = arith.andi %parallel_loop3A_363, %parallel_loop3A_365 : vector<16xi32>
        %parallel_loop3A_367 = tpu.vector_load_idx %arg16[%add3A_296, %parallel_loop3A_366] : memref<64x128xf32, #tpu.memory_space<vmem>>[vector<16xi32>, vector<16xi32>], vector<16xf32>,
        %parallel_loop3A_368 = tpu.vector_load_idx %arg14[%add3A_296, %parallel_loop3A_366] : memref<64x128xf32, #tpu.memory_space<vmem>>[vector<16xi32>, vector<16xi32>], vector<16xf32>,
        %parallel_loop3A_369 = tpu.vector_load_idx %arg15[%add3A_296, %parallel_loop3A_366] : memref<64x128xf32, #tpu.memory_space<vmem>>[vector<16xi32>, vector<16xi32>], vector<16xf32>,
        %parallel_loop3A_370 = arith.subf %parallel_loop3A_367, %parallel_loop3A_368 : vector<16xf32>
        %parallel_loop3A_371 = arith.subf %parallel_loop3A_370, %parallel_loop3A_369 : vector<16xf32>
        %parallel_loop3A_372 = arith.mulf %parallel_loop3A_371, %parallel_loop3A_371 : vector<16xf32>
        %parallel_loop3A_373 = arith.addf %parallel_loop3A_333, %parallel_loop3A_372 : vector<16xf32>
        %parallel_loop3A_374 = arith.constant 3 : i32
        %parallel_loop3A_375 = vector.broadcast %parallel_loop3A_374 : i32 to vector<16xi32>
        %parallel_loop3A_376 = arith.addi %parallel_loop3A_330, %parallel_loop3A_375 : vector<16xi32>
        %parallel_loop3A_377 = arith.constant 127 : i32
        %parallel_loop3A_378 = vector.broadcast %parallel_loop3A_377 : i32 to vector<16xi32>
        %parallel_loop3A_379 = arith.andi %parallel_loop3A_376, %parallel_loop3A_378 : vector<16xi32>
        %parallel_loop3A_380 = tpu.vector_load_idx %arg16[%add3A_296, %parallel_loop3A_379] : memref<64x128xf32, #tpu.memory_space<vmem>>[vector<16xi32>, vector<16xi32>], vector<16xf32>,
        %parallel_loop3A_381 = tpu.vector_load_idx %arg14[%add3A_296, %parallel_loop3A_379] : memref<64x128xf32, #tpu.memory_space<vmem>>[vector<16xi32>, vector<16xi32>], vector<16xf32>,
        %parallel_loop3A_382 = tpu.vector_load_idx %arg15[%add3A_296, %parallel_loop3A_379] : memref<64x128xf32, #tpu.memory_space<vmem>>[vector<16xi32>, vector<16xi32>], vector<16xf32>,
        %parallel_loop3A_383 = arith.subf %parallel_loop3A_380, %parallel_loop3A_381 : vector<16xf32>
        %parallel_loop3A_384 = arith.subf %parallel_loop3A_383, %parallel_loop3A_382 : vector<16xf32>
        %parallel_loop3A_385 = arith.mulf %parallel_loop3A_384, %parallel_loop3A_384 : vector<16xf32>
        %parallel_loop3A_386 = arith.addf %parallel_loop3A_334, %parallel_loop3A_385 : vector<16xf32>
        %parallel_loop3A_387 = arith.constant 4 : i32
        %parallel_loop3A_388 = vector.broadcast %parallel_loop3A_387 : i32 to vector<16xi32>
        %parallel_loop3A_389 = arith.addi %parallel_loop3A_330, %parallel_loop3A_388 : vector<16xi32>
        %parallel_loop3A_390 = arith.constant 127 : i32
        %parallel_loop3A_391 = vector.broadcast %parallel_loop3A_390 : i32 to vector<16xi32>
        %parallel_loop3A_392 = arith.andi %parallel_loop3A_389, %parallel_loop3A_391 : vector<16xi32>
        %parallel_loop3A_393 = tpu.vector_load_idx %arg16[%add3A_296, %parallel_loop3A_392] : memref<64x128xf32, #tpu.memory_space<vmem>>[vector<16xi32>, vector<16xi32>], vector<16xf32>,
        %parallel_loop3A_394 = tpu.vector_load_idx %arg14[%add3A_296, %parallel_loop3A_392] : memref<64x128xf32, #tpu.memory_space<vmem>>[vector<16xi32>, vector<16xi32>], vector<16xf32>,
        %parallel_loop3A_395 = tpu.vector_load_idx %arg15[%add3A_296, %parallel_loop3A_392] : memref<64x128xf32, #tpu.memory_space<vmem>>[vector<16xi32>, vector<16xi32>], vector<16xf32>,
        %parallel_loop3A_396 = arith.subf %parallel_loop3A_393, %parallel_loop3A_394 : vector<16xf32>
        %parallel_loop3A_397 = arith.subf %parallel_loop3A_396, %parallel_loop3A_395 : vector<16xf32>
        %parallel_loop3A_398 = arith.mulf %parallel_loop3A_397, %parallel_loop3A_397 : vector<16xf32>
        %parallel_loop3A_399 = arith.addf %parallel_loop3A_347, %parallel_loop3A_398 : vector<16xf32>
        %parallel_loop3A_400 = arith.constant 5 : i32
        %parallel_loop3A_401 = vector.broadcast %parallel_loop3A_400 : i32 to vector<16xi32>
        %parallel_loop3A_402 = arith.addi %parallel_loop3A_330, %parallel_loop3A_401 : vector<16xi32>
        %parallel_loop3A_403 = arith.constant 127 : i32
        %parallel_loop3A_404 = vector.broadcast %parallel_loop3A_403 : i32 to vector<16xi32>
        %parallel_loop3A_405 = arith.andi %parallel_loop3A_402, %parallel_loop3A_404 : vector<16xi32>
        %parallel_loop3A_406 = tpu.vector_load_idx %arg16[%add3A_296, %parallel_loop3A_405] : memref<64x128xf32, #tpu.memory_space<vmem>>[vector<16xi32>, vector<16xi32>], vector<16xf32>,
        %parallel_loop3A_407 = tpu.vector_load_idx %arg14[%add3A_296, %parallel_loop3A_405] : memref<64x128xf32, #tpu.memory_space<vmem>>[vector<16xi32>, vector<16xi32>], vector<16xf32>,
        %parallel_loop3A_408 = tpu.vector_load_idx %arg15[%add3A_296, %parallel_loop3A_405] : memref<64x128xf32, #tpu.memory_space<vmem>>[vector<16xi32>, vector<16xi32>], vector<16xf32>,
        %parallel_loop3A_409 = arith.subf %parallel_loop3A_406, %parallel_loop3A_407 : vector<16xf32>
        %parallel_loop3A_410 = arith.subf %parallel_loop3A_409, %parallel_loop3A_408 : vector<16xf32>
        %parallel_loop3A_411 = arith.mulf %parallel_loop3A_410, %parallel_loop3A_410 : vector<16xf32>
        %parallel_loop3A_412 = arith.addf %parallel_loop3A_360, %parallel_loop3A_411 : vector<16xf32>
        %parallel_loop3A_413 = arith.constant 6 : i32
        %parallel_loop3A_414 = vector.broadcast %parallel_loop3A_413 : i32 to vector<16xi32>
        %parallel_loop3A_415 = arith.addi %parallel_loop3A_330, %parallel_loop3A_414 : vector<16xi32>
        %parallel_loop3A_416 = arith.constant 127 : i32
        %parallel_loop3A_417 = vector.broadcast %parallel_loop3A_416 : i32 to vector<16xi32>
        %parallel_loop3A_418 = arith.andi %parallel_loop3A_415, %parallel_loop3A_417 : vector<16xi32>
        %parallel_loop3A_419 = tpu.vector_load_idx %arg16[%add3A_296, %parallel_loop3A_418] : memref<64x128xf32, #tpu.memory_space<vmem>>[vector<16xi32>, vector<16xi32>], vector<16xf32>,
        %parallel_loop3A_420 = tpu.vector_load_idx %arg14[%add3A_296, %parallel_loop3A_418] : memref<64x128xf32, #tpu.memory_space<vmem>>[vector<16xi32>, vector<16xi32>], vector<16xf32>,
        %parallel_loop3A_421 = tpu.vector_load_idx %arg15[%add3A_296, %parallel_loop3A_418] : memref<64x128xf32, #tpu.memory_space<vmem>>[vector<16xi32>, vector<16xi32>], vector<16xf32>,
        %parallel_loop3A_422 = arith.subf %parallel_loop3A_419, %parallel_loop3A_420 : vector<16xf32>
        %parallel_loop3A_423 = arith.subf %parallel_loop3A_422, %parallel_loop3A_421 : vector<16xf32>
        %parallel_loop3A_424 = arith.mulf %parallel_loop3A_423, %parallel_loop3A_423 : vector<16xf32>
        %parallel_loop3A_425 = arith.addf %parallel_loop3A_373, %parallel_loop3A_424 : vector<16xf32>
        %parallel_loop3A_426 = arith.constant 7 : i32
        %parallel_loop3A_427 = vector.broadcast %parallel_loop3A_426 : i32 to vector<16xi32>
        %parallel_loop3A_428 = arith.addi %parallel_loop3A_330, %parallel_loop3A_427 : vector<16xi32>
        %parallel_loop3A_429 = arith.constant 127 : i32
        %parallel_loop3A_430 = vector.broadcast %parallel_loop3A_429 : i32 to vector<16xi32>
        %parallel_loop3A_431 = arith.andi %parallel_loop3A_428, %parallel_loop3A_430 : vector<16xi32>
        %parallel_loop3A_432 = tpu.vector_load_idx %arg16[%add3A_296, %parallel_loop3A_431] : memref<64x128xf32, #tpu.memory_space<vmem>>[vector<16xi32>, vector<16xi32>], vector<16xf32>,
        %parallel_loop3A_433 = tpu.vector_load_idx %arg14[%add3A_296, %parallel_loop3A_431] : memref<64x128xf32, #tpu.memory_space<vmem>>[vector<16xi32>, vector<16xi32>], vector<16xf32>,
        %parallel_loop3A_434 = tpu.vector_load_idx %arg15[%add3A_296, %parallel_loop3A_431] : memref<64x128xf32, #tpu.memory_space<vmem>>[vector<16xi32>, vector<16xi32>], vector<16xf32>,
        %parallel_loop3A_435 = arith.subf %parallel_loop3A_432, %parallel_loop3A_433 : vector<16xf32>
        %parallel_loop3A_436 = arith.subf %parallel_loop3A_435, %parallel_loop3A_434 : vector<16xf32>
        %parallel_loop3A_437 = arith.mulf %parallel_loop3A_436, %parallel_loop3A_436 : vector<16xf32>
        %parallel_loop3A_438 = arith.addf %parallel_loop3A_386, %parallel_loop3A_437 : vector<16xf32>
        %parallel_loop3A_439 = arith.constant 8 : i32
        %parallel_loop3A_440 = vector.broadcast %parallel_loop3A_439 : i32 to vector<16xi32>
        %parallel_loop3A_441 = arith.addi %parallel_loop3A_330, %parallel_loop3A_440 : vector<16xi32>
        scf.yield %parallel_loop3A_441, %parallel_loop3A_399, %parallel_loop3A_412, %parallel_loop3A_425, %parallel_loop3A_438 : vector<16xi32>, vector<16xf32>, vector<16xf32>, vector<16xf32>, vector<16xf32>
      } {sc.loop_unroll_factor = 1 : i64, sc.parallel_access}
      %add3A_301 = arith.addf %parallel_loop3A_300#1, %parallel_loop3A_300#2 : vector<16xf32>
      %add3A_302 = arith.addf %parallel_loop3A_300#3, %parallel_loop3A_300#4 : vector<16xf32>
      %add3A_303 = arith.addf %add3A_301, %add3A_302 : vector<16xf32>
      %bitcast_convert_type3A = tpu.bitcast %add3A_303 : vector<16xf32> -> vector<16xi32>
      %shift_right_arithmetic3A = arith.constant 1 : i32
      %shift_right_arithmetic3A_304 = vector.broadcast %shift_right_arithmetic3A : i32 to vector<16xi32>
      %shift_right_arithmetic3A_305 = arith.shrsi %bitcast_convert_type3A, %shift_right_arithmetic3A_304 : vector<16xi32>
      %add3A_306 = arith.constant 532487669 : i32
      %add3A_307 = vector.broadcast %add3A_306 : i32 to vector<16xi32>
      %add3A_308 = arith.addi %add3A_307, %shift_right_arithmetic3A_305 : vector<16xi32>
      %bitcast_convert_type3A_309 = tpu.bitcast %add3A_308 : vector<16xi32> -> vector<16xf32>
      %div3A = arith.divf %add3A_303, %bitcast_convert_type3A_309 : vector<16xf32>
      %add3A_310 = arith.addf %bitcast_convert_type3A_309, %div3A : vector<16xf32>
      %mul3A_311 = arith.constant 5.000000e-01 : f32
      %mul3A_312 = vector.broadcast %mul3A_311 : f32 to vector<16xf32>
      %mul3A_313 = arith.mulf %mul3A_312, %add3A_310 : vector<16xf32>
      %div3A_314 = arith.divf %add3A_303, %mul3A_313 : vector<16xf32>
      %add3A_315 = arith.addf %mul3A_313, %div3A_314 : vector<16xf32>
      %mul3A_316 = arith.constant 5.000000e-01 : f32
      %mul3A_317 = vector.broadcast %mul3A_316 : f32 to vector<16xf32>
      %mul3A_318 = arith.mulf %mul3A_317, %add3A_315 : vector<16xf32>
      %div3A_319 = arith.divf %add3A_303, %mul3A_318 : vector<16xf32>
      %add3A_320 = arith.addf %mul3A_318, %div3A_319 : vector<16xf32>
      %mul3A_321 = arith.constant 5.000000e-01 : f32
      %mul3A_322 = vector.broadcast %mul3A_321 : f32 to vector<16xf32>
      %mul3A_323 = arith.mulf %mul3A_322, %add3A_320 : vector<16xf32>
      %mul3A_324 = arith.constant 16 : i32
      %mul3A_325 = arith.muli %scan3A_292, %mul3A_324 : i32
      %add3A_326 = arith.constant 64 : i32
      %add3A_327 = arith.addi %add3A_326, %mul3A_325 : i32
      %swap3A = arith.index_cast %add3A_327 : i32 to index
      %swap3A_328 = tpu.vector_load %arg20[%swap3A] {strides = array<i32>} : memref<512xf32, #tpu.memory_space<vmem>>, vector<16xf32>,
      tpu.vector_store %arg20[%swap3A], %mul3A_323 {strides = array<i32>} : memref<512xf32, #tpu.memory_space<vmem>>, vector<16xf32>,
    }
    %scan3A_111 = arith.constant 4 : i32
    %dma_start3A_112 = arith.constant 256 : i32
    %dma_start3A_113 = tpu.memref_slice %arg8[%dma_start3A_112] : memref<512xi32, #tpu.memory_space<vmem>> -> memref<64xi32, #tpu.memory_space<vmem>>
    %dma_start3A_114 = arith.constant 0 : i32
    %dma_start3A_115 = arith.constant 0 : i32
    %dma_start3A_116 = tpu.memref_slice %arg5[%dma_start3A_114, %dma_start3A_115] : memref<100000x128xf32, #tpu.memory_space<hbm>> -> memref<100000x128xf32, #tpu.memory_space<hbm>>
    tpu.enqueue_indirect_dma source(%dma_start3A_116 : memref<100000x128xf32, #tpu.memory_space<hbm>>) target(%arg14 : memref<64x128xf32, #tpu.memory_space<vmem>>) offsets(%dma_start3A_113 : memref<64xi32, #tpu.memory_space<vmem>>) semaphore(%arg22 : memref<!tpu.dma_semaphore, #tpu.memory_space<semaphore_mem>>)
    %dma_start3A_117 = arith.constant 256 : i32
    %dma_start3A_118 = tpu.memref_slice %arg9[%dma_start3A_117] : memref<512xi32, #tpu.memory_space<vmem>> -> memref<64xi32, #tpu.memory_space<vmem>>
    %dma_start3A_119 = arith.constant 0 : i32
    %dma_start3A_120 = arith.constant 0 : i32
    %dma_start3A_121 = tpu.memref_slice %arg6[%dma_start3A_119, %dma_start3A_120] : memref<1000x128xf32, #tpu.memory_space<hbm>> -> memref<1000x128xf32, #tpu.memory_space<hbm>>
    tpu.enqueue_indirect_dma source(%dma_start3A_121 : memref<1000x128xf32, #tpu.memory_space<hbm>>) target(%arg15 : memref<64x128xf32, #tpu.memory_space<vmem>>) offsets(%dma_start3A_118 : memref<64xi32, #tpu.memory_space<vmem>>) semaphore(%arg22 : memref<!tpu.dma_semaphore, #tpu.memory_space<semaphore_mem>>)
    %dma_start3A_122 = arith.constant 256 : i32
    %dma_start3A_123 = tpu.memref_slice %arg10[%dma_start3A_122] : memref<512xi32, #tpu.memory_space<vmem>> -> memref<64xi32, #tpu.memory_space<vmem>>
    %dma_start3A_124 = arith.constant 0 : i32
    %dma_start3A_125 = arith.constant 0 : i32
    %dma_start3A_126 = tpu.memref_slice %arg5[%dma_start3A_124, %dma_start3A_125] : memref<100000x128xf32, #tpu.memory_space<hbm>> -> memref<100000x128xf32, #tpu.memory_space<hbm>>
    tpu.enqueue_indirect_dma source(%dma_start3A_126 : memref<100000x128xf32, #tpu.memory_space<hbm>>) target(%arg16 : memref<64x128xf32, #tpu.memory_space<vmem>>) offsets(%dma_start3A_123 : memref<64xi32, #tpu.memory_space<vmem>>) semaphore(%arg22 : memref<!tpu.dma_semaphore, #tpu.memory_space<semaphore_mem>>)
    %dma_wait3A_127 = arith.constant 128 : i32
    %dma_wait3A_128 = tpu.memref_slice %arg8[%dma_wait3A_127] : memref<512xi32, #tpu.memory_space<vmem>> -> memref<64xi32, #tpu.memory_space<vmem>>
    %dma_wait3A_129 = arith.constant 0 : i32
    %dma_wait3A_130 = arith.constant 0 : i32
    %dma_wait3A_131 = tpu.memref_slice %arg5[%dma_wait3A_129, %dma_wait3A_130] : memref<100000x128xf32, #tpu.memory_space<hbm>> -> memref<100000x128xf32, #tpu.memory_space<hbm>>
    tpu.wait_indirect_dma semaphore(%arg23 : memref<!tpu.dma_semaphore, #tpu.memory_space<semaphore_mem>>) src(%dma_wait3A_131 : memref<100000x128xf32, #tpu.memory_space<hbm>>) dst(%arg17 : memref<64x128xf32, #tpu.memory_space<vmem>>)
    %dma_wait3A_132 = arith.constant 128 : i32
    %dma_wait3A_133 = tpu.memref_slice %arg9[%dma_wait3A_132] : memref<512xi32, #tpu.memory_space<vmem>> -> memref<64xi32, #tpu.memory_space<vmem>>
    %dma_wait3A_134 = arith.constant 0 : i32
    %dma_wait3A_135 = arith.constant 0 : i32
    %dma_wait3A_136 = tpu.memref_slice %arg6[%dma_wait3A_134, %dma_wait3A_135] : memref<1000x128xf32, #tpu.memory_space<hbm>> -> memref<1000x128xf32, #tpu.memory_space<hbm>>
    tpu.wait_indirect_dma semaphore(%arg23 : memref<!tpu.dma_semaphore, #tpu.memory_space<semaphore_mem>>) src(%dma_wait3A_136 : memref<1000x128xf32, #tpu.memory_space<hbm>>) dst(%arg18 : memref<64x128xf32, #tpu.memory_space<vmem>>)
    %dma_wait3A_137 = arith.constant 128 : i32
    %dma_wait3A_138 = tpu.memref_slice %arg10[%dma_wait3A_137] : memref<512xi32, #tpu.memory_space<vmem>> -> memref<64xi32, #tpu.memory_space<vmem>>
    %dma_wait3A_139 = arith.constant 0 : i32
    %dma_wait3A_140 = arith.constant 0 : i32
    %dma_wait3A_141 = tpu.memref_slice %arg5[%dma_wait3A_139, %dma_wait3A_140] : memref<100000x128xf32, #tpu.memory_space<hbm>> -> memref<100000x128xf32, #tpu.memory_space<hbm>>
    tpu.wait_indirect_dma semaphore(%arg23 : memref<!tpu.dma_semaphore, #tpu.memory_space<semaphore_mem>>) src(%dma_wait3A_141 : memref<100000x128xf32, #tpu.memory_space<hbm>>) dst(%arg19 : memref<64x128xf32, #tpu.memory_space<vmem>>)
    %scan3A_142 = arith.constant 0 : i32
    %scan3A_143 = arith.constant 4 : i32
    %scan3A_144 = arith.addi %scan3A_142, %scan3A_143 : i32
    %scan3A_145 = arith.constant 1 : i32
    scf.for %scan3A_292 = %scan3A_142 to %scan3A_144 step %scan3A_145  : i32 {
      %mul3A_293 = arith.constant 16 : i32
      %mul3A_294 = arith.muli %scan3A_292, %mul3A_293 : i32
      %add3A_295 = vector.broadcast %mul3A_294 : i32 to vector<16xi32>
      %add3A_296 = arith.addi %iota3A, %add3A_295 : vector<16xi32>
      %broadcast_in_dim3A = arith.constant 0.000000e+00 : f32
      %broadcast_in_dim3A_297 = vector.broadcast %broadcast_in_dim3A : f32 to vector<16xf32>
      %parallel_loop3A = arith.constant 0 : i32
      %parallel_loop3A_298 = arith.constant 16 : i32
      %parallel_loop3A_299 = arith.constant 1 : i32
      %parallel_loop3A_300:5 = scf.for %parallel_loop3A_329 = %parallel_loop3A to %parallel_loop3A_298 step %parallel_loop3A_299 iter_args(%parallel_loop3A_330 = %iota3A, %parallel_loop3A_331 = %broadcast_in_dim3A_297, %parallel_loop3A_332 = %broadcast_in_dim3A_297, %parallel_loop3A_333 = %broadcast_in_dim3A_297, %parallel_loop3A_334 = %broadcast_in_dim3A_297) -> (vector<16xi32>, vector<16xf32>, vector<16xf32>, vector<16xf32>, vector<16xf32>)  : i32 {
        %parallel_loop3A_335 = arith.constant 0 : i32
        %parallel_loop3A_336 = vector.broadcast %parallel_loop3A_335 : i32 to vector<16xi32>
        %parallel_loop3A_337 = arith.addi %parallel_loop3A_330, %parallel_loop3A_336 : vector<16xi32>
        %parallel_loop3A_338 = arith.constant 127 : i32
        %parallel_loop3A_339 = vector.broadcast %parallel_loop3A_338 : i32 to vector<16xi32>
        %parallel_loop3A_340 = arith.andi %parallel_loop3A_337, %parallel_loop3A_339 : vector<16xi32>
        %parallel_loop3A_341 = tpu.vector_load_idx %arg19[%add3A_296, %parallel_loop3A_340] : memref<64x128xf32, #tpu.memory_space<vmem>>[vector<16xi32>, vector<16xi32>], vector<16xf32>,
        %parallel_loop3A_342 = tpu.vector_load_idx %arg17[%add3A_296, %parallel_loop3A_340] : memref<64x128xf32, #tpu.memory_space<vmem>>[vector<16xi32>, vector<16xi32>], vector<16xf32>,
        %parallel_loop3A_343 = tpu.vector_load_idx %arg18[%add3A_296, %parallel_loop3A_340] : memref<64x128xf32, #tpu.memory_space<vmem>>[vector<16xi32>, vector<16xi32>], vector<16xf32>,
        %parallel_loop3A_344 = arith.subf %parallel_loop3A_341, %parallel_loop3A_342 : vector<16xf32>
        %parallel_loop3A_345 = arith.subf %parallel_loop3A_344, %parallel_loop3A_343 : vector<16xf32>
        %parallel_loop3A_346 = arith.mulf %parallel_loop3A_345, %parallel_loop3A_345 : vector<16xf32>
        %parallel_loop3A_347 = arith.addf %parallel_loop3A_331, %parallel_loop3A_346 : vector<16xf32>
        %parallel_loop3A_348 = arith.constant 1 : i32
        %parallel_loop3A_349 = vector.broadcast %parallel_loop3A_348 : i32 to vector<16xi32>
        %parallel_loop3A_350 = arith.addi %parallel_loop3A_330, %parallel_loop3A_349 : vector<16xi32>
        %parallel_loop3A_351 = arith.constant 127 : i32
        %parallel_loop3A_352 = vector.broadcast %parallel_loop3A_351 : i32 to vector<16xi32>
        %parallel_loop3A_353 = arith.andi %parallel_loop3A_350, %parallel_loop3A_352 : vector<16xi32>
        %parallel_loop3A_354 = tpu.vector_load_idx %arg19[%add3A_296, %parallel_loop3A_353] : memref<64x128xf32, #tpu.memory_space<vmem>>[vector<16xi32>, vector<16xi32>], vector<16xf32>,
        %parallel_loop3A_355 = tpu.vector_load_idx %arg17[%add3A_296, %parallel_loop3A_353] : memref<64x128xf32, #tpu.memory_space<vmem>>[vector<16xi32>, vector<16xi32>], vector<16xf32>,
        %parallel_loop3A_356 = tpu.vector_load_idx %arg18[%add3A_296, %parallel_loop3A_353] : memref<64x128xf32, #tpu.memory_space<vmem>>[vector<16xi32>, vector<16xi32>], vector<16xf32>,
        %parallel_loop3A_357 = arith.subf %parallel_loop3A_354, %parallel_loop3A_355 : vector<16xf32>
        %parallel_loop3A_358 = arith.subf %parallel_loop3A_357, %parallel_loop3A_356 : vector<16xf32>
        %parallel_loop3A_359 = arith.mulf %parallel_loop3A_358, %parallel_loop3A_358 : vector<16xf32>
        %parallel_loop3A_360 = arith.addf %parallel_loop3A_332, %parallel_loop3A_359 : vector<16xf32>
        %parallel_loop3A_361 = arith.constant 2 : i32
        %parallel_loop3A_362 = vector.broadcast %parallel_loop3A_361 : i32 to vector<16xi32>
        %parallel_loop3A_363 = arith.addi %parallel_loop3A_330, %parallel_loop3A_362 : vector<16xi32>
        %parallel_loop3A_364 = arith.constant 127 : i32
        %parallel_loop3A_365 = vector.broadcast %parallel_loop3A_364 : i32 to vector<16xi32>
        %parallel_loop3A_366 = arith.andi %parallel_loop3A_363, %parallel_loop3A_365 : vector<16xi32>
        %parallel_loop3A_367 = tpu.vector_load_idx %arg19[%add3A_296, %parallel_loop3A_366] : memref<64x128xf32, #tpu.memory_space<vmem>>[vector<16xi32>, vector<16xi32>], vector<16xf32>,
        %parallel_loop3A_368 = tpu.vector_load_idx %arg17[%add3A_296, %parallel_loop3A_366] : memref<64x128xf32, #tpu.memory_space<vmem>>[vector<16xi32>, vector<16xi32>], vector<16xf32>,
        %parallel_loop3A_369 = tpu.vector_load_idx %arg18[%add3A_296, %parallel_loop3A_366] : memref<64x128xf32, #tpu.memory_space<vmem>>[vector<16xi32>, vector<16xi32>], vector<16xf32>,
        %parallel_loop3A_370 = arith.subf %parallel_loop3A_367, %parallel_loop3A_368 : vector<16xf32>
        %parallel_loop3A_371 = arith.subf %parallel_loop3A_370, %parallel_loop3A_369 : vector<16xf32>
        %parallel_loop3A_372 = arith.mulf %parallel_loop3A_371, %parallel_loop3A_371 : vector<16xf32>
        %parallel_loop3A_373 = arith.addf %parallel_loop3A_333, %parallel_loop3A_372 : vector<16xf32>
        %parallel_loop3A_374 = arith.constant 3 : i32
        %parallel_loop3A_375 = vector.broadcast %parallel_loop3A_374 : i32 to vector<16xi32>
        %parallel_loop3A_376 = arith.addi %parallel_loop3A_330, %parallel_loop3A_375 : vector<16xi32>
        %parallel_loop3A_377 = arith.constant 127 : i32
        %parallel_loop3A_378 = vector.broadcast %parallel_loop3A_377 : i32 to vector<16xi32>
        %parallel_loop3A_379 = arith.andi %parallel_loop3A_376, %parallel_loop3A_378 : vector<16xi32>
        %parallel_loop3A_380 = tpu.vector_load_idx %arg19[%add3A_296, %parallel_loop3A_379] : memref<64x128xf32, #tpu.memory_space<vmem>>[vector<16xi32>, vector<16xi32>], vector<16xf32>,
        %parallel_loop3A_381 = tpu.vector_load_idx %arg17[%add3A_296, %parallel_loop3A_379] : memref<64x128xf32, #tpu.memory_space<vmem>>[vector<16xi32>, vector<16xi32>], vector<16xf32>,
        %parallel_loop3A_382 = tpu.vector_load_idx %arg18[%add3A_296, %parallel_loop3A_379] : memref<64x128xf32, #tpu.memory_space<vmem>>[vector<16xi32>, vector<16xi32>], vector<16xf32>,
        %parallel_loop3A_383 = arith.subf %parallel_loop3A_380, %parallel_loop3A_381 : vector<16xf32>
        %parallel_loop3A_384 = arith.subf %parallel_loop3A_383, %parallel_loop3A_382 : vector<16xf32>
        %parallel_loop3A_385 = arith.mulf %parallel_loop3A_384, %parallel_loop3A_384 : vector<16xf32>
        %parallel_loop3A_386 = arith.addf %parallel_loop3A_334, %parallel_loop3A_385 : vector<16xf32>
        %parallel_loop3A_387 = arith.constant 4 : i32
        %parallel_loop3A_388 = vector.broadcast %parallel_loop3A_387 : i32 to vector<16xi32>
        %parallel_loop3A_389 = arith.addi %parallel_loop3A_330, %parallel_loop3A_388 : vector<16xi32>
        %parallel_loop3A_390 = arith.constant 127 : i32
        %parallel_loop3A_391 = vector.broadcast %parallel_loop3A_390 : i32 to vector<16xi32>
        %parallel_loop3A_392 = arith.andi %parallel_loop3A_389, %parallel_loop3A_391 : vector<16xi32>
        %parallel_loop3A_393 = tpu.vector_load_idx %arg19[%add3A_296, %parallel_loop3A_392] : memref<64x128xf32, #tpu.memory_space<vmem>>[vector<16xi32>, vector<16xi32>], vector<16xf32>,
        %parallel_loop3A_394 = tpu.vector_load_idx %arg17[%add3A_296, %parallel_loop3A_392] : memref<64x128xf32, #tpu.memory_space<vmem>>[vector<16xi32>, vector<16xi32>], vector<16xf32>,
        %parallel_loop3A_395 = tpu.vector_load_idx %arg18[%add3A_296, %parallel_loop3A_392] : memref<64x128xf32, #tpu.memory_space<vmem>>[vector<16xi32>, vector<16xi32>], vector<16xf32>,
        %parallel_loop3A_396 = arith.subf %parallel_loop3A_393, %parallel_loop3A_394 : vector<16xf32>
        %parallel_loop3A_397 = arith.subf %parallel_loop3A_396, %parallel_loop3A_395 : vector<16xf32>
        %parallel_loop3A_398 = arith.mulf %parallel_loop3A_397, %parallel_loop3A_397 : vector<16xf32>
        %parallel_loop3A_399 = arith.addf %parallel_loop3A_347, %parallel_loop3A_398 : vector<16xf32>
        %parallel_loop3A_400 = arith.constant 5 : i32
        %parallel_loop3A_401 = vector.broadcast %parallel_loop3A_400 : i32 to vector<16xi32>
        %parallel_loop3A_402 = arith.addi %parallel_loop3A_330, %parallel_loop3A_401 : vector<16xi32>
        %parallel_loop3A_403 = arith.constant 127 : i32
        %parallel_loop3A_404 = vector.broadcast %parallel_loop3A_403 : i32 to vector<16xi32>
        %parallel_loop3A_405 = arith.andi %parallel_loop3A_402, %parallel_loop3A_404 : vector<16xi32>
        %parallel_loop3A_406 = tpu.vector_load_idx %arg19[%add3A_296, %parallel_loop3A_405] : memref<64x128xf32, #tpu.memory_space<vmem>>[vector<16xi32>, vector<16xi32>], vector<16xf32>,
        %parallel_loop3A_407 = tpu.vector_load_idx %arg17[%add3A_296, %parallel_loop3A_405] : memref<64x128xf32, #tpu.memory_space<vmem>>[vector<16xi32>, vector<16xi32>], vector<16xf32>,
        %parallel_loop3A_408 = tpu.vector_load_idx %arg18[%add3A_296, %parallel_loop3A_405] : memref<64x128xf32, #tpu.memory_space<vmem>>[vector<16xi32>, vector<16xi32>], vector<16xf32>,
        %parallel_loop3A_409 = arith.subf %parallel_loop3A_406, %parallel_loop3A_407 : vector<16xf32>
        %parallel_loop3A_410 = arith.subf %parallel_loop3A_409, %parallel_loop3A_408 : vector<16xf32>
        %parallel_loop3A_411 = arith.mulf %parallel_loop3A_410, %parallel_loop3A_410 : vector<16xf32>
        %parallel_loop3A_412 = arith.addf %parallel_loop3A_360, %parallel_loop3A_411 : vector<16xf32>
        %parallel_loop3A_413 = arith.constant 6 : i32
        %parallel_loop3A_414 = vector.broadcast %parallel_loop3A_413 : i32 to vector<16xi32>
        %parallel_loop3A_415 = arith.addi %parallel_loop3A_330, %parallel_loop3A_414 : vector<16xi32>
        %parallel_loop3A_416 = arith.constant 127 : i32
        %parallel_loop3A_417 = vector.broadcast %parallel_loop3A_416 : i32 to vector<16xi32>
        %parallel_loop3A_418 = arith.andi %parallel_loop3A_415, %parallel_loop3A_417 : vector<16xi32>
        %parallel_loop3A_419 = tpu.vector_load_idx %arg19[%add3A_296, %parallel_loop3A_418] : memref<64x128xf32, #tpu.memory_space<vmem>>[vector<16xi32>, vector<16xi32>], vector<16xf32>,
        %parallel_loop3A_420 = tpu.vector_load_idx %arg17[%add3A_296, %parallel_loop3A_418] : memref<64x128xf32, #tpu.memory_space<vmem>>[vector<16xi32>, vector<16xi32>], vector<16xf32>,
        %parallel_loop3A_421 = tpu.vector_load_idx %arg18[%add3A_296, %parallel_loop3A_418] : memref<64x128xf32, #tpu.memory_space<vmem>>[vector<16xi32>, vector<16xi32>], vector<16xf32>,
        %parallel_loop3A_422 = arith.subf %parallel_loop3A_419, %parallel_loop3A_420 : vector<16xf32>
        %parallel_loop3A_423 = arith.subf %parallel_loop3A_422, %parallel_loop3A_421 : vector<16xf32>
        %parallel_loop3A_424 = arith.mulf %parallel_loop3A_423, %parallel_loop3A_423 : vector<16xf32>
        %parallel_loop3A_425 = arith.addf %parallel_loop3A_373, %parallel_loop3A_424 : vector<16xf32>
        %parallel_loop3A_426 = arith.constant 7 : i32
        %parallel_loop3A_427 = vector.broadcast %parallel_loop3A_426 : i32 to vector<16xi32>
        %parallel_loop3A_428 = arith.addi %parallel_loop3A_330, %parallel_loop3A_427 : vector<16xi32>
        %parallel_loop3A_429 = arith.constant 127 : i32
        %parallel_loop3A_430 = vector.broadcast %parallel_loop3A_429 : i32 to vector<16xi32>
        %parallel_loop3A_431 = arith.andi %parallel_loop3A_428, %parallel_loop3A_430 : vector<16xi32>
        %parallel_loop3A_432 = tpu.vector_load_idx %arg19[%add3A_296, %parallel_loop3A_431] : memref<64x128xf32, #tpu.memory_space<vmem>>[vector<16xi32>, vector<16xi32>], vector<16xf32>,
        %parallel_loop3A_433 = tpu.vector_load_idx %arg17[%add3A_296, %parallel_loop3A_431] : memref<64x128xf32, #tpu.memory_space<vmem>>[vector<16xi32>, vector<16xi32>], vector<16xf32>,
        %parallel_loop3A_434 = tpu.vector_load_idx %arg18[%add3A_296, %parallel_loop3A_431] : memref<64x128xf32, #tpu.memory_space<vmem>>[vector<16xi32>, vector<16xi32>], vector<16xf32>,
        %parallel_loop3A_435 = arith.subf %parallel_loop3A_432, %parallel_loop3A_433 : vector<16xf32>
        %parallel_loop3A_436 = arith.subf %parallel_loop3A_435, %parallel_loop3A_434 : vector<16xf32>
        %parallel_loop3A_437 = arith.mulf %parallel_loop3A_436, %parallel_loop3A_436 : vector<16xf32>
        %parallel_loop3A_438 = arith.addf %parallel_loop3A_386, %parallel_loop3A_437 : vector<16xf32>
        %parallel_loop3A_439 = arith.constant 8 : i32
        %parallel_loop3A_440 = vector.broadcast %parallel_loop3A_439 : i32 to vector<16xi32>
        %parallel_loop3A_441 = arith.addi %parallel_loop3A_330, %parallel_loop3A_440 : vector<16xi32>
        scf.yield %parallel_loop3A_441, %parallel_loop3A_399, %parallel_loop3A_412, %parallel_loop3A_425, %parallel_loop3A_438 : vector<16xi32>, vector<16xf32>, vector<16xf32>, vector<16xf32>, vector<16xf32>
      } {sc.loop_unroll_factor = 1 : i64, sc.parallel_access}
      %add3A_301 = arith.addf %parallel_loop3A_300#1, %parallel_loop3A_300#2 : vector<16xf32>
      %add3A_302 = arith.addf %parallel_loop3A_300#3, %parallel_loop3A_300#4 : vector<16xf32>
      %add3A_303 = arith.addf %add3A_301, %add3A_302 : vector<16xf32>
      %bitcast_convert_type3A = tpu.bitcast %add3A_303 : vector<16xf32> -> vector<16xi32>
      %shift_right_arithmetic3A = arith.constant 1 : i32
      %shift_right_arithmetic3A_304 = vector.broadcast %shift_right_arithmetic3A : i32 to vector<16xi32>
      %shift_right_arithmetic3A_305 = arith.shrsi %bitcast_convert_type3A, %shift_right_arithmetic3A_304 : vector<16xi32>
      %add3A_306 = arith.constant 532487669 : i32
      %add3A_307 = vector.broadcast %add3A_306 : i32 to vector<16xi32>
      %add3A_308 = arith.addi %add3A_307, %shift_right_arithmetic3A_305 : vector<16xi32>
      %bitcast_convert_type3A_309 = tpu.bitcast %add3A_308 : vector<16xi32> -> vector<16xf32>
      %div3A = arith.divf %add3A_303, %bitcast_convert_type3A_309 : vector<16xf32>
      %add3A_310 = arith.addf %bitcast_convert_type3A_309, %div3A : vector<16xf32>
      %mul3A_311 = arith.constant 5.000000e-01 : f32
      %mul3A_312 = vector.broadcast %mul3A_311 : f32 to vector<16xf32>
      %mul3A_313 = arith.mulf %mul3A_312, %add3A_310 : vector<16xf32>
      %div3A_314 = arith.divf %add3A_303, %mul3A_313 : vector<16xf32>
      %add3A_315 = arith.addf %mul3A_313, %div3A_314 : vector<16xf32>
      %mul3A_316 = arith.constant 5.000000e-01 : f32
      %mul3A_317 = vector.broadcast %mul3A_316 : f32 to vector<16xf32>
      %mul3A_318 = arith.mulf %mul3A_317, %add3A_315 : vector<16xf32>
      %div3A_319 = arith.divf %add3A_303, %mul3A_318 : vector<16xf32>
      %add3A_320 = arith.addf %mul3A_318, %div3A_319 : vector<16xf32>
      %mul3A_321 = arith.constant 5.000000e-01 : f32
      %mul3A_322 = vector.broadcast %mul3A_321 : f32 to vector<16xf32>
      %mul3A_323 = arith.mulf %mul3A_322, %add3A_320 : vector<16xf32>
      %mul3A_324 = arith.constant 16 : i32
      %mul3A_325 = arith.muli %scan3A_292, %mul3A_324 : i32
      %add3A_326 = arith.constant 128 : i32
      %add3A_327 = arith.addi %add3A_326, %mul3A_325 : i32
      %swap3A = arith.index_cast %add3A_327 : i32 to index
      %swap3A_328 = tpu.vector_load %arg20[%swap3A] {strides = array<i32>} : memref<512xf32, #tpu.memory_space<vmem>>, vector<16xf32>,
      tpu.vector_store %arg20[%swap3A], %mul3A_323 {strides = array<i32>} : memref<512xf32, #tpu.memory_space<vmem>>, vector<16xf32>,
    }
    %scan3A_146 = arith.constant 4 : i32
    %dma_start3A_147 = arith.constant 320 : i32
    %dma_start3A_148 = tpu.memref_slice %arg8[%dma_start3A_147] : memref<512xi32, #tpu.memory_space<vmem>> -> memref<64xi32, #tpu.memory_space<vmem>>
    %dma_start3A_149 = arith.constant 0 : i32
    %dma_start3A_150 = arith.constant 0 : i32
    %dma_start3A_151 = tpu.memref_slice %arg5[%dma_start3A_149, %dma_start3A_150] : memref<100000x128xf32, #tpu.memory_space<hbm>> -> memref<100000x128xf32, #tpu.memory_space<hbm>>
    tpu.enqueue_indirect_dma source(%dma_start3A_151 : memref<100000x128xf32, #tpu.memory_space<hbm>>) target(%arg17 : memref<64x128xf32, #tpu.memory_space<vmem>>) offsets(%dma_start3A_148 : memref<64xi32, #tpu.memory_space<vmem>>) semaphore(%arg23 : memref<!tpu.dma_semaphore, #tpu.memory_space<semaphore_mem>>)
    %dma_start3A_152 = arith.constant 320 : i32
    %dma_start3A_153 = tpu.memref_slice %arg9[%dma_start3A_152] : memref<512xi32, #tpu.memory_space<vmem>> -> memref<64xi32, #tpu.memory_space<vmem>>
    %dma_start3A_154 = arith.constant 0 : i32
    %dma_start3A_155 = arith.constant 0 : i32
    %dma_start3A_156 = tpu.memref_slice %arg6[%dma_start3A_154, %dma_start3A_155] : memref<1000x128xf32, #tpu.memory_space<hbm>> -> memref<1000x128xf32, #tpu.memory_space<hbm>>
    tpu.enqueue_indirect_dma source(%dma_start3A_156 : memref<1000x128xf32, #tpu.memory_space<hbm>>) target(%arg18 : memref<64x128xf32, #tpu.memory_space<vmem>>) offsets(%dma_start3A_153 : memref<64xi32, #tpu.memory_space<vmem>>) semaphore(%arg23 : memref<!tpu.dma_semaphore, #tpu.memory_space<semaphore_mem>>)
    %dma_start3A_157 = arith.constant 320 : i32
    %dma_start3A_158 = tpu.memref_slice %arg10[%dma_start3A_157] : memref<512xi32, #tpu.memory_space<vmem>> -> memref<64xi32, #tpu.memory_space<vmem>>
    %dma_start3A_159 = arith.constant 0 : i32
    %dma_start3A_160 = arith.constant 0 : i32
    %dma_start3A_161 = tpu.memref_slice %arg5[%dma_start3A_159, %dma_start3A_160] : memref<100000x128xf32, #tpu.memory_space<hbm>> -> memref<100000x128xf32, #tpu.memory_space<hbm>>
    tpu.enqueue_indirect_dma source(%dma_start3A_161 : memref<100000x128xf32, #tpu.memory_space<hbm>>) target(%arg19 : memref<64x128xf32, #tpu.memory_space<vmem>>) offsets(%dma_start3A_158 : memref<64xi32, #tpu.memory_space<vmem>>) semaphore(%arg23 : memref<!tpu.dma_semaphore, #tpu.memory_space<semaphore_mem>>)
    %dma_wait3A_162 = arith.constant 192 : i32
    %dma_wait3A_163 = tpu.memref_slice %arg8[%dma_wait3A_162] : memref<512xi32, #tpu.memory_space<vmem>> -> memref<64xi32, #tpu.memory_space<vmem>>
    %dma_wait3A_164 = arith.constant 0 : i32
    %dma_wait3A_165 = arith.constant 0 : i32
    %dma_wait3A_166 = tpu.memref_slice %arg5[%dma_wait3A_164, %dma_wait3A_165] : memref<100000x128xf32, #tpu.memory_space<hbm>> -> memref<100000x128xf32, #tpu.memory_space<hbm>>
    tpu.wait_indirect_dma semaphore(%arg21 : memref<!tpu.dma_semaphore, #tpu.memory_space<semaphore_mem>>) src(%dma_wait3A_166 : memref<100000x128xf32, #tpu.memory_space<hbm>>) dst(%arg11 : memref<64x128xf32, #tpu.memory_space<vmem>>)
    %dma_wait3A_167 = arith.constant 192 : i32
    %dma_wait3A_168 = tpu.memref_slice %arg9[%dma_wait3A_167] : memref<512xi32, #tpu.memory_space<vmem>> -> memref<64xi32, #tpu.memory_space<vmem>>
    %dma_wait3A_169 = arith.constant 0 : i32
    %dma_wait3A_170 = arith.constant 0 : i32
    %dma_wait3A_171 = tpu.memref_slice %arg6[%dma_wait3A_169, %dma_wait3A_170] : memref<1000x128xf32, #tpu.memory_space<hbm>> -> memref<1000x128xf32, #tpu.memory_space<hbm>>
    tpu.wait_indirect_dma semaphore(%arg21 : memref<!tpu.dma_semaphore, #tpu.memory_space<semaphore_mem>>) src(%dma_wait3A_171 : memref<1000x128xf32, #tpu.memory_space<hbm>>) dst(%arg12 : memref<64x128xf32, #tpu.memory_space<vmem>>)
    %dma_wait3A_172 = arith.constant 192 : i32
    %dma_wait3A_173 = tpu.memref_slice %arg10[%dma_wait3A_172] : memref<512xi32, #tpu.memory_space<vmem>> -> memref<64xi32, #tpu.memory_space<vmem>>
    %dma_wait3A_174 = arith.constant 0 : i32
    %dma_wait3A_175 = arith.constant 0 : i32
    %dma_wait3A_176 = tpu.memref_slice %arg5[%dma_wait3A_174, %dma_wait3A_175] : memref<100000x128xf32, #tpu.memory_space<hbm>> -> memref<100000x128xf32, #tpu.memory_space<hbm>>
    tpu.wait_indirect_dma semaphore(%arg21 : memref<!tpu.dma_semaphore, #tpu.memory_space<semaphore_mem>>) src(%dma_wait3A_176 : memref<100000x128xf32, #tpu.memory_space<hbm>>) dst(%arg13 : memref<64x128xf32, #tpu.memory_space<vmem>>)
    %scan3A_177 = arith.constant 0 : i32
    %scan3A_178 = arith.constant 4 : i32
    %scan3A_179 = arith.addi %scan3A_177, %scan3A_178 : i32
    %scan3A_180 = arith.constant 1 : i32
    scf.for %scan3A_292 = %scan3A_177 to %scan3A_179 step %scan3A_180  : i32 {
      %mul3A_293 = arith.constant 16 : i32
      %mul3A_294 = arith.muli %scan3A_292, %mul3A_293 : i32
      %add3A_295 = vector.broadcast %mul3A_294 : i32 to vector<16xi32>
      %add3A_296 = arith.addi %iota3A, %add3A_295 : vector<16xi32>
      %broadcast_in_dim3A = arith.constant 0.000000e+00 : f32
      %broadcast_in_dim3A_297 = vector.broadcast %broadcast_in_dim3A : f32 to vector<16xf32>
      %parallel_loop3A = arith.constant 0 : i32
      %parallel_loop3A_298 = arith.constant 16 : i32
      %parallel_loop3A_299 = arith.constant 1 : i32
      %parallel_loop3A_300:5 = scf.for %parallel_loop3A_329 = %parallel_loop3A to %parallel_loop3A_298 step %parallel_loop3A_299 iter_args(%parallel_loop3A_330 = %iota3A, %parallel_loop3A_331 = %broadcast_in_dim3A_297, %parallel_loop3A_332 = %broadcast_in_dim3A_297, %parallel_loop3A_333 = %broadcast_in_dim3A_297, %parallel_loop3A_334 = %broadcast_in_dim3A_297) -> (vector<16xi32>, vector<16xf32>, vector<16xf32>, vector<16xf32>, vector<16xf32>)  : i32 {
        %parallel_loop3A_335 = arith.constant 0 : i32
        %parallel_loop3A_336 = vector.broadcast %parallel_loop3A_335 : i32 to vector<16xi32>
        %parallel_loop3A_337 = arith.addi %parallel_loop3A_330, %parallel_loop3A_336 : vector<16xi32>
        %parallel_loop3A_338 = arith.constant 127 : i32
        %parallel_loop3A_339 = vector.broadcast %parallel_loop3A_338 : i32 to vector<16xi32>
        %parallel_loop3A_340 = arith.andi %parallel_loop3A_337, %parallel_loop3A_339 : vector<16xi32>
        %parallel_loop3A_341 = tpu.vector_load_idx %arg13[%add3A_296, %parallel_loop3A_340] : memref<64x128xf32, #tpu.memory_space<vmem>>[vector<16xi32>, vector<16xi32>], vector<16xf32>,
        %parallel_loop3A_342 = tpu.vector_load_idx %arg11[%add3A_296, %parallel_loop3A_340] : memref<64x128xf32, #tpu.memory_space<vmem>>[vector<16xi32>, vector<16xi32>], vector<16xf32>,
        %parallel_loop3A_343 = tpu.vector_load_idx %arg12[%add3A_296, %parallel_loop3A_340] : memref<64x128xf32, #tpu.memory_space<vmem>>[vector<16xi32>, vector<16xi32>], vector<16xf32>,
        %parallel_loop3A_344 = arith.subf %parallel_loop3A_341, %parallel_loop3A_342 : vector<16xf32>
        %parallel_loop3A_345 = arith.subf %parallel_loop3A_344, %parallel_loop3A_343 : vector<16xf32>
        %parallel_loop3A_346 = arith.mulf %parallel_loop3A_345, %parallel_loop3A_345 : vector<16xf32>
        %parallel_loop3A_347 = arith.addf %parallel_loop3A_331, %parallel_loop3A_346 : vector<16xf32>
        %parallel_loop3A_348 = arith.constant 1 : i32
        %parallel_loop3A_349 = vector.broadcast %parallel_loop3A_348 : i32 to vector<16xi32>
        %parallel_loop3A_350 = arith.addi %parallel_loop3A_330, %parallel_loop3A_349 : vector<16xi32>
        %parallel_loop3A_351 = arith.constant 127 : i32
        %parallel_loop3A_352 = vector.broadcast %parallel_loop3A_351 : i32 to vector<16xi32>
        %parallel_loop3A_353 = arith.andi %parallel_loop3A_350, %parallel_loop3A_352 : vector<16xi32>
        %parallel_loop3A_354 = tpu.vector_load_idx %arg13[%add3A_296, %parallel_loop3A_353] : memref<64x128xf32, #tpu.memory_space<vmem>>[vector<16xi32>, vector<16xi32>], vector<16xf32>,
        %parallel_loop3A_355 = tpu.vector_load_idx %arg11[%add3A_296, %parallel_loop3A_353] : memref<64x128xf32, #tpu.memory_space<vmem>>[vector<16xi32>, vector<16xi32>], vector<16xf32>,
        %parallel_loop3A_356 = tpu.vector_load_idx %arg12[%add3A_296, %parallel_loop3A_353] : memref<64x128xf32, #tpu.memory_space<vmem>>[vector<16xi32>, vector<16xi32>], vector<16xf32>,
        %parallel_loop3A_357 = arith.subf %parallel_loop3A_354, %parallel_loop3A_355 : vector<16xf32>
        %parallel_loop3A_358 = arith.subf %parallel_loop3A_357, %parallel_loop3A_356 : vector<16xf32>
        %parallel_loop3A_359 = arith.mulf %parallel_loop3A_358, %parallel_loop3A_358 : vector<16xf32>
        %parallel_loop3A_360 = arith.addf %parallel_loop3A_332, %parallel_loop3A_359 : vector<16xf32>
        %parallel_loop3A_361 = arith.constant 2 : i32
        %parallel_loop3A_362 = vector.broadcast %parallel_loop3A_361 : i32 to vector<16xi32>
        %parallel_loop3A_363 = arith.addi %parallel_loop3A_330, %parallel_loop3A_362 : vector<16xi32>
        %parallel_loop3A_364 = arith.constant 127 : i32
        %parallel_loop3A_365 = vector.broadcast %parallel_loop3A_364 : i32 to vector<16xi32>
        %parallel_loop3A_366 = arith.andi %parallel_loop3A_363, %parallel_loop3A_365 : vector<16xi32>
        %parallel_loop3A_367 = tpu.vector_load_idx %arg13[%add3A_296, %parallel_loop3A_366] : memref<64x128xf32, #tpu.memory_space<vmem>>[vector<16xi32>, vector<16xi32>], vector<16xf32>,
        %parallel_loop3A_368 = tpu.vector_load_idx %arg11[%add3A_296, %parallel_loop3A_366] : memref<64x128xf32, #tpu.memory_space<vmem>>[vector<16xi32>, vector<16xi32>], vector<16xf32>,
        %parallel_loop3A_369 = tpu.vector_load_idx %arg12[%add3A_296, %parallel_loop3A_366] : memref<64x128xf32, #tpu.memory_space<vmem>>[vector<16xi32>, vector<16xi32>], vector<16xf32>,
        %parallel_loop3A_370 = arith.subf %parallel_loop3A_367, %parallel_loop3A_368 : vector<16xf32>
        %parallel_loop3A_371 = arith.subf %parallel_loop3A_370, %parallel_loop3A_369 : vector<16xf32>
        %parallel_loop3A_372 = arith.mulf %parallel_loop3A_371, %parallel_loop3A_371 : vector<16xf32>
        %parallel_loop3A_373 = arith.addf %parallel_loop3A_333, %parallel_loop3A_372 : vector<16xf32>
        %parallel_loop3A_374 = arith.constant 3 : i32
        %parallel_loop3A_375 = vector.broadcast %parallel_loop3A_374 : i32 to vector<16xi32>
        %parallel_loop3A_376 = arith.addi %parallel_loop3A_330, %parallel_loop3A_375 : vector<16xi32>
        %parallel_loop3A_377 = arith.constant 127 : i32
        %parallel_loop3A_378 = vector.broadcast %parallel_loop3A_377 : i32 to vector<16xi32>
        %parallel_loop3A_379 = arith.andi %parallel_loop3A_376, %parallel_loop3A_378 : vector<16xi32>
        %parallel_loop3A_380 = tpu.vector_load_idx %arg13[%add3A_296, %parallel_loop3A_379] : memref<64x128xf32, #tpu.memory_space<vmem>>[vector<16xi32>, vector<16xi32>], vector<16xf32>,
        %parallel_loop3A_381 = tpu.vector_load_idx %arg11[%add3A_296, %parallel_loop3A_379] : memref<64x128xf32, #tpu.memory_space<vmem>>[vector<16xi32>, vector<16xi32>], vector<16xf32>,
        %parallel_loop3A_382 = tpu.vector_load_idx %arg12[%add3A_296, %parallel_loop3A_379] : memref<64x128xf32, #tpu.memory_space<vmem>>[vector<16xi32>, vector<16xi32>], vector<16xf32>,
        %parallel_loop3A_383 = arith.subf %parallel_loop3A_380, %parallel_loop3A_381 : vector<16xf32>
        %parallel_loop3A_384 = arith.subf %parallel_loop3A_383, %parallel_loop3A_382 : vector<16xf32>
        %parallel_loop3A_385 = arith.mulf %parallel_loop3A_384, %parallel_loop3A_384 : vector<16xf32>
        %parallel_loop3A_386 = arith.addf %parallel_loop3A_334, %parallel_loop3A_385 : vector<16xf32>
        %parallel_loop3A_387 = arith.constant 4 : i32
        %parallel_loop3A_388 = vector.broadcast %parallel_loop3A_387 : i32 to vector<16xi32>
        %parallel_loop3A_389 = arith.addi %parallel_loop3A_330, %parallel_loop3A_388 : vector<16xi32>
        %parallel_loop3A_390 = arith.constant 127 : i32
        %parallel_loop3A_391 = vector.broadcast %parallel_loop3A_390 : i32 to vector<16xi32>
        %parallel_loop3A_392 = arith.andi %parallel_loop3A_389, %parallel_loop3A_391 : vector<16xi32>
        %parallel_loop3A_393 = tpu.vector_load_idx %arg13[%add3A_296, %parallel_loop3A_392] : memref<64x128xf32, #tpu.memory_space<vmem>>[vector<16xi32>, vector<16xi32>], vector<16xf32>,
        %parallel_loop3A_394 = tpu.vector_load_idx %arg11[%add3A_296, %parallel_loop3A_392] : memref<64x128xf32, #tpu.memory_space<vmem>>[vector<16xi32>, vector<16xi32>], vector<16xf32>,
        %parallel_loop3A_395 = tpu.vector_load_idx %arg12[%add3A_296, %parallel_loop3A_392] : memref<64x128xf32, #tpu.memory_space<vmem>>[vector<16xi32>, vector<16xi32>], vector<16xf32>,
        %parallel_loop3A_396 = arith.subf %parallel_loop3A_393, %parallel_loop3A_394 : vector<16xf32>
        %parallel_loop3A_397 = arith.subf %parallel_loop3A_396, %parallel_loop3A_395 : vector<16xf32>
        %parallel_loop3A_398 = arith.mulf %parallel_loop3A_397, %parallel_loop3A_397 : vector<16xf32>
        %parallel_loop3A_399 = arith.addf %parallel_loop3A_347, %parallel_loop3A_398 : vector<16xf32>
        %parallel_loop3A_400 = arith.constant 5 : i32
        %parallel_loop3A_401 = vector.broadcast %parallel_loop3A_400 : i32 to vector<16xi32>
        %parallel_loop3A_402 = arith.addi %parallel_loop3A_330, %parallel_loop3A_401 : vector<16xi32>
        %parallel_loop3A_403 = arith.constant 127 : i32
        %parallel_loop3A_404 = vector.broadcast %parallel_loop3A_403 : i32 to vector<16xi32>
        %parallel_loop3A_405 = arith.andi %parallel_loop3A_402, %parallel_loop3A_404 : vector<16xi32>
        %parallel_loop3A_406 = tpu.vector_load_idx %arg13[%add3A_296, %parallel_loop3A_405] : memref<64x128xf32, #tpu.memory_space<vmem>>[vector<16xi32>, vector<16xi32>], vector<16xf32>,
        %parallel_loop3A_407 = tpu.vector_load_idx %arg11[%add3A_296, %parallel_loop3A_405] : memref<64x128xf32, #tpu.memory_space<vmem>>[vector<16xi32>, vector<16xi32>], vector<16xf32>,
        %parallel_loop3A_408 = tpu.vector_load_idx %arg12[%add3A_296, %parallel_loop3A_405] : memref<64x128xf32, #tpu.memory_space<vmem>>[vector<16xi32>, vector<16xi32>], vector<16xf32>,
        %parallel_loop3A_409 = arith.subf %parallel_loop3A_406, %parallel_loop3A_407 : vector<16xf32>
        %parallel_loop3A_410 = arith.subf %parallel_loop3A_409, %parallel_loop3A_408 : vector<16xf32>
        %parallel_loop3A_411 = arith.mulf %parallel_loop3A_410, %parallel_loop3A_410 : vector<16xf32>
        %parallel_loop3A_412 = arith.addf %parallel_loop3A_360, %parallel_loop3A_411 : vector<16xf32>
        %parallel_loop3A_413 = arith.constant 6 : i32
        %parallel_loop3A_414 = vector.broadcast %parallel_loop3A_413 : i32 to vector<16xi32>
        %parallel_loop3A_415 = arith.addi %parallel_loop3A_330, %parallel_loop3A_414 : vector<16xi32>
        %parallel_loop3A_416 = arith.constant 127 : i32
        %parallel_loop3A_417 = vector.broadcast %parallel_loop3A_416 : i32 to vector<16xi32>
        %parallel_loop3A_418 = arith.andi %parallel_loop3A_415, %parallel_loop3A_417 : vector<16xi32>
        %parallel_loop3A_419 = tpu.vector_load_idx %arg13[%add3A_296, %parallel_loop3A_418] : memref<64x128xf32, #tpu.memory_space<vmem>>[vector<16xi32>, vector<16xi32>], vector<16xf32>,
        %parallel_loop3A_420 = tpu.vector_load_idx %arg11[%add3A_296, %parallel_loop3A_418] : memref<64x128xf32, #tpu.memory_space<vmem>>[vector<16xi32>, vector<16xi32>], vector<16xf32>,
        %parallel_loop3A_421 = tpu.vector_load_idx %arg12[%add3A_296, %parallel_loop3A_418] : memref<64x128xf32, #tpu.memory_space<vmem>>[vector<16xi32>, vector<16xi32>], vector<16xf32>,
        %parallel_loop3A_422 = arith.subf %parallel_loop3A_419, %parallel_loop3A_420 : vector<16xf32>
        %parallel_loop3A_423 = arith.subf %parallel_loop3A_422, %parallel_loop3A_421 : vector<16xf32>
        %parallel_loop3A_424 = arith.mulf %parallel_loop3A_423, %parallel_loop3A_423 : vector<16xf32>
        %parallel_loop3A_425 = arith.addf %parallel_loop3A_373, %parallel_loop3A_424 : vector<16xf32>
        %parallel_loop3A_426 = arith.constant 7 : i32
        %parallel_loop3A_427 = vector.broadcast %parallel_loop3A_426 : i32 to vector<16xi32>
        %parallel_loop3A_428 = arith.addi %parallel_loop3A_330, %parallel_loop3A_427 : vector<16xi32>
        %parallel_loop3A_429 = arith.constant 127 : i32
        %parallel_loop3A_430 = vector.broadcast %parallel_loop3A_429 : i32 to vector<16xi32>
        %parallel_loop3A_431 = arith.andi %parallel_loop3A_428, %parallel_loop3A_430 : vector<16xi32>
        %parallel_loop3A_432 = tpu.vector_load_idx %arg13[%add3A_296, %parallel_loop3A_431] : memref<64x128xf32, #tpu.memory_space<vmem>>[vector<16xi32>, vector<16xi32>], vector<16xf32>,
        %parallel_loop3A_433 = tpu.vector_load_idx %arg11[%add3A_296, %parallel_loop3A_431] : memref<64x128xf32, #tpu.memory_space<vmem>>[vector<16xi32>, vector<16xi32>], vector<16xf32>,
        %parallel_loop3A_434 = tpu.vector_load_idx %arg12[%add3A_296, %parallel_loop3A_431] : memref<64x128xf32, #tpu.memory_space<vmem>>[vector<16xi32>, vector<16xi32>], vector<16xf32>,
        %parallel_loop3A_435 = arith.subf %parallel_loop3A_432, %parallel_loop3A_433 : vector<16xf32>
        %parallel_loop3A_436 = arith.subf %parallel_loop3A_435, %parallel_loop3A_434 : vector<16xf32>
        %parallel_loop3A_437 = arith.mulf %parallel_loop3A_436, %parallel_loop3A_436 : vector<16xf32>
        %parallel_loop3A_438 = arith.addf %parallel_loop3A_386, %parallel_loop3A_437 : vector<16xf32>
        %parallel_loop3A_439 = arith.constant 8 : i32
        %parallel_loop3A_440 = vector.broadcast %parallel_loop3A_439 : i32 to vector<16xi32>
        %parallel_loop3A_441 = arith.addi %parallel_loop3A_330, %parallel_loop3A_440 : vector<16xi32>
        scf.yield %parallel_loop3A_441, %parallel_loop3A_399, %parallel_loop3A_412, %parallel_loop3A_425, %parallel_loop3A_438 : vector<16xi32>, vector<16xf32>, vector<16xf32>, vector<16xf32>, vector<16xf32>
      } {sc.loop_unroll_factor = 1 : i64, sc.parallel_access}
      %add3A_301 = arith.addf %parallel_loop3A_300#1, %parallel_loop3A_300#2 : vector<16xf32>
      %add3A_302 = arith.addf %parallel_loop3A_300#3, %parallel_loop3A_300#4 : vector<16xf32>
      %add3A_303 = arith.addf %add3A_301, %add3A_302 : vector<16xf32>
      %bitcast_convert_type3A = tpu.bitcast %add3A_303 : vector<16xf32> -> vector<16xi32>
      %shift_right_arithmetic3A = arith.constant 1 : i32
      %shift_right_arithmetic3A_304 = vector.broadcast %shift_right_arithmetic3A : i32 to vector<16xi32>
      %shift_right_arithmetic3A_305 = arith.shrsi %bitcast_convert_type3A, %shift_right_arithmetic3A_304 : vector<16xi32>
      %add3A_306 = arith.constant 532487669 : i32
      %add3A_307 = vector.broadcast %add3A_306 : i32 to vector<16xi32>
      %add3A_308 = arith.addi %add3A_307, %shift_right_arithmetic3A_305 : vector<16xi32>
      %bitcast_convert_type3A_309 = tpu.bitcast %add3A_308 : vector<16xi32> -> vector<16xf32>
      %div3A = arith.divf %add3A_303, %bitcast_convert_type3A_309 : vector<16xf32>
      %add3A_310 = arith.addf %bitcast_convert_type3A_309, %div3A : vector<16xf32>
      %mul3A_311 = arith.constant 5.000000e-01 : f32
      %mul3A_312 = vector.broadcast %mul3A_311 : f32 to vector<16xf32>
      %mul3A_313 = arith.mulf %mul3A_312, %add3A_310 : vector<16xf32>
      %div3A_314 = arith.divf %add3A_303, %mul3A_313 : vector<16xf32>
      %add3A_315 = arith.addf %mul3A_313, %div3A_314 : vector<16xf32>
      %mul3A_316 = arith.constant 5.000000e-01 : f32
      %mul3A_317 = vector.broadcast %mul3A_316 : f32 to vector<16xf32>
      %mul3A_318 = arith.mulf %mul3A_317, %add3A_315 : vector<16xf32>
      %div3A_319 = arith.divf %add3A_303, %mul3A_318 : vector<16xf32>
      %add3A_320 = arith.addf %mul3A_318, %div3A_319 : vector<16xf32>
      %mul3A_321 = arith.constant 5.000000e-01 : f32
      %mul3A_322 = vector.broadcast %mul3A_321 : f32 to vector<16xf32>
      %mul3A_323 = arith.mulf %mul3A_322, %add3A_320 : vector<16xf32>
      %mul3A_324 = arith.constant 16 : i32
      %mul3A_325 = arith.muli %scan3A_292, %mul3A_324 : i32
      %add3A_326 = arith.constant 192 : i32
      %add3A_327 = arith.addi %add3A_326, %mul3A_325 : i32
      %swap3A = arith.index_cast %add3A_327 : i32 to index
      %swap3A_328 = tpu.vector_load %arg20[%swap3A] {strides = array<i32>} : memref<512xf32, #tpu.memory_space<vmem>>, vector<16xf32>,
      tpu.vector_store %arg20[%swap3A], %mul3A_323 {strides = array<i32>} : memref<512xf32, #tpu.memory_space<vmem>>, vector<16xf32>,
    }
    %scan3A_181 = arith.constant 4 : i32
    %dma_start3A_182 = arith.constant 384 : i32
    %dma_start3A_183 = tpu.memref_slice %arg8[%dma_start3A_182] : memref<512xi32, #tpu.memory_space<vmem>> -> memref<64xi32, #tpu.memory_space<vmem>>
    %dma_start3A_184 = arith.constant 0 : i32
    %dma_start3A_185 = arith.constant 0 : i32
    %dma_start3A_186 = tpu.memref_slice %arg5[%dma_start3A_184, %dma_start3A_185] : memref<100000x128xf32, #tpu.memory_space<hbm>> -> memref<100000x128xf32, #tpu.memory_space<hbm>>
    tpu.enqueue_indirect_dma source(%dma_start3A_186 : memref<100000x128xf32, #tpu.memory_space<hbm>>) target(%arg11 : memref<64x128xf32, #tpu.memory_space<vmem>>) offsets(%dma_start3A_183 : memref<64xi32, #tpu.memory_space<vmem>>) semaphore(%arg21 : memref<!tpu.dma_semaphore, #tpu.memory_space<semaphore_mem>>)
    %dma_start3A_187 = arith.constant 384 : i32
    %dma_start3A_188 = tpu.memref_slice %arg9[%dma_start3A_187] : memref<512xi32, #tpu.memory_space<vmem>> -> memref<64xi32, #tpu.memory_space<vmem>>
    %dma_start3A_189 = arith.constant 0 : i32
    %dma_start3A_190 = arith.constant 0 : i32
    %dma_start3A_191 = tpu.memref_slice %arg6[%dma_start3A_189, %dma_start3A_190] : memref<1000x128xf32, #tpu.memory_space<hbm>> -> memref<1000x128xf32, #tpu.memory_space<hbm>>
    tpu.enqueue_indirect_dma source(%dma_start3A_191 : memref<1000x128xf32, #tpu.memory_space<hbm>>) target(%arg12 : memref<64x128xf32, #tpu.memory_space<vmem>>) offsets(%dma_start3A_188 : memref<64xi32, #tpu.memory_space<vmem>>) semaphore(%arg21 : memref<!tpu.dma_semaphore, #tpu.memory_space<semaphore_mem>>)
    %dma_start3A_192 = arith.constant 384 : i32
    %dma_start3A_193 = tpu.memref_slice %arg10[%dma_start3A_192] : memref<512xi32, #tpu.memory_space<vmem>> -> memref<64xi32, #tpu.memory_space<vmem>>
    %dma_start3A_194 = arith.constant 0 : i32
    %dma_start3A_195 = arith.constant 0 : i32
    %dma_start3A_196 = tpu.memref_slice %arg5[%dma_start3A_194, %dma_start3A_195] : memref<100000x128xf32, #tpu.memory_space<hbm>> -> memref<100000x128xf32, #tpu.memory_space<hbm>>
    tpu.enqueue_indirect_dma source(%dma_start3A_196 : memref<100000x128xf32, #tpu.memory_space<hbm>>) target(%arg13 : memref<64x128xf32, #tpu.memory_space<vmem>>) offsets(%dma_start3A_193 : memref<64xi32, #tpu.memory_space<vmem>>) semaphore(%arg21 : memref<!tpu.dma_semaphore, #tpu.memory_space<semaphore_mem>>)
    %dma_wait3A_197 = arith.constant 256 : i32
    %dma_wait3A_198 = tpu.memref_slice %arg8[%dma_wait3A_197] : memref<512xi32, #tpu.memory_space<vmem>> -> memref<64xi32, #tpu.memory_space<vmem>>
    %dma_wait3A_199 = arith.constant 0 : i32
    %dma_wait3A_200 = arith.constant 0 : i32
    %dma_wait3A_201 = tpu.memref_slice %arg5[%dma_wait3A_199, %dma_wait3A_200] : memref<100000x128xf32, #tpu.memory_space<hbm>> -> memref<100000x128xf32, #tpu.memory_space<hbm>>
    tpu.wait_indirect_dma semaphore(%arg22 : memref<!tpu.dma_semaphore, #tpu.memory_space<semaphore_mem>>) src(%dma_wait3A_201 : memref<100000x128xf32, #tpu.memory_space<hbm>>) dst(%arg14 : memref<64x128xf32, #tpu.memory_space<vmem>>)
    %dma_wait3A_202 = arith.constant 256 : i32
    %dma_wait3A_203 = tpu.memref_slice %arg9[%dma_wait3A_202] : memref<512xi32, #tpu.memory_space<vmem>> -> memref<64xi32, #tpu.memory_space<vmem>>
    %dma_wait3A_204 = arith.constant 0 : i32
    %dma_wait3A_205 = arith.constant 0 : i32
    %dma_wait3A_206 = tpu.memref_slice %arg6[%dma_wait3A_204, %dma_wait3A_205] : memref<1000x128xf32, #tpu.memory_space<hbm>> -> memref<1000x128xf32, #tpu.memory_space<hbm>>
    tpu.wait_indirect_dma semaphore(%arg22 : memref<!tpu.dma_semaphore, #tpu.memory_space<semaphore_mem>>) src(%dma_wait3A_206 : memref<1000x128xf32, #tpu.memory_space<hbm>>) dst(%arg15 : memref<64x128xf32, #tpu.memory_space<vmem>>)
    %dma_wait3A_207 = arith.constant 256 : i32
    %dma_wait3A_208 = tpu.memref_slice %arg10[%dma_wait3A_207] : memref<512xi32, #tpu.memory_space<vmem>> -> memref<64xi32, #tpu.memory_space<vmem>>
    %dma_wait3A_209 = arith.constant 0 : i32
    %dma_wait3A_210 = arith.constant 0 : i32
    %dma_wait3A_211 = tpu.memref_slice %arg5[%dma_wait3A_209, %dma_wait3A_210] : memref<100000x128xf32, #tpu.memory_space<hbm>> -> memref<100000x128xf32, #tpu.memory_space<hbm>>
    tpu.wait_indirect_dma semaphore(%arg22 : memref<!tpu.dma_semaphore, #tpu.memory_space<semaphore_mem>>) src(%dma_wait3A_211 : memref<100000x128xf32, #tpu.memory_space<hbm>>) dst(%arg16 : memref<64x128xf32, #tpu.memory_space<vmem>>)
    %scan3A_212 = arith.constant 0 : i32
    %scan3A_213 = arith.constant 4 : i32
    %scan3A_214 = arith.addi %scan3A_212, %scan3A_213 : i32
    %scan3A_215 = arith.constant 1 : i32
    scf.for %scan3A_292 = %scan3A_212 to %scan3A_214 step %scan3A_215  : i32 {
      %mul3A_293 = arith.constant 16 : i32
      %mul3A_294 = arith.muli %scan3A_292, %mul3A_293 : i32
      %add3A_295 = vector.broadcast %mul3A_294 : i32 to vector<16xi32>
      %add3A_296 = arith.addi %iota3A, %add3A_295 : vector<16xi32>
      %broadcast_in_dim3A = arith.constant 0.000000e+00 : f32
      %broadcast_in_dim3A_297 = vector.broadcast %broadcast_in_dim3A : f32 to vector<16xf32>
      %parallel_loop3A = arith.constant 0 : i32
      %parallel_loop3A_298 = arith.constant 16 : i32
      %parallel_loop3A_299 = arith.constant 1 : i32
      %parallel_loop3A_300:5 = scf.for %parallel_loop3A_329 = %parallel_loop3A to %parallel_loop3A_298 step %parallel_loop3A_299 iter_args(%parallel_loop3A_330 = %iota3A, %parallel_loop3A_331 = %broadcast_in_dim3A_297, %parallel_loop3A_332 = %broadcast_in_dim3A_297, %parallel_loop3A_333 = %broadcast_in_dim3A_297, %parallel_loop3A_334 = %broadcast_in_dim3A_297) -> (vector<16xi32>, vector<16xf32>, vector<16xf32>, vector<16xf32>, vector<16xf32>)  : i32 {
        %parallel_loop3A_335 = arith.constant 0 : i32
        %parallel_loop3A_336 = vector.broadcast %parallel_loop3A_335 : i32 to vector<16xi32>
        %parallel_loop3A_337 = arith.addi %parallel_loop3A_330, %parallel_loop3A_336 : vector<16xi32>
        %parallel_loop3A_338 = arith.constant 127 : i32
        %parallel_loop3A_339 = vector.broadcast %parallel_loop3A_338 : i32 to vector<16xi32>
        %parallel_loop3A_340 = arith.andi %parallel_loop3A_337, %parallel_loop3A_339 : vector<16xi32>
        %parallel_loop3A_341 = tpu.vector_load_idx %arg16[%add3A_296, %parallel_loop3A_340] : memref<64x128xf32, #tpu.memory_space<vmem>>[vector<16xi32>, vector<16xi32>], vector<16xf32>,
        %parallel_loop3A_342 = tpu.vector_load_idx %arg14[%add3A_296, %parallel_loop3A_340] : memref<64x128xf32, #tpu.memory_space<vmem>>[vector<16xi32>, vector<16xi32>], vector<16xf32>,
        %parallel_loop3A_343 = tpu.vector_load_idx %arg15[%add3A_296, %parallel_loop3A_340] : memref<64x128xf32, #tpu.memory_space<vmem>>[vector<16xi32>, vector<16xi32>], vector<16xf32>,
        %parallel_loop3A_344 = arith.subf %parallel_loop3A_341, %parallel_loop3A_342 : vector<16xf32>
        %parallel_loop3A_345 = arith.subf %parallel_loop3A_344, %parallel_loop3A_343 : vector<16xf32>
        %parallel_loop3A_346 = arith.mulf %parallel_loop3A_345, %parallel_loop3A_345 : vector<16xf32>
        %parallel_loop3A_347 = arith.addf %parallel_loop3A_331, %parallel_loop3A_346 : vector<16xf32>
        %parallel_loop3A_348 = arith.constant 1 : i32
        %parallel_loop3A_349 = vector.broadcast %parallel_loop3A_348 : i32 to vector<16xi32>
        %parallel_loop3A_350 = arith.addi %parallel_loop3A_330, %parallel_loop3A_349 : vector<16xi32>
        %parallel_loop3A_351 = arith.constant 127 : i32
        %parallel_loop3A_352 = vector.broadcast %parallel_loop3A_351 : i32 to vector<16xi32>
        %parallel_loop3A_353 = arith.andi %parallel_loop3A_350, %parallel_loop3A_352 : vector<16xi32>
        %parallel_loop3A_354 = tpu.vector_load_idx %arg16[%add3A_296, %parallel_loop3A_353] : memref<64x128xf32, #tpu.memory_space<vmem>>[vector<16xi32>, vector<16xi32>], vector<16xf32>,
        %parallel_loop3A_355 = tpu.vector_load_idx %arg14[%add3A_296, %parallel_loop3A_353] : memref<64x128xf32, #tpu.memory_space<vmem>>[vector<16xi32>, vector<16xi32>], vector<16xf32>,
        %parallel_loop3A_356 = tpu.vector_load_idx %arg15[%add3A_296, %parallel_loop3A_353] : memref<64x128xf32, #tpu.memory_space<vmem>>[vector<16xi32>, vector<16xi32>], vector<16xf32>,
        %parallel_loop3A_357 = arith.subf %parallel_loop3A_354, %parallel_loop3A_355 : vector<16xf32>
        %parallel_loop3A_358 = arith.subf %parallel_loop3A_357, %parallel_loop3A_356 : vector<16xf32>
        %parallel_loop3A_359 = arith.mulf %parallel_loop3A_358, %parallel_loop3A_358 : vector<16xf32>
        %parallel_loop3A_360 = arith.addf %parallel_loop3A_332, %parallel_loop3A_359 : vector<16xf32>
        %parallel_loop3A_361 = arith.constant 2 : i32
        %parallel_loop3A_362 = vector.broadcast %parallel_loop3A_361 : i32 to vector<16xi32>
        %parallel_loop3A_363 = arith.addi %parallel_loop3A_330, %parallel_loop3A_362 : vector<16xi32>
        %parallel_loop3A_364 = arith.constant 127 : i32
        %parallel_loop3A_365 = vector.broadcast %parallel_loop3A_364 : i32 to vector<16xi32>
        %parallel_loop3A_366 = arith.andi %parallel_loop3A_363, %parallel_loop3A_365 : vector<16xi32>
        %parallel_loop3A_367 = tpu.vector_load_idx %arg16[%add3A_296, %parallel_loop3A_366] : memref<64x128xf32, #tpu.memory_space<vmem>>[vector<16xi32>, vector<16xi32>], vector<16xf32>,
        %parallel_loop3A_368 = tpu.vector_load_idx %arg14[%add3A_296, %parallel_loop3A_366] : memref<64x128xf32, #tpu.memory_space<vmem>>[vector<16xi32>, vector<16xi32>], vector<16xf32>,
        %parallel_loop3A_369 = tpu.vector_load_idx %arg15[%add3A_296, %parallel_loop3A_366] : memref<64x128xf32, #tpu.memory_space<vmem>>[vector<16xi32>, vector<16xi32>], vector<16xf32>,
        %parallel_loop3A_370 = arith.subf %parallel_loop3A_367, %parallel_loop3A_368 : vector<16xf32>
        %parallel_loop3A_371 = arith.subf %parallel_loop3A_370, %parallel_loop3A_369 : vector<16xf32>
        %parallel_loop3A_372 = arith.mulf %parallel_loop3A_371, %parallel_loop3A_371 : vector<16xf32>
        %parallel_loop3A_373 = arith.addf %parallel_loop3A_333, %parallel_loop3A_372 : vector<16xf32>
        %parallel_loop3A_374 = arith.constant 3 : i32
        %parallel_loop3A_375 = vector.broadcast %parallel_loop3A_374 : i32 to vector<16xi32>
        %parallel_loop3A_376 = arith.addi %parallel_loop3A_330, %parallel_loop3A_375 : vector<16xi32>
        %parallel_loop3A_377 = arith.constant 127 : i32
        %parallel_loop3A_378 = vector.broadcast %parallel_loop3A_377 : i32 to vector<16xi32>
        %parallel_loop3A_379 = arith.andi %parallel_loop3A_376, %parallel_loop3A_378 : vector<16xi32>
        %parallel_loop3A_380 = tpu.vector_load_idx %arg16[%add3A_296, %parallel_loop3A_379] : memref<64x128xf32, #tpu.memory_space<vmem>>[vector<16xi32>, vector<16xi32>], vector<16xf32>,
        %parallel_loop3A_381 = tpu.vector_load_idx %arg14[%add3A_296, %parallel_loop3A_379] : memref<64x128xf32, #tpu.memory_space<vmem>>[vector<16xi32>, vector<16xi32>], vector<16xf32>,
        %parallel_loop3A_382 = tpu.vector_load_idx %arg15[%add3A_296, %parallel_loop3A_379] : memref<64x128xf32, #tpu.memory_space<vmem>>[vector<16xi32>, vector<16xi32>], vector<16xf32>,
        %parallel_loop3A_383 = arith.subf %parallel_loop3A_380, %parallel_loop3A_381 : vector<16xf32>
        %parallel_loop3A_384 = arith.subf %parallel_loop3A_383, %parallel_loop3A_382 : vector<16xf32>
        %parallel_loop3A_385 = arith.mulf %parallel_loop3A_384, %parallel_loop3A_384 : vector<16xf32>
        %parallel_loop3A_386 = arith.addf %parallel_loop3A_334, %parallel_loop3A_385 : vector<16xf32>
        %parallel_loop3A_387 = arith.constant 4 : i32
        %parallel_loop3A_388 = vector.broadcast %parallel_loop3A_387 : i32 to vector<16xi32>
        %parallel_loop3A_389 = arith.addi %parallel_loop3A_330, %parallel_loop3A_388 : vector<16xi32>
        %parallel_loop3A_390 = arith.constant 127 : i32
        %parallel_loop3A_391 = vector.broadcast %parallel_loop3A_390 : i32 to vector<16xi32>
        %parallel_loop3A_392 = arith.andi %parallel_loop3A_389, %parallel_loop3A_391 : vector<16xi32>
        %parallel_loop3A_393 = tpu.vector_load_idx %arg16[%add3A_296, %parallel_loop3A_392] : memref<64x128xf32, #tpu.memory_space<vmem>>[vector<16xi32>, vector<16xi32>], vector<16xf32>,
        %parallel_loop3A_394 = tpu.vector_load_idx %arg14[%add3A_296, %parallel_loop3A_392] : memref<64x128xf32, #tpu.memory_space<vmem>>[vector<16xi32>, vector<16xi32>], vector<16xf32>,
        %parallel_loop3A_395 = tpu.vector_load_idx %arg15[%add3A_296, %parallel_loop3A_392] : memref<64x128xf32, #tpu.memory_space<vmem>>[vector<16xi32>, vector<16xi32>], vector<16xf32>,
        %parallel_loop3A_396 = arith.subf %parallel_loop3A_393, %parallel_loop3A_394 : vector<16xf32>
        %parallel_loop3A_397 = arith.subf %parallel_loop3A_396, %parallel_loop3A_395 : vector<16xf32>
        %parallel_loop3A_398 = arith.mulf %parallel_loop3A_397, %parallel_loop3A_397 : vector<16xf32>
        %parallel_loop3A_399 = arith.addf %parallel_loop3A_347, %parallel_loop3A_398 : vector<16xf32>
        %parallel_loop3A_400 = arith.constant 5 : i32
        %parallel_loop3A_401 = vector.broadcast %parallel_loop3A_400 : i32 to vector<16xi32>
        %parallel_loop3A_402 = arith.addi %parallel_loop3A_330, %parallel_loop3A_401 : vector<16xi32>
        %parallel_loop3A_403 = arith.constant 127 : i32
        %parallel_loop3A_404 = vector.broadcast %parallel_loop3A_403 : i32 to vector<16xi32>
        %parallel_loop3A_405 = arith.andi %parallel_loop3A_402, %parallel_loop3A_404 : vector<16xi32>
        %parallel_loop3A_406 = tpu.vector_load_idx %arg16[%add3A_296, %parallel_loop3A_405] : memref<64x128xf32, #tpu.memory_space<vmem>>[vector<16xi32>, vector<16xi32>], vector<16xf32>,
        %parallel_loop3A_407 = tpu.vector_load_idx %arg14[%add3A_296, %parallel_loop3A_405] : memref<64x128xf32, #tpu.memory_space<vmem>>[vector<16xi32>, vector<16xi32>], vector<16xf32>,
        %parallel_loop3A_408 = tpu.vector_load_idx %arg15[%add3A_296, %parallel_loop3A_405] : memref<64x128xf32, #tpu.memory_space<vmem>>[vector<16xi32>, vector<16xi32>], vector<16xf32>,
        %parallel_loop3A_409 = arith.subf %parallel_loop3A_406, %parallel_loop3A_407 : vector<16xf32>
        %parallel_loop3A_410 = arith.subf %parallel_loop3A_409, %parallel_loop3A_408 : vector<16xf32>
        %parallel_loop3A_411 = arith.mulf %parallel_loop3A_410, %parallel_loop3A_410 : vector<16xf32>
        %parallel_loop3A_412 = arith.addf %parallel_loop3A_360, %parallel_loop3A_411 : vector<16xf32>
        %parallel_loop3A_413 = arith.constant 6 : i32
        %parallel_loop3A_414 = vector.broadcast %parallel_loop3A_413 : i32 to vector<16xi32>
        %parallel_loop3A_415 = arith.addi %parallel_loop3A_330, %parallel_loop3A_414 : vector<16xi32>
        %parallel_loop3A_416 = arith.constant 127 : i32
        %parallel_loop3A_417 = vector.broadcast %parallel_loop3A_416 : i32 to vector<16xi32>
        %parallel_loop3A_418 = arith.andi %parallel_loop3A_415, %parallel_loop3A_417 : vector<16xi32>
        %parallel_loop3A_419 = tpu.vector_load_idx %arg16[%add3A_296, %parallel_loop3A_418] : memref<64x128xf32, #tpu.memory_space<vmem>>[vector<16xi32>, vector<16xi32>], vector<16xf32>,
        %parallel_loop3A_420 = tpu.vector_load_idx %arg14[%add3A_296, %parallel_loop3A_418] : memref<64x128xf32, #tpu.memory_space<vmem>>[vector<16xi32>, vector<16xi32>], vector<16xf32>,
        %parallel_loop3A_421 = tpu.vector_load_idx %arg15[%add3A_296, %parallel_loop3A_418] : memref<64x128xf32, #tpu.memory_space<vmem>>[vector<16xi32>, vector<16xi32>], vector<16xf32>,
        %parallel_loop3A_422 = arith.subf %parallel_loop3A_419, %parallel_loop3A_420 : vector<16xf32>
        %parallel_loop3A_423 = arith.subf %parallel_loop3A_422, %parallel_loop3A_421 : vector<16xf32>
        %parallel_loop3A_424 = arith.mulf %parallel_loop3A_423, %parallel_loop3A_423 : vector<16xf32>
        %parallel_loop3A_425 = arith.addf %parallel_loop3A_373, %parallel_loop3A_424 : vector<16xf32>
        %parallel_loop3A_426 = arith.constant 7 : i32
        %parallel_loop3A_427 = vector.broadcast %parallel_loop3A_426 : i32 to vector<16xi32>
        %parallel_loop3A_428 = arith.addi %parallel_loop3A_330, %parallel_loop3A_427 : vector<16xi32>
        %parallel_loop3A_429 = arith.constant 127 : i32
        %parallel_loop3A_430 = vector.broadcast %parallel_loop3A_429 : i32 to vector<16xi32>
        %parallel_loop3A_431 = arith.andi %parallel_loop3A_428, %parallel_loop3A_430 : vector<16xi32>
        %parallel_loop3A_432 = tpu.vector_load_idx %arg16[%add3A_296, %parallel_loop3A_431] : memref<64x128xf32, #tpu.memory_space<vmem>>[vector<16xi32>, vector<16xi32>], vector<16xf32>,
        %parallel_loop3A_433 = tpu.vector_load_idx %arg14[%add3A_296, %parallel_loop3A_431] : memref<64x128xf32, #tpu.memory_space<vmem>>[vector<16xi32>, vector<16xi32>], vector<16xf32>,
        %parallel_loop3A_434 = tpu.vector_load_idx %arg15[%add3A_296, %parallel_loop3A_431] : memref<64x128xf32, #tpu.memory_space<vmem>>[vector<16xi32>, vector<16xi32>], vector<16xf32>,
        %parallel_loop3A_435 = arith.subf %parallel_loop3A_432, %parallel_loop3A_433 : vector<16xf32>
        %parallel_loop3A_436 = arith.subf %parallel_loop3A_435, %parallel_loop3A_434 : vector<16xf32>
        %parallel_loop3A_437 = arith.mulf %parallel_loop3A_436, %parallel_loop3A_436 : vector<16xf32>
        %parallel_loop3A_438 = arith.addf %parallel_loop3A_386, %parallel_loop3A_437 : vector<16xf32>
        %parallel_loop3A_439 = arith.constant 8 : i32
        %parallel_loop3A_440 = vector.broadcast %parallel_loop3A_439 : i32 to vector<16xi32>
        %parallel_loop3A_441 = arith.addi %parallel_loop3A_330, %parallel_loop3A_440 : vector<16xi32>
        scf.yield %parallel_loop3A_441, %parallel_loop3A_399, %parallel_loop3A_412, %parallel_loop3A_425, %parallel_loop3A_438 : vector<16xi32>, vector<16xf32>, vector<16xf32>, vector<16xf32>, vector<16xf32>
      } {sc.loop_unroll_factor = 1 : i64, sc.parallel_access}
      %add3A_301 = arith.addf %parallel_loop3A_300#1, %parallel_loop3A_300#2 : vector<16xf32>
      %add3A_302 = arith.addf %parallel_loop3A_300#3, %parallel_loop3A_300#4 : vector<16xf32>
      %add3A_303 = arith.addf %add3A_301, %add3A_302 : vector<16xf32>
      %bitcast_convert_type3A = tpu.bitcast %add3A_303 : vector<16xf32> -> vector<16xi32>
      %shift_right_arithmetic3A = arith.constant 1 : i32
      %shift_right_arithmetic3A_304 = vector.broadcast %shift_right_arithmetic3A : i32 to vector<16xi32>
      %shift_right_arithmetic3A_305 = arith.shrsi %bitcast_convert_type3A, %shift_right_arithmetic3A_304 : vector<16xi32>
      %add3A_306 = arith.constant 532487669 : i32
      %add3A_307 = vector.broadcast %add3A_306 : i32 to vector<16xi32>
      %add3A_308 = arith.addi %add3A_307, %shift_right_arithmetic3A_305 : vector<16xi32>
      %bitcast_convert_type3A_309 = tpu.bitcast %add3A_308 : vector<16xi32> -> vector<16xf32>
      %div3A = arith.divf %add3A_303, %bitcast_convert_type3A_309 : vector<16xf32>
      %add3A_310 = arith.addf %bitcast_convert_type3A_309, %div3A : vector<16xf32>
      %mul3A_311 = arith.constant 5.000000e-01 : f32
      %mul3A_312 = vector.broadcast %mul3A_311 : f32 to vector<16xf32>
      %mul3A_313 = arith.mulf %mul3A_312, %add3A_310 : vector<16xf32>
      %div3A_314 = arith.divf %add3A_303, %mul3A_313 : vector<16xf32>
      %add3A_315 = arith.addf %mul3A_313, %div3A_314 : vector<16xf32>
      %mul3A_316 = arith.constant 5.000000e-01 : f32
      %mul3A_317 = vector.broadcast %mul3A_316 : f32 to vector<16xf32>
      %mul3A_318 = arith.mulf %mul3A_317, %add3A_315 : vector<16xf32>
      %div3A_319 = arith.divf %add3A_303, %mul3A_318 : vector<16xf32>
      %add3A_320 = arith.addf %mul3A_318, %div3A_319 : vector<16xf32>
      %mul3A_321 = arith.constant 5.000000e-01 : f32
      %mul3A_322 = vector.broadcast %mul3A_321 : f32 to vector<16xf32>
      %mul3A_323 = arith.mulf %mul3A_322, %add3A_320 : vector<16xf32>
      %mul3A_324 = arith.constant 16 : i32
      %mul3A_325 = arith.muli %scan3A_292, %mul3A_324 : i32
      %add3A_326 = arith.constant 256 : i32
      %add3A_327 = arith.addi %add3A_326, %mul3A_325 : i32
      %swap3A = arith.index_cast %add3A_327 : i32 to index
      %swap3A_328 = tpu.vector_load %arg20[%swap3A] {strides = array<i32>} : memref<512xf32, #tpu.memory_space<vmem>>, vector<16xf32>,
      tpu.vector_store %arg20[%swap3A], %mul3A_323 {strides = array<i32>} : memref<512xf32, #tpu.memory_space<vmem>>, vector<16xf32>,
    }
    %scan3A_216 = arith.constant 4 : i32
    %dma_start3A_217 = arith.constant 448 : i32
    %dma_start3A_218 = tpu.memref_slice %arg8[%dma_start3A_217] : memref<512xi32, #tpu.memory_space<vmem>> -> memref<64xi32, #tpu.memory_space<vmem>>
    %dma_start3A_219 = arith.constant 0 : i32
    %dma_start3A_220 = arith.constant 0 : i32
    %dma_start3A_221 = tpu.memref_slice %arg5[%dma_start3A_219, %dma_start3A_220] : memref<100000x128xf32, #tpu.memory_space<hbm>> -> memref<100000x128xf32, #tpu.memory_space<hbm>>
    tpu.enqueue_indirect_dma source(%dma_start3A_221 : memref<100000x128xf32, #tpu.memory_space<hbm>>) target(%arg14 : memref<64x128xf32, #tpu.memory_space<vmem>>) offsets(%dma_start3A_218 : memref<64xi32, #tpu.memory_space<vmem>>) semaphore(%arg22 : memref<!tpu.dma_semaphore, #tpu.memory_space<semaphore_mem>>)
    %dma_start3A_222 = arith.constant 448 : i32
    %dma_start3A_223 = tpu.memref_slice %arg9[%dma_start3A_222] : memref<512xi32, #tpu.memory_space<vmem>> -> memref<64xi32, #tpu.memory_space<vmem>>
    %dma_start3A_224 = arith.constant 0 : i32
    %dma_start3A_225 = arith.constant 0 : i32
    %dma_start3A_226 = tpu.memref_slice %arg6[%dma_start3A_224, %dma_start3A_225] : memref<1000x128xf32, #tpu.memory_space<hbm>> -> memref<1000x128xf32, #tpu.memory_space<hbm>>
    tpu.enqueue_indirect_dma source(%dma_start3A_226 : memref<1000x128xf32, #tpu.memory_space<hbm>>) target(%arg15 : memref<64x128xf32, #tpu.memory_space<vmem>>) offsets(%dma_start3A_223 : memref<64xi32, #tpu.memory_space<vmem>>) semaphore(%arg22 : memref<!tpu.dma_semaphore, #tpu.memory_space<semaphore_mem>>)
    %dma_start3A_227 = arith.constant 448 : i32
    %dma_start3A_228 = tpu.memref_slice %arg10[%dma_start3A_227] : memref<512xi32, #tpu.memory_space<vmem>> -> memref<64xi32, #tpu.memory_space<vmem>>
    %dma_start3A_229 = arith.constant 0 : i32
    %dma_start3A_230 = arith.constant 0 : i32
    %dma_start3A_231 = tpu.memref_slice %arg5[%dma_start3A_229, %dma_start3A_230] : memref<100000x128xf32, #tpu.memory_space<hbm>> -> memref<100000x128xf32, #tpu.memory_space<hbm>>
    tpu.enqueue_indirect_dma source(%dma_start3A_231 : memref<100000x128xf32, #tpu.memory_space<hbm>>) target(%arg16 : memref<64x128xf32, #tpu.memory_space<vmem>>) offsets(%dma_start3A_228 : memref<64xi32, #tpu.memory_space<vmem>>) semaphore(%arg22 : memref<!tpu.dma_semaphore, #tpu.memory_space<semaphore_mem>>)
    %dma_wait3A_232 = arith.constant 320 : i32
    %dma_wait3A_233 = tpu.memref_slice %arg8[%dma_wait3A_232] : memref<512xi32, #tpu.memory_space<vmem>> -> memref<64xi32, #tpu.memory_space<vmem>>
    %dma_wait3A_234 = arith.constant 0 : i32
    %dma_wait3A_235 = arith.constant 0 : i32
    %dma_wait3A_236 = tpu.memref_slice %arg5[%dma_wait3A_234, %dma_wait3A_235] : memref<100000x128xf32, #tpu.memory_space<hbm>> -> memref<100000x128xf32, #tpu.memory_space<hbm>>
    tpu.wait_indirect_dma semaphore(%arg23 : memref<!tpu.dma_semaphore, #tpu.memory_space<semaphore_mem>>) src(%dma_wait3A_236 : memref<100000x128xf32, #tpu.memory_space<hbm>>) dst(%arg17 : memref<64x128xf32, #tpu.memory_space<vmem>>)
    %dma_wait3A_237 = arith.constant 320 : i32
    %dma_wait3A_238 = tpu.memref_slice %arg9[%dma_wait3A_237] : memref<512xi32, #tpu.memory_space<vmem>> -> memref<64xi32, #tpu.memory_space<vmem>>
    %dma_wait3A_239 = arith.constant 0 : i32
    %dma_wait3A_240 = arith.constant 0 : i32
    %dma_wait3A_241 = tpu.memref_slice %arg6[%dma_wait3A_239, %dma_wait3A_240] : memref<1000x128xf32, #tpu.memory_space<hbm>> -> memref<1000x128xf32, #tpu.memory_space<hbm>>
    tpu.wait_indirect_dma semaphore(%arg23 : memref<!tpu.dma_semaphore, #tpu.memory_space<semaphore_mem>>) src(%dma_wait3A_241 : memref<1000x128xf32, #tpu.memory_space<hbm>>) dst(%arg18 : memref<64x128xf32, #tpu.memory_space<vmem>>)
    %dma_wait3A_242 = arith.constant 320 : i32
    %dma_wait3A_243 = tpu.memref_slice %arg10[%dma_wait3A_242] : memref<512xi32, #tpu.memory_space<vmem>> -> memref<64xi32, #tpu.memory_space<vmem>>
    %dma_wait3A_244 = arith.constant 0 : i32
    %dma_wait3A_245 = arith.constant 0 : i32
    %dma_wait3A_246 = tpu.memref_slice %arg5[%dma_wait3A_244, %dma_wait3A_245] : memref<100000x128xf32, #tpu.memory_space<hbm>> -> memref<100000x128xf32, #tpu.memory_space<hbm>>
    tpu.wait_indirect_dma semaphore(%arg23 : memref<!tpu.dma_semaphore, #tpu.memory_space<semaphore_mem>>) src(%dma_wait3A_246 : memref<100000x128xf32, #tpu.memory_space<hbm>>) dst(%arg19 : memref<64x128xf32, #tpu.memory_space<vmem>>)
    %scan3A_247 = arith.constant 0 : i32
    %scan3A_248 = arith.constant 4 : i32
    %scan3A_249 = arith.addi %scan3A_247, %scan3A_248 : i32
    %scan3A_250 = arith.constant 1 : i32
    scf.for %scan3A_292 = %scan3A_247 to %scan3A_249 step %scan3A_250  : i32 {
      %mul3A_293 = arith.constant 16 : i32
      %mul3A_294 = arith.muli %scan3A_292, %mul3A_293 : i32
      %add3A_295 = vector.broadcast %mul3A_294 : i32 to vector<16xi32>
      %add3A_296 = arith.addi %iota3A, %add3A_295 : vector<16xi32>
      %broadcast_in_dim3A = arith.constant 0.000000e+00 : f32
      %broadcast_in_dim3A_297 = vector.broadcast %broadcast_in_dim3A : f32 to vector<16xf32>
      %parallel_loop3A = arith.constant 0 : i32
      %parallel_loop3A_298 = arith.constant 16 : i32
      %parallel_loop3A_299 = arith.constant 1 : i32
      %parallel_loop3A_300:5 = scf.for %parallel_loop3A_329 = %parallel_loop3A to %parallel_loop3A_298 step %parallel_loop3A_299 iter_args(%parallel_loop3A_330 = %iota3A, %parallel_loop3A_331 = %broadcast_in_dim3A_297, %parallel_loop3A_332 = %broadcast_in_dim3A_297, %parallel_loop3A_333 = %broadcast_in_dim3A_297, %parallel_loop3A_334 = %broadcast_in_dim3A_297) -> (vector<16xi32>, vector<16xf32>, vector<16xf32>, vector<16xf32>, vector<16xf32>)  : i32 {
        %parallel_loop3A_335 = arith.constant 0 : i32
        %parallel_loop3A_336 = vector.broadcast %parallel_loop3A_335 : i32 to vector<16xi32>
        %parallel_loop3A_337 = arith.addi %parallel_loop3A_330, %parallel_loop3A_336 : vector<16xi32>
        %parallel_loop3A_338 = arith.constant 127 : i32
        %parallel_loop3A_339 = vector.broadcast %parallel_loop3A_338 : i32 to vector<16xi32>
        %parallel_loop3A_340 = arith.andi %parallel_loop3A_337, %parallel_loop3A_339 : vector<16xi32>
        %parallel_loop3A_341 = tpu.vector_load_idx %arg19[%add3A_296, %parallel_loop3A_340] : memref<64x128xf32, #tpu.memory_space<vmem>>[vector<16xi32>, vector<16xi32>], vector<16xf32>,
        %parallel_loop3A_342 = tpu.vector_load_idx %arg17[%add3A_296, %parallel_loop3A_340] : memref<64x128xf32, #tpu.memory_space<vmem>>[vector<16xi32>, vector<16xi32>], vector<16xf32>,
        %parallel_loop3A_343 = tpu.vector_load_idx %arg18[%add3A_296, %parallel_loop3A_340] : memref<64x128xf32, #tpu.memory_space<vmem>>[vector<16xi32>, vector<16xi32>], vector<16xf32>,
        %parallel_loop3A_344 = arith.subf %parallel_loop3A_341, %parallel_loop3A_342 : vector<16xf32>
        %parallel_loop3A_345 = arith.subf %parallel_loop3A_344, %parallel_loop3A_343 : vector<16xf32>
        %parallel_loop3A_346 = arith.mulf %parallel_loop3A_345, %parallel_loop3A_345 : vector<16xf32>
        %parallel_loop3A_347 = arith.addf %parallel_loop3A_331, %parallel_loop3A_346 : vector<16xf32>
        %parallel_loop3A_348 = arith.constant 1 : i32
        %parallel_loop3A_349 = vector.broadcast %parallel_loop3A_348 : i32 to vector<16xi32>
        %parallel_loop3A_350 = arith.addi %parallel_loop3A_330, %parallel_loop3A_349 : vector<16xi32>
        %parallel_loop3A_351 = arith.constant 127 : i32
        %parallel_loop3A_352 = vector.broadcast %parallel_loop3A_351 : i32 to vector<16xi32>
        %parallel_loop3A_353 = arith.andi %parallel_loop3A_350, %parallel_loop3A_352 : vector<16xi32>
        %parallel_loop3A_354 = tpu.vector_load_idx %arg19[%add3A_296, %parallel_loop3A_353] : memref<64x128xf32, #tpu.memory_space<vmem>>[vector<16xi32>, vector<16xi32>], vector<16xf32>,
        %parallel_loop3A_355 = tpu.vector_load_idx %arg17[%add3A_296, %parallel_loop3A_353] : memref<64x128xf32, #tpu.memory_space<vmem>>[vector<16xi32>, vector<16xi32>], vector<16xf32>,
        %parallel_loop3A_356 = tpu.vector_load_idx %arg18[%add3A_296, %parallel_loop3A_353] : memref<64x128xf32, #tpu.memory_space<vmem>>[vector<16xi32>, vector<16xi32>], vector<16xf32>,
        %parallel_loop3A_357 = arith.subf %parallel_loop3A_354, %parallel_loop3A_355 : vector<16xf32>
        %parallel_loop3A_358 = arith.subf %parallel_loop3A_357, %parallel_loop3A_356 : vector<16xf32>
        %parallel_loop3A_359 = arith.mulf %parallel_loop3A_358, %parallel_loop3A_358 : vector<16xf32>
        %parallel_loop3A_360 = arith.addf %parallel_loop3A_332, %parallel_loop3A_359 : vector<16xf32>
        %parallel_loop3A_361 = arith.constant 2 : i32
        %parallel_loop3A_362 = vector.broadcast %parallel_loop3A_361 : i32 to vector<16xi32>
        %parallel_loop3A_363 = arith.addi %parallel_loop3A_330, %parallel_loop3A_362 : vector<16xi32>
        %parallel_loop3A_364 = arith.constant 127 : i32
        %parallel_loop3A_365 = vector.broadcast %parallel_loop3A_364 : i32 to vector<16xi32>
        %parallel_loop3A_366 = arith.andi %parallel_loop3A_363, %parallel_loop3A_365 : vector<16xi32>
        %parallel_loop3A_367 = tpu.vector_load_idx %arg19[%add3A_296, %parallel_loop3A_366] : memref<64x128xf32, #tpu.memory_space<vmem>>[vector<16xi32>, vector<16xi32>], vector<16xf32>,
        %parallel_loop3A_368 = tpu.vector_load_idx %arg17[%add3A_296, %parallel_loop3A_366] : memref<64x128xf32, #tpu.memory_space<vmem>>[vector<16xi32>, vector<16xi32>], vector<16xf32>,
        %parallel_loop3A_369 = tpu.vector_load_idx %arg18[%add3A_296, %parallel_loop3A_366] : memref<64x128xf32, #tpu.memory_space<vmem>>[vector<16xi32>, vector<16xi32>], vector<16xf32>,
        %parallel_loop3A_370 = arith.subf %parallel_loop3A_367, %parallel_loop3A_368 : vector<16xf32>
        %parallel_loop3A_371 = arith.subf %parallel_loop3A_370, %parallel_loop3A_369 : vector<16xf32>
        %parallel_loop3A_372 = arith.mulf %parallel_loop3A_371, %parallel_loop3A_371 : vector<16xf32>
        %parallel_loop3A_373 = arith.addf %parallel_loop3A_333, %parallel_loop3A_372 : vector<16xf32>
        %parallel_loop3A_374 = arith.constant 3 : i32
        %parallel_loop3A_375 = vector.broadcast %parallel_loop3A_374 : i32 to vector<16xi32>
        %parallel_loop3A_376 = arith.addi %parallel_loop3A_330, %parallel_loop3A_375 : vector<16xi32>
        %parallel_loop3A_377 = arith.constant 127 : i32
        %parallel_loop3A_378 = vector.broadcast %parallel_loop3A_377 : i32 to vector<16xi32>
        %parallel_loop3A_379 = arith.andi %parallel_loop3A_376, %parallel_loop3A_378 : vector<16xi32>
        %parallel_loop3A_380 = tpu.vector_load_idx %arg19[%add3A_296, %parallel_loop3A_379] : memref<64x128xf32, #tpu.memory_space<vmem>>[vector<16xi32>, vector<16xi32>], vector<16xf32>,
        %parallel_loop3A_381 = tpu.vector_load_idx %arg17[%add3A_296, %parallel_loop3A_379] : memref<64x128xf32, #tpu.memory_space<vmem>>[vector<16xi32>, vector<16xi32>], vector<16xf32>,
        %parallel_loop3A_382 = tpu.vector_load_idx %arg18[%add3A_296, %parallel_loop3A_379] : memref<64x128xf32, #tpu.memory_space<vmem>>[vector<16xi32>, vector<16xi32>], vector<16xf32>,
        %parallel_loop3A_383 = arith.subf %parallel_loop3A_380, %parallel_loop3A_381 : vector<16xf32>
        %parallel_loop3A_384 = arith.subf %parallel_loop3A_383, %parallel_loop3A_382 : vector<16xf32>
        %parallel_loop3A_385 = arith.mulf %parallel_loop3A_384, %parallel_loop3A_384 : vector<16xf32>
        %parallel_loop3A_386 = arith.addf %parallel_loop3A_334, %parallel_loop3A_385 : vector<16xf32>
        %parallel_loop3A_387 = arith.constant 4 : i32
        %parallel_loop3A_388 = vector.broadcast %parallel_loop3A_387 : i32 to vector<16xi32>
        %parallel_loop3A_389 = arith.addi %parallel_loop3A_330, %parallel_loop3A_388 : vector<16xi32>
        %parallel_loop3A_390 = arith.constant 127 : i32
        %parallel_loop3A_391 = vector.broadcast %parallel_loop3A_390 : i32 to vector<16xi32>
        %parallel_loop3A_392 = arith.andi %parallel_loop3A_389, %parallel_loop3A_391 : vector<16xi32>
        %parallel_loop3A_393 = tpu.vector_load_idx %arg19[%add3A_296, %parallel_loop3A_392] : memref<64x128xf32, #tpu.memory_space<vmem>>[vector<16xi32>, vector<16xi32>], vector<16xf32>,
        %parallel_loop3A_394 = tpu.vector_load_idx %arg17[%add3A_296, %parallel_loop3A_392] : memref<64x128xf32, #tpu.memory_space<vmem>>[vector<16xi32>, vector<16xi32>], vector<16xf32>,
        %parallel_loop3A_395 = tpu.vector_load_idx %arg18[%add3A_296, %parallel_loop3A_392] : memref<64x128xf32, #tpu.memory_space<vmem>>[vector<16xi32>, vector<16xi32>], vector<16xf32>,
        %parallel_loop3A_396 = arith.subf %parallel_loop3A_393, %parallel_loop3A_394 : vector<16xf32>
        %parallel_loop3A_397 = arith.subf %parallel_loop3A_396, %parallel_loop3A_395 : vector<16xf32>
        %parallel_loop3A_398 = arith.mulf %parallel_loop3A_397, %parallel_loop3A_397 : vector<16xf32>
        %parallel_loop3A_399 = arith.addf %parallel_loop3A_347, %parallel_loop3A_398 : vector<16xf32>
        %parallel_loop3A_400 = arith.constant 5 : i32
        %parallel_loop3A_401 = vector.broadcast %parallel_loop3A_400 : i32 to vector<16xi32>
        %parallel_loop3A_402 = arith.addi %parallel_loop3A_330, %parallel_loop3A_401 : vector<16xi32>
        %parallel_loop3A_403 = arith.constant 127 : i32
        %parallel_loop3A_404 = vector.broadcast %parallel_loop3A_403 : i32 to vector<16xi32>
        %parallel_loop3A_405 = arith.andi %parallel_loop3A_402, %parallel_loop3A_404 : vector<16xi32>
        %parallel_loop3A_406 = tpu.vector_load_idx %arg19[%add3A_296, %parallel_loop3A_405] : memref<64x128xf32, #tpu.memory_space<vmem>>[vector<16xi32>, vector<16xi32>], vector<16xf32>,
        %parallel_loop3A_407 = tpu.vector_load_idx %arg17[%add3A_296, %parallel_loop3A_405] : memref<64x128xf32, #tpu.memory_space<vmem>>[vector<16xi32>, vector<16xi32>], vector<16xf32>,
        %parallel_loop3A_408 = tpu.vector_load_idx %arg18[%add3A_296, %parallel_loop3A_405] : memref<64x128xf32, #tpu.memory_space<vmem>>[vector<16xi32>, vector<16xi32>], vector<16xf32>,
        %parallel_loop3A_409 = arith.subf %parallel_loop3A_406, %parallel_loop3A_407 : vector<16xf32>
        %parallel_loop3A_410 = arith.subf %parallel_loop3A_409, %parallel_loop3A_408 : vector<16xf32>
        %parallel_loop3A_411 = arith.mulf %parallel_loop3A_410, %parallel_loop3A_410 : vector<16xf32>
        %parallel_loop3A_412 = arith.addf %parallel_loop3A_360, %parallel_loop3A_411 : vector<16xf32>
        %parallel_loop3A_413 = arith.constant 6 : i32
        %parallel_loop3A_414 = vector.broadcast %parallel_loop3A_413 : i32 to vector<16xi32>
        %parallel_loop3A_415 = arith.addi %parallel_loop3A_330, %parallel_loop3A_414 : vector<16xi32>
        %parallel_loop3A_416 = arith.constant 127 : i32
        %parallel_loop3A_417 = vector.broadcast %parallel_loop3A_416 : i32 to vector<16xi32>
        %parallel_loop3A_418 = arith.andi %parallel_loop3A_415, %parallel_loop3A_417 : vector<16xi32>
        %parallel_loop3A_419 = tpu.vector_load_idx %arg19[%add3A_296, %parallel_loop3A_418] : memref<64x128xf32, #tpu.memory_space<vmem>>[vector<16xi32>, vector<16xi32>], vector<16xf32>,
        %parallel_loop3A_420 = tpu.vector_load_idx %arg17[%add3A_296, %parallel_loop3A_418] : memref<64x128xf32, #tpu.memory_space<vmem>>[vector<16xi32>, vector<16xi32>], vector<16xf32>,
        %parallel_loop3A_421 = tpu.vector_load_idx %arg18[%add3A_296, %parallel_loop3A_418] : memref<64x128xf32, #tpu.memory_space<vmem>>[vector<16xi32>, vector<16xi32>], vector<16xf32>,
        %parallel_loop3A_422 = arith.subf %parallel_loop3A_419, %parallel_loop3A_420 : vector<16xf32>
        %parallel_loop3A_423 = arith.subf %parallel_loop3A_422, %parallel_loop3A_421 : vector<16xf32>
        %parallel_loop3A_424 = arith.mulf %parallel_loop3A_423, %parallel_loop3A_423 : vector<16xf32>
        %parallel_loop3A_425 = arith.addf %parallel_loop3A_373, %parallel_loop3A_424 : vector<16xf32>
        %parallel_loop3A_426 = arith.constant 7 : i32
        %parallel_loop3A_427 = vector.broadcast %parallel_loop3A_426 : i32 to vector<16xi32>
        %parallel_loop3A_428 = arith.addi %parallel_loop3A_330, %parallel_loop3A_427 : vector<16xi32>
        %parallel_loop3A_429 = arith.constant 127 : i32
        %parallel_loop3A_430 = vector.broadcast %parallel_loop3A_429 : i32 to vector<16xi32>
        %parallel_loop3A_431 = arith.andi %parallel_loop3A_428, %parallel_loop3A_430 : vector<16xi32>
        %parallel_loop3A_432 = tpu.vector_load_idx %arg19[%add3A_296, %parallel_loop3A_431] : memref<64x128xf32, #tpu.memory_space<vmem>>[vector<16xi32>, vector<16xi32>], vector<16xf32>,
        %parallel_loop3A_433 = tpu.vector_load_idx %arg17[%add3A_296, %parallel_loop3A_431] : memref<64x128xf32, #tpu.memory_space<vmem>>[vector<16xi32>, vector<16xi32>], vector<16xf32>,
        %parallel_loop3A_434 = tpu.vector_load_idx %arg18[%add3A_296, %parallel_loop3A_431] : memref<64x128xf32, #tpu.memory_space<vmem>>[vector<16xi32>, vector<16xi32>], vector<16xf32>,
        %parallel_loop3A_435 = arith.subf %parallel_loop3A_432, %parallel_loop3A_433 : vector<16xf32>
        %parallel_loop3A_436 = arith.subf %parallel_loop3A_435, %parallel_loop3A_434 : vector<16xf32>
        %parallel_loop3A_437 = arith.mulf %parallel_loop3A_436, %parallel_loop3A_436 : vector<16xf32>
        %parallel_loop3A_438 = arith.addf %parallel_loop3A_386, %parallel_loop3A_437 : vector<16xf32>
        %parallel_loop3A_439 = arith.constant 8 : i32
        %parallel_loop3A_440 = vector.broadcast %parallel_loop3A_439 : i32 to vector<16xi32>
        %parallel_loop3A_441 = arith.addi %parallel_loop3A_330, %parallel_loop3A_440 : vector<16xi32>
        scf.yield %parallel_loop3A_441, %parallel_loop3A_399, %parallel_loop3A_412, %parallel_loop3A_425, %parallel_loop3A_438 : vector<16xi32>, vector<16xf32>, vector<16xf32>, vector<16xf32>, vector<16xf32>
      } {sc.loop_unroll_factor = 1 : i64, sc.parallel_access}
      %add3A_301 = arith.addf %parallel_loop3A_300#1, %parallel_loop3A_300#2 : vector<16xf32>
      %add3A_302 = arith.addf %parallel_loop3A_300#3, %parallel_loop3A_300#4 : vector<16xf32>
      %add3A_303 = arith.addf %add3A_301, %add3A_302 : vector<16xf32>
      %bitcast_convert_type3A = tpu.bitcast %add3A_303 : vector<16xf32> -> vector<16xi32>
      %shift_right_arithmetic3A = arith.constant 1 : i32
      %shift_right_arithmetic3A_304 = vector.broadcast %shift_right_arithmetic3A : i32 to vector<16xi32>
      %shift_right_arithmetic3A_305 = arith.shrsi %bitcast_convert_type3A, %shift_right_arithmetic3A_304 : vector<16xi32>
      %add3A_306 = arith.constant 532487669 : i32
      %add3A_307 = vector.broadcast %add3A_306 : i32 to vector<16xi32>
      %add3A_308 = arith.addi %add3A_307, %shift_right_arithmetic3A_305 : vector<16xi32>
      %bitcast_convert_type3A_309 = tpu.bitcast %add3A_308 : vector<16xi32> -> vector<16xf32>
      %div3A = arith.divf %add3A_303, %bitcast_convert_type3A_309 : vector<16xf32>
      %add3A_310 = arith.addf %bitcast_convert_type3A_309, %div3A : vector<16xf32>
      %mul3A_311 = arith.constant 5.000000e-01 : f32
      %mul3A_312 = vector.broadcast %mul3A_311 : f32 to vector<16xf32>
      %mul3A_313 = arith.mulf %mul3A_312, %add3A_310 : vector<16xf32>
      %div3A_314 = arith.divf %add3A_303, %mul3A_313 : vector<16xf32>
      %add3A_315 = arith.addf %mul3A_313, %div3A_314 : vector<16xf32>
      %mul3A_316 = arith.constant 5.000000e-01 : f32
      %mul3A_317 = vector.broadcast %mul3A_316 : f32 to vector<16xf32>
      %mul3A_318 = arith.mulf %mul3A_317, %add3A_315 : vector<16xf32>
      %div3A_319 = arith.divf %add3A_303, %mul3A_318 : vector<16xf32>
      %add3A_320 = arith.addf %mul3A_318, %div3A_319 : vector<16xf32>
      %mul3A_321 = arith.constant 5.000000e-01 : f32
      %mul3A_322 = vector.broadcast %mul3A_321 : f32 to vector<16xf32>
      %mul3A_323 = arith.mulf %mul3A_322, %add3A_320 : vector<16xf32>
      %mul3A_324 = arith.constant 16 : i32
      %mul3A_325 = arith.muli %scan3A_292, %mul3A_324 : i32
      %add3A_326 = arith.constant 320 : i32
      %add3A_327 = arith.addi %add3A_326, %mul3A_325 : i32
      %swap3A = arith.index_cast %add3A_327 : i32 to index
      %swap3A_328 = tpu.vector_load %arg20[%swap3A] {strides = array<i32>} : memref<512xf32, #tpu.memory_space<vmem>>, vector<16xf32>,
      tpu.vector_store %arg20[%swap3A], %mul3A_323 {strides = array<i32>} : memref<512xf32, #tpu.memory_space<vmem>>, vector<16xf32>,
    }
    %scan3A_251 = arith.constant 4 : i32
    %dma_wait3A_252 = arith.constant 384 : i32
    %dma_wait3A_253 = tpu.memref_slice %arg8[%dma_wait3A_252] : memref<512xi32, #tpu.memory_space<vmem>> -> memref<64xi32, #tpu.memory_space<vmem>>
    %dma_wait3A_254 = arith.constant 0 : i32
    %dma_wait3A_255 = arith.constant 0 : i32
    %dma_wait3A_256 = tpu.memref_slice %arg5[%dma_wait3A_254, %dma_wait3A_255] : memref<100000x128xf32, #tpu.memory_space<hbm>> -> memref<100000x128xf32, #tpu.memory_space<hbm>>
    tpu.wait_indirect_dma semaphore(%arg21 : memref<!tpu.dma_semaphore, #tpu.memory_space<semaphore_mem>>) src(%dma_wait3A_256 : memref<100000x128xf32, #tpu.memory_space<hbm>>) dst(%arg11 : memref<64x128xf32, #tpu.memory_space<vmem>>)
    %dma_wait3A_257 = arith.constant 384 : i32
    %dma_wait3A_258 = tpu.memref_slice %arg9[%dma_wait3A_257] : memref<512xi32, #tpu.memory_space<vmem>> -> memref<64xi32, #tpu.memory_space<vmem>>
    %dma_wait3A_259 = arith.constant 0 : i32
    %dma_wait3A_260 = arith.constant 0 : i32
    %dma_wait3A_261 = tpu.memref_slice %arg6[%dma_wait3A_259, %dma_wait3A_260] : memref<1000x128xf32, #tpu.memory_space<hbm>> -> memref<1000x128xf32, #tpu.memory_space<hbm>>
    tpu.wait_indirect_dma semaphore(%arg21 : memref<!tpu.dma_semaphore, #tpu.memory_space<semaphore_mem>>) src(%dma_wait3A_261 : memref<1000x128xf32, #tpu.memory_space<hbm>>) dst(%arg12 : memref<64x128xf32, #tpu.memory_space<vmem>>)
    %dma_wait3A_262 = arith.constant 384 : i32
    %dma_wait3A_263 = tpu.memref_slice %arg10[%dma_wait3A_262] : memref<512xi32, #tpu.memory_space<vmem>> -> memref<64xi32, #tpu.memory_space<vmem>>
    %dma_wait3A_264 = arith.constant 0 : i32
    %dma_wait3A_265 = arith.constant 0 : i32
    %dma_wait3A_266 = tpu.memref_slice %arg5[%dma_wait3A_264, %dma_wait3A_265] : memref<100000x128xf32, #tpu.memory_space<hbm>> -> memref<100000x128xf32, #tpu.memory_space<hbm>>
    tpu.wait_indirect_dma semaphore(%arg21 : memref<!tpu.dma_semaphore, #tpu.memory_space<semaphore_mem>>) src(%dma_wait3A_266 : memref<100000x128xf32, #tpu.memory_space<hbm>>) dst(%arg13 : memref<64x128xf32, #tpu.memory_space<vmem>>)
    %scan3A_267 = arith.constant 0 : i32
    %scan3A_268 = arith.constant 4 : i32
    %scan3A_269 = arith.addi %scan3A_267, %scan3A_268 : i32
    %scan3A_270 = arith.constant 1 : i32
    scf.for %scan3A_292 = %scan3A_267 to %scan3A_269 step %scan3A_270  : i32 {
      %mul3A_293 = arith.constant 16 : i32
      %mul3A_294 = arith.muli %scan3A_292, %mul3A_293 : i32
      %add3A_295 = vector.broadcast %mul3A_294 : i32 to vector<16xi32>
      %add3A_296 = arith.addi %iota3A, %add3A_295 : vector<16xi32>
      %broadcast_in_dim3A = arith.constant 0.000000e+00 : f32
      %broadcast_in_dim3A_297 = vector.broadcast %broadcast_in_dim3A : f32 to vector<16xf32>
      %parallel_loop3A = arith.constant 0 : i32
      %parallel_loop3A_298 = arith.constant 16 : i32
      %parallel_loop3A_299 = arith.constant 1 : i32
      %parallel_loop3A_300:5 = scf.for %parallel_loop3A_329 = %parallel_loop3A to %parallel_loop3A_298 step %parallel_loop3A_299 iter_args(%parallel_loop3A_330 = %iota3A, %parallel_loop3A_331 = %broadcast_in_dim3A_297, %parallel_loop3A_332 = %broadcast_in_dim3A_297, %parallel_loop3A_333 = %broadcast_in_dim3A_297, %parallel_loop3A_334 = %broadcast_in_dim3A_297) -> (vector<16xi32>, vector<16xf32>, vector<16xf32>, vector<16xf32>, vector<16xf32>)  : i32 {
        %parallel_loop3A_335 = arith.constant 0 : i32
        %parallel_loop3A_336 = vector.broadcast %parallel_loop3A_335 : i32 to vector<16xi32>
        %parallel_loop3A_337 = arith.addi %parallel_loop3A_330, %parallel_loop3A_336 : vector<16xi32>
        %parallel_loop3A_338 = arith.constant 127 : i32
        %parallel_loop3A_339 = vector.broadcast %parallel_loop3A_338 : i32 to vector<16xi32>
        %parallel_loop3A_340 = arith.andi %parallel_loop3A_337, %parallel_loop3A_339 : vector<16xi32>
        %parallel_loop3A_341 = tpu.vector_load_idx %arg13[%add3A_296, %parallel_loop3A_340] : memref<64x128xf32, #tpu.memory_space<vmem>>[vector<16xi32>, vector<16xi32>], vector<16xf32>,
        %parallel_loop3A_342 = tpu.vector_load_idx %arg11[%add3A_296, %parallel_loop3A_340] : memref<64x128xf32, #tpu.memory_space<vmem>>[vector<16xi32>, vector<16xi32>], vector<16xf32>,
        %parallel_loop3A_343 = tpu.vector_load_idx %arg12[%add3A_296, %parallel_loop3A_340] : memref<64x128xf32, #tpu.memory_space<vmem>>[vector<16xi32>, vector<16xi32>], vector<16xf32>,
        %parallel_loop3A_344 = arith.subf %parallel_loop3A_341, %parallel_loop3A_342 : vector<16xf32>
        %parallel_loop3A_345 = arith.subf %parallel_loop3A_344, %parallel_loop3A_343 : vector<16xf32>
        %parallel_loop3A_346 = arith.mulf %parallel_loop3A_345, %parallel_loop3A_345 : vector<16xf32>
        %parallel_loop3A_347 = arith.addf %parallel_loop3A_331, %parallel_loop3A_346 : vector<16xf32>
        %parallel_loop3A_348 = arith.constant 1 : i32
        %parallel_loop3A_349 = vector.broadcast %parallel_loop3A_348 : i32 to vector<16xi32>
        %parallel_loop3A_350 = arith.addi %parallel_loop3A_330, %parallel_loop3A_349 : vector<16xi32>
        %parallel_loop3A_351 = arith.constant 127 : i32
        %parallel_loop3A_352 = vector.broadcast %parallel_loop3A_351 : i32 to vector<16xi32>
        %parallel_loop3A_353 = arith.andi %parallel_loop3A_350, %parallel_loop3A_352 : vector<16xi32>
        %parallel_loop3A_354 = tpu.vector_load_idx %arg13[%add3A_296, %parallel_loop3A_353] : memref<64x128xf32, #tpu.memory_space<vmem>>[vector<16xi32>, vector<16xi32>], vector<16xf32>,
        %parallel_loop3A_355 = tpu.vector_load_idx %arg11[%add3A_296, %parallel_loop3A_353] : memref<64x128xf32, #tpu.memory_space<vmem>>[vector<16xi32>, vector<16xi32>], vector<16xf32>,
        %parallel_loop3A_356 = tpu.vector_load_idx %arg12[%add3A_296, %parallel_loop3A_353] : memref<64x128xf32, #tpu.memory_space<vmem>>[vector<16xi32>, vector<16xi32>], vector<16xf32>,
        %parallel_loop3A_357 = arith.subf %parallel_loop3A_354, %parallel_loop3A_355 : vector<16xf32>
        %parallel_loop3A_358 = arith.subf %parallel_loop3A_357, %parallel_loop3A_356 : vector<16xf32>
        %parallel_loop3A_359 = arith.mulf %parallel_loop3A_358, %parallel_loop3A_358 : vector<16xf32>
        %parallel_loop3A_360 = arith.addf %parallel_loop3A_332, %parallel_loop3A_359 : vector<16xf32>
        %parallel_loop3A_361 = arith.constant 2 : i32
        %parallel_loop3A_362 = vector.broadcast %parallel_loop3A_361 : i32 to vector<16xi32>
        %parallel_loop3A_363 = arith.addi %parallel_loop3A_330, %parallel_loop3A_362 : vector<16xi32>
        %parallel_loop3A_364 = arith.constant 127 : i32
        %parallel_loop3A_365 = vector.broadcast %parallel_loop3A_364 : i32 to vector<16xi32>
        %parallel_loop3A_366 = arith.andi %parallel_loop3A_363, %parallel_loop3A_365 : vector<16xi32>
        %parallel_loop3A_367 = tpu.vector_load_idx %arg13[%add3A_296, %parallel_loop3A_366] : memref<64x128xf32, #tpu.memory_space<vmem>>[vector<16xi32>, vector<16xi32>], vector<16xf32>,
        %parallel_loop3A_368 = tpu.vector_load_idx %arg11[%add3A_296, %parallel_loop3A_366] : memref<64x128xf32, #tpu.memory_space<vmem>>[vector<16xi32>, vector<16xi32>], vector<16xf32>,
        %parallel_loop3A_369 = tpu.vector_load_idx %arg12[%add3A_296, %parallel_loop3A_366] : memref<64x128xf32, #tpu.memory_space<vmem>>[vector<16xi32>, vector<16xi32>], vector<16xf32>,
        %parallel_loop3A_370 = arith.subf %parallel_loop3A_367, %parallel_loop3A_368 : vector<16xf32>
        %parallel_loop3A_371 = arith.subf %parallel_loop3A_370, %parallel_loop3A_369 : vector<16xf32>
        %parallel_loop3A_372 = arith.mulf %parallel_loop3A_371, %parallel_loop3A_371 : vector<16xf32>
        %parallel_loop3A_373 = arith.addf %parallel_loop3A_333, %parallel_loop3A_372 : vector<16xf32>
        %parallel_loop3A_374 = arith.constant 3 : i32
        %parallel_loop3A_375 = vector.broadcast %parallel_loop3A_374 : i32 to vector<16xi32>
        %parallel_loop3A_376 = arith.addi %parallel_loop3A_330, %parallel_loop3A_375 : vector<16xi32>
        %parallel_loop3A_377 = arith.constant 127 : i32
        %parallel_loop3A_378 = vector.broadcast %parallel_loop3A_377 : i32 to vector<16xi32>
        %parallel_loop3A_379 = arith.andi %parallel_loop3A_376, %parallel_loop3A_378 : vector<16xi32>
        %parallel_loop3A_380 = tpu.vector_load_idx %arg13[%add3A_296, %parallel_loop3A_379] : memref<64x128xf32, #tpu.memory_space<vmem>>[vector<16xi32>, vector<16xi32>], vector<16xf32>,
        %parallel_loop3A_381 = tpu.vector_load_idx %arg11[%add3A_296, %parallel_loop3A_379] : memref<64x128xf32, #tpu.memory_space<vmem>>[vector<16xi32>, vector<16xi32>], vector<16xf32>,
        %parallel_loop3A_382 = tpu.vector_load_idx %arg12[%add3A_296, %parallel_loop3A_379] : memref<64x128xf32, #tpu.memory_space<vmem>>[vector<16xi32>, vector<16xi32>], vector<16xf32>,
        %parallel_loop3A_383 = arith.subf %parallel_loop3A_380, %parallel_loop3A_381 : vector<16xf32>
        %parallel_loop3A_384 = arith.subf %parallel_loop3A_383, %parallel_loop3A_382 : vector<16xf32>
        %parallel_loop3A_385 = arith.mulf %parallel_loop3A_384, %parallel_loop3A_384 : vector<16xf32>
        %parallel_loop3A_386 = arith.addf %parallel_loop3A_334, %parallel_loop3A_385 : vector<16xf32>
        %parallel_loop3A_387 = arith.constant 4 : i32
        %parallel_loop3A_388 = vector.broadcast %parallel_loop3A_387 : i32 to vector<16xi32>
        %parallel_loop3A_389 = arith.addi %parallel_loop3A_330, %parallel_loop3A_388 : vector<16xi32>
        %parallel_loop3A_390 = arith.constant 127 : i32
        %parallel_loop3A_391 = vector.broadcast %parallel_loop3A_390 : i32 to vector<16xi32>
        %parallel_loop3A_392 = arith.andi %parallel_loop3A_389, %parallel_loop3A_391 : vector<16xi32>
        %parallel_loop3A_393 = tpu.vector_load_idx %arg13[%add3A_296, %parallel_loop3A_392] : memref<64x128xf32, #tpu.memory_space<vmem>>[vector<16xi32>, vector<16xi32>], vector<16xf32>,
        %parallel_loop3A_394 = tpu.vector_load_idx %arg11[%add3A_296, %parallel_loop3A_392] : memref<64x128xf32, #tpu.memory_space<vmem>>[vector<16xi32>, vector<16xi32>], vector<16xf32>,
        %parallel_loop3A_395 = tpu.vector_load_idx %arg12[%add3A_296, %parallel_loop3A_392] : memref<64x128xf32, #tpu.memory_space<vmem>>[vector<16xi32>, vector<16xi32>], vector<16xf32>,
        %parallel_loop3A_396 = arith.subf %parallel_loop3A_393, %parallel_loop3A_394 : vector<16xf32>
        %parallel_loop3A_397 = arith.subf %parallel_loop3A_396, %parallel_loop3A_395 : vector<16xf32>
        %parallel_loop3A_398 = arith.mulf %parallel_loop3A_397, %parallel_loop3A_397 : vector<16xf32>
        %parallel_loop3A_399 = arith.addf %parallel_loop3A_347, %parallel_loop3A_398 : vector<16xf32>
        %parallel_loop3A_400 = arith.constant 5 : i32
        %parallel_loop3A_401 = vector.broadcast %parallel_loop3A_400 : i32 to vector<16xi32>
        %parallel_loop3A_402 = arith.addi %parallel_loop3A_330, %parallel_loop3A_401 : vector<16xi32>
        %parallel_loop3A_403 = arith.constant 127 : i32
        %parallel_loop3A_404 = vector.broadcast %parallel_loop3A_403 : i32 to vector<16xi32>
        %parallel_loop3A_405 = arith.andi %parallel_loop3A_402, %parallel_loop3A_404 : vector<16xi32>
        %parallel_loop3A_406 = tpu.vector_load_idx %arg13[%add3A_296, %parallel_loop3A_405] : memref<64x128xf32, #tpu.memory_space<vmem>>[vector<16xi32>, vector<16xi32>], vector<16xf32>,
        %parallel_loop3A_407 = tpu.vector_load_idx %arg11[%add3A_296, %parallel_loop3A_405] : memref<64x128xf32, #tpu.memory_space<vmem>>[vector<16xi32>, vector<16xi32>], vector<16xf32>,
        %parallel_loop3A_408 = tpu.vector_load_idx %arg12[%add3A_296, %parallel_loop3A_405] : memref<64x128xf32, #tpu.memory_space<vmem>>[vector<16xi32>, vector<16xi32>], vector<16xf32>,
        %parallel_loop3A_409 = arith.subf %parallel_loop3A_406, %parallel_loop3A_407 : vector<16xf32>
        %parallel_loop3A_410 = arith.subf %parallel_loop3A_409, %parallel_loop3A_408 : vector<16xf32>
        %parallel_loop3A_411 = arith.mulf %parallel_loop3A_410, %parallel_loop3A_410 : vector<16xf32>
        %parallel_loop3A_412 = arith.addf %parallel_loop3A_360, %parallel_loop3A_411 : vector<16xf32>
        %parallel_loop3A_413 = arith.constant 6 : i32
        %parallel_loop3A_414 = vector.broadcast %parallel_loop3A_413 : i32 to vector<16xi32>
        %parallel_loop3A_415 = arith.addi %parallel_loop3A_330, %parallel_loop3A_414 : vector<16xi32>
        %parallel_loop3A_416 = arith.constant 127 : i32
        %parallel_loop3A_417 = vector.broadcast %parallel_loop3A_416 : i32 to vector<16xi32>
        %parallel_loop3A_418 = arith.andi %parallel_loop3A_415, %parallel_loop3A_417 : vector<16xi32>
        %parallel_loop3A_419 = tpu.vector_load_idx %arg13[%add3A_296, %parallel_loop3A_418] : memref<64x128xf32, #tpu.memory_space<vmem>>[vector<16xi32>, vector<16xi32>], vector<16xf32>,
        %parallel_loop3A_420 = tpu.vector_load_idx %arg11[%add3A_296, %parallel_loop3A_418] : memref<64x128xf32, #tpu.memory_space<vmem>>[vector<16xi32>, vector<16xi32>], vector<16xf32>,
        %parallel_loop3A_421 = tpu.vector_load_idx %arg12[%add3A_296, %parallel_loop3A_418] : memref<64x128xf32, #tpu.memory_space<vmem>>[vector<16xi32>, vector<16xi32>], vector<16xf32>,
        %parallel_loop3A_422 = arith.subf %parallel_loop3A_419, %parallel_loop3A_420 : vector<16xf32>
        %parallel_loop3A_423 = arith.subf %parallel_loop3A_422, %parallel_loop3A_421 : vector<16xf32>
        %parallel_loop3A_424 = arith.mulf %parallel_loop3A_423, %parallel_loop3A_423 : vector<16xf32>
        %parallel_loop3A_425 = arith.addf %parallel_loop3A_373, %parallel_loop3A_424 : vector<16xf32>
        %parallel_loop3A_426 = arith.constant 7 : i32
        %parallel_loop3A_427 = vector.broadcast %parallel_loop3A_426 : i32 to vector<16xi32>
        %parallel_loop3A_428 = arith.addi %parallel_loop3A_330, %parallel_loop3A_427 : vector<16xi32>
        %parallel_loop3A_429 = arith.constant 127 : i32
        %parallel_loop3A_430 = vector.broadcast %parallel_loop3A_429 : i32 to vector<16xi32>
        %parallel_loop3A_431 = arith.andi %parallel_loop3A_428, %parallel_loop3A_430 : vector<16xi32>
        %parallel_loop3A_432 = tpu.vector_load_idx %arg13[%add3A_296, %parallel_loop3A_431] : memref<64x128xf32, #tpu.memory_space<vmem>>[vector<16xi32>, vector<16xi32>], vector<16xf32>,
        %parallel_loop3A_433 = tpu.vector_load_idx %arg11[%add3A_296, %parallel_loop3A_431] : memref<64x128xf32, #tpu.memory_space<vmem>>[vector<16xi32>, vector<16xi32>], vector<16xf32>,
        %parallel_loop3A_434 = tpu.vector_load_idx %arg12[%add3A_296, %parallel_loop3A_431] : memref<64x128xf32, #tpu.memory_space<vmem>>[vector<16xi32>, vector<16xi32>], vector<16xf32>,
        %parallel_loop3A_435 = arith.subf %parallel_loop3A_432, %parallel_loop3A_433 : vector<16xf32>
        %parallel_loop3A_436 = arith.subf %parallel_loop3A_435, %parallel_loop3A_434 : vector<16xf32>
        %parallel_loop3A_437 = arith.mulf %parallel_loop3A_436, %parallel_loop3A_436 : vector<16xf32>
        %parallel_loop3A_438 = arith.addf %parallel_loop3A_386, %parallel_loop3A_437 : vector<16xf32>
        %parallel_loop3A_439 = arith.constant 8 : i32
        %parallel_loop3A_440 = vector.broadcast %parallel_loop3A_439 : i32 to vector<16xi32>
        %parallel_loop3A_441 = arith.addi %parallel_loop3A_330, %parallel_loop3A_440 : vector<16xi32>
        scf.yield %parallel_loop3A_441, %parallel_loop3A_399, %parallel_loop3A_412, %parallel_loop3A_425, %parallel_loop3A_438 : vector<16xi32>, vector<16xf32>, vector<16xf32>, vector<16xf32>, vector<16xf32>
      } {sc.loop_unroll_factor = 1 : i64, sc.parallel_access}
      %add3A_301 = arith.addf %parallel_loop3A_300#1, %parallel_loop3A_300#2 : vector<16xf32>
      %add3A_302 = arith.addf %parallel_loop3A_300#3, %parallel_loop3A_300#4 : vector<16xf32>
      %add3A_303 = arith.addf %add3A_301, %add3A_302 : vector<16xf32>
      %bitcast_convert_type3A = tpu.bitcast %add3A_303 : vector<16xf32> -> vector<16xi32>
      %shift_right_arithmetic3A = arith.constant 1 : i32
      %shift_right_arithmetic3A_304 = vector.broadcast %shift_right_arithmetic3A : i32 to vector<16xi32>
      %shift_right_arithmetic3A_305 = arith.shrsi %bitcast_convert_type3A, %shift_right_arithmetic3A_304 : vector<16xi32>
      %add3A_306 = arith.constant 532487669 : i32
      %add3A_307 = vector.broadcast %add3A_306 : i32 to vector<16xi32>
      %add3A_308 = arith.addi %add3A_307, %shift_right_arithmetic3A_305 : vector<16xi32>
      %bitcast_convert_type3A_309 = tpu.bitcast %add3A_308 : vector<16xi32> -> vector<16xf32>
      %div3A = arith.divf %add3A_303, %bitcast_convert_type3A_309 : vector<16xf32>
      %add3A_310 = arith.addf %bitcast_convert_type3A_309, %div3A : vector<16xf32>
      %mul3A_311 = arith.constant 5.000000e-01 : f32
      %mul3A_312 = vector.broadcast %mul3A_311 : f32 to vector<16xf32>
      %mul3A_313 = arith.mulf %mul3A_312, %add3A_310 : vector<16xf32>
      %div3A_314 = arith.divf %add3A_303, %mul3A_313 : vector<16xf32>
      %add3A_315 = arith.addf %mul3A_313, %div3A_314 : vector<16xf32>
      %mul3A_316 = arith.constant 5.000000e-01 : f32
      %mul3A_317 = vector.broadcast %mul3A_316 : f32 to vector<16xf32>
      %mul3A_318 = arith.mulf %mul3A_317, %add3A_315 : vector<16xf32>
      %div3A_319 = arith.divf %add3A_303, %mul3A_318 : vector<16xf32>
      %add3A_320 = arith.addf %mul3A_318, %div3A_319 : vector<16xf32>
      %mul3A_321 = arith.constant 5.000000e-01 : f32
      %mul3A_322 = vector.broadcast %mul3A_321 : f32 to vector<16xf32>
      %mul3A_323 = arith.mulf %mul3A_322, %add3A_320 : vector<16xf32>
      %mul3A_324 = arith.constant 16 : i32
      %mul3A_325 = arith.muli %scan3A_292, %mul3A_324 : i32
      %add3A_326 = arith.constant 384 : i32
      %add3A_327 = arith.addi %add3A_326, %mul3A_325 : i32
      %swap3A = arith.index_cast %add3A_327 : i32 to index
      %swap3A_328 = tpu.vector_load %arg20[%swap3A] {strides = array<i32>} : memref<512xf32, #tpu.memory_space<vmem>>, vector<16xf32>,
      tpu.vector_store %arg20[%swap3A], %mul3A_323 {strides = array<i32>} : memref<512xf32, #tpu.memory_space<vmem>>, vector<16xf32>,
    }
    %scan3A_271 = arith.constant 4 : i32
    %dma_wait3A_272 = arith.constant 448 : i32
    %dma_wait3A_273 = tpu.memref_slice %arg8[%dma_wait3A_272] : memref<512xi32, #tpu.memory_space<vmem>> -> memref<64xi32, #tpu.memory_space<vmem>>
    %dma_wait3A_274 = arith.constant 0 : i32
    %dma_wait3A_275 = arith.constant 0 : i32
    %dma_wait3A_276 = tpu.memref_slice %arg5[%dma_wait3A_274, %dma_wait3A_275] : memref<100000x128xf32, #tpu.memory_space<hbm>> -> memref<100000x128xf32, #tpu.memory_space<hbm>>
    tpu.wait_indirect_dma semaphore(%arg22 : memref<!tpu.dma_semaphore, #tpu.memory_space<semaphore_mem>>) src(%dma_wait3A_276 : memref<100000x128xf32, #tpu.memory_space<hbm>>) dst(%arg14 : memref<64x128xf32, #tpu.memory_space<vmem>>)
    %dma_wait3A_277 = arith.constant 448 : i32
    %dma_wait3A_278 = tpu.memref_slice %arg9[%dma_wait3A_277] : memref<512xi32, #tpu.memory_space<vmem>> -> memref<64xi32, #tpu.memory_space<vmem>>
    %dma_wait3A_279 = arith.constant 0 : i32
    %dma_wait3A_280 = arith.constant 0 : i32
    %dma_wait3A_281 = tpu.memref_slice %arg6[%dma_wait3A_279, %dma_wait3A_280] : memref<1000x128xf32, #tpu.memory_space<hbm>> -> memref<1000x128xf32, #tpu.memory_space<hbm>>
    tpu.wait_indirect_dma semaphore(%arg22 : memref<!tpu.dma_semaphore, #tpu.memory_space<semaphore_mem>>) src(%dma_wait3A_281 : memref<1000x128xf32, #tpu.memory_space<hbm>>) dst(%arg15 : memref<64x128xf32, #tpu.memory_space<vmem>>)
    %dma_wait3A_282 = arith.constant 448 : i32
    %dma_wait3A_283 = tpu.memref_slice %arg10[%dma_wait3A_282] : memref<512xi32, #tpu.memory_space<vmem>> -> memref<64xi32, #tpu.memory_space<vmem>>
    %dma_wait3A_284 = arith.constant 0 : i32
    %dma_wait3A_285 = arith.constant 0 : i32
    %dma_wait3A_286 = tpu.memref_slice %arg5[%dma_wait3A_284, %dma_wait3A_285] : memref<100000x128xf32, #tpu.memory_space<hbm>> -> memref<100000x128xf32, #tpu.memory_space<hbm>>
    tpu.wait_indirect_dma semaphore(%arg22 : memref<!tpu.dma_semaphore, #tpu.memory_space<semaphore_mem>>) src(%dma_wait3A_286 : memref<100000x128xf32, #tpu.memory_space<hbm>>) dst(%arg16 : memref<64x128xf32, #tpu.memory_space<vmem>>)
    %scan3A_287 = arith.constant 0 : i32
    %scan3A_288 = arith.constant 4 : i32
    %scan3A_289 = arith.addi %scan3A_287, %scan3A_288 : i32
    %scan3A_290 = arith.constant 1 : i32
    scf.for %scan3A_292 = %scan3A_287 to %scan3A_289 step %scan3A_290  : i32 {
      %mul3A_293 = arith.constant 16 : i32
      %mul3A_294 = arith.muli %scan3A_292, %mul3A_293 : i32
      %add3A_295 = vector.broadcast %mul3A_294 : i32 to vector<16xi32>
      %add3A_296 = arith.addi %iota3A, %add3A_295 : vector<16xi32>
      %broadcast_in_dim3A = arith.constant 0.000000e+00 : f32
      %broadcast_in_dim3A_297 = vector.broadcast %broadcast_in_dim3A : f32 to vector<16xf32>
      %parallel_loop3A = arith.constant 0 : i32
      %parallel_loop3A_298 = arith.constant 16 : i32
      %parallel_loop3A_299 = arith.constant 1 : i32
      %parallel_loop3A_300:5 = scf.for %parallel_loop3A_329 = %parallel_loop3A to %parallel_loop3A_298 step %parallel_loop3A_299 iter_args(%parallel_loop3A_330 = %iota3A, %parallel_loop3A_331 = %broadcast_in_dim3A_297, %parallel_loop3A_332 = %broadcast_in_dim3A_297, %parallel_loop3A_333 = %broadcast_in_dim3A_297, %parallel_loop3A_334 = %broadcast_in_dim3A_297) -> (vector<16xi32>, vector<16xf32>, vector<16xf32>, vector<16xf32>, vector<16xf32>)  : i32 {
        %parallel_loop3A_335 = arith.constant 0 : i32
        %parallel_loop3A_336 = vector.broadcast %parallel_loop3A_335 : i32 to vector<16xi32>
        %parallel_loop3A_337 = arith.addi %parallel_loop3A_330, %parallel_loop3A_336 : vector<16xi32>
        %parallel_loop3A_338 = arith.constant 127 : i32
        %parallel_loop3A_339 = vector.broadcast %parallel_loop3A_338 : i32 to vector<16xi32>
        %parallel_loop3A_340 = arith.andi %parallel_loop3A_337, %parallel_loop3A_339 : vector<16xi32>
        %parallel_loop3A_341 = tpu.vector_load_idx %arg16[%add3A_296, %parallel_loop3A_340] : memref<64x128xf32, #tpu.memory_space<vmem>>[vector<16xi32>, vector<16xi32>], vector<16xf32>,
        %parallel_loop3A_342 = tpu.vector_load_idx %arg14[%add3A_296, %parallel_loop3A_340] : memref<64x128xf32, #tpu.memory_space<vmem>>[vector<16xi32>, vector<16xi32>], vector<16xf32>,
        %parallel_loop3A_343 = tpu.vector_load_idx %arg15[%add3A_296, %parallel_loop3A_340] : memref<64x128xf32, #tpu.memory_space<vmem>>[vector<16xi32>, vector<16xi32>], vector<16xf32>,
        %parallel_loop3A_344 = arith.subf %parallel_loop3A_341, %parallel_loop3A_342 : vector<16xf32>
        %parallel_loop3A_345 = arith.subf %parallel_loop3A_344, %parallel_loop3A_343 : vector<16xf32>
        %parallel_loop3A_346 = arith.mulf %parallel_loop3A_345, %parallel_loop3A_345 : vector<16xf32>
        %parallel_loop3A_347 = arith.addf %parallel_loop3A_331, %parallel_loop3A_346 : vector<16xf32>
        %parallel_loop3A_348 = arith.constant 1 : i32
        %parallel_loop3A_349 = vector.broadcast %parallel_loop3A_348 : i32 to vector<16xi32>
        %parallel_loop3A_350 = arith.addi %parallel_loop3A_330, %parallel_loop3A_349 : vector<16xi32>
        %parallel_loop3A_351 = arith.constant 127 : i32
        %parallel_loop3A_352 = vector.broadcast %parallel_loop3A_351 : i32 to vector<16xi32>
        %parallel_loop3A_353 = arith.andi %parallel_loop3A_350, %parallel_loop3A_352 : vector<16xi32>
        %parallel_loop3A_354 = tpu.vector_load_idx %arg16[%add3A_296, %parallel_loop3A_353] : memref<64x128xf32, #tpu.memory_space<vmem>>[vector<16xi32>, vector<16xi32>], vector<16xf32>,
        %parallel_loop3A_355 = tpu.vector_load_idx %arg14[%add3A_296, %parallel_loop3A_353] : memref<64x128xf32, #tpu.memory_space<vmem>>[vector<16xi32>, vector<16xi32>], vector<16xf32>,
        %parallel_loop3A_356 = tpu.vector_load_idx %arg15[%add3A_296, %parallel_loop3A_353] : memref<64x128xf32, #tpu.memory_space<vmem>>[vector<16xi32>, vector<16xi32>], vector<16xf32>,
        %parallel_loop3A_357 = arith.subf %parallel_loop3A_354, %parallel_loop3A_355 : vector<16xf32>
        %parallel_loop3A_358 = arith.subf %parallel_loop3A_357, %parallel_loop3A_356 : vector<16xf32>
        %parallel_loop3A_359 = arith.mulf %parallel_loop3A_358, %parallel_loop3A_358 : vector<16xf32>
        %parallel_loop3A_360 = arith.addf %parallel_loop3A_332, %parallel_loop3A_359 : vector<16xf32>
        %parallel_loop3A_361 = arith.constant 2 : i32
        %parallel_loop3A_362 = vector.broadcast %parallel_loop3A_361 : i32 to vector<16xi32>
        %parallel_loop3A_363 = arith.addi %parallel_loop3A_330, %parallel_loop3A_362 : vector<16xi32>
        %parallel_loop3A_364 = arith.constant 127 : i32
        %parallel_loop3A_365 = vector.broadcast %parallel_loop3A_364 : i32 to vector<16xi32>
        %parallel_loop3A_366 = arith.andi %parallel_loop3A_363, %parallel_loop3A_365 : vector<16xi32>
        %parallel_loop3A_367 = tpu.vector_load_idx %arg16[%add3A_296, %parallel_loop3A_366] : memref<64x128xf32, #tpu.memory_space<vmem>>[vector<16xi32>, vector<16xi32>], vector<16xf32>,
        %parallel_loop3A_368 = tpu.vector_load_idx %arg14[%add3A_296, %parallel_loop3A_366] : memref<64x128xf32, #tpu.memory_space<vmem>>[vector<16xi32>, vector<16xi32>], vector<16xf32>,
        %parallel_loop3A_369 = tpu.vector_load_idx %arg15[%add3A_296, %parallel_loop3A_366] : memref<64x128xf32, #tpu.memory_space<vmem>>[vector<16xi32>, vector<16xi32>], vector<16xf32>,
        %parallel_loop3A_370 = arith.subf %parallel_loop3A_367, %parallel_loop3A_368 : vector<16xf32>
        %parallel_loop3A_371 = arith.subf %parallel_loop3A_370, %parallel_loop3A_369 : vector<16xf32>
        %parallel_loop3A_372 = arith.mulf %parallel_loop3A_371, %parallel_loop3A_371 : vector<16xf32>
        %parallel_loop3A_373 = arith.addf %parallel_loop3A_333, %parallel_loop3A_372 : vector<16xf32>
        %parallel_loop3A_374 = arith.constant 3 : i32
        %parallel_loop3A_375 = vector.broadcast %parallel_loop3A_374 : i32 to vector<16xi32>
        %parallel_loop3A_376 = arith.addi %parallel_loop3A_330, %parallel_loop3A_375 : vector<16xi32>
        %parallel_loop3A_377 = arith.constant 127 : i32
        %parallel_loop3A_378 = vector.broadcast %parallel_loop3A_377 : i32 to vector<16xi32>
        %parallel_loop3A_379 = arith.andi %parallel_loop3A_376, %parallel_loop3A_378 : vector<16xi32>
        %parallel_loop3A_380 = tpu.vector_load_idx %arg16[%add3A_296, %parallel_loop3A_379] : memref<64x128xf32, #tpu.memory_space<vmem>>[vector<16xi32>, vector<16xi32>], vector<16xf32>,
        %parallel_loop3A_381 = tpu.vector_load_idx %arg14[%add3A_296, %parallel_loop3A_379] : memref<64x128xf32, #tpu.memory_space<vmem>>[vector<16xi32>, vector<16xi32>], vector<16xf32>,
        %parallel_loop3A_382 = tpu.vector_load_idx %arg15[%add3A_296, %parallel_loop3A_379] : memref<64x128xf32, #tpu.memory_space<vmem>>[vector<16xi32>, vector<16xi32>], vector<16xf32>,
        %parallel_loop3A_383 = arith.subf %parallel_loop3A_380, %parallel_loop3A_381 : vector<16xf32>
        %parallel_loop3A_384 = arith.subf %parallel_loop3A_383, %parallel_loop3A_382 : vector<16xf32>
        %parallel_loop3A_385 = arith.mulf %parallel_loop3A_384, %parallel_loop3A_384 : vector<16xf32>
        %parallel_loop3A_386 = arith.addf %parallel_loop3A_334, %parallel_loop3A_385 : vector<16xf32>
        %parallel_loop3A_387 = arith.constant 4 : i32
        %parallel_loop3A_388 = vector.broadcast %parallel_loop3A_387 : i32 to vector<16xi32>
        %parallel_loop3A_389 = arith.addi %parallel_loop3A_330, %parallel_loop3A_388 : vector<16xi32>
        %parallel_loop3A_390 = arith.constant 127 : i32
        %parallel_loop3A_391 = vector.broadcast %parallel_loop3A_390 : i32 to vector<16xi32>
        %parallel_loop3A_392 = arith.andi %parallel_loop3A_389, %parallel_loop3A_391 : vector<16xi32>
        %parallel_loop3A_393 = tpu.vector_load_idx %arg16[%add3A_296, %parallel_loop3A_392] : memref<64x128xf32, #tpu.memory_space<vmem>>[vector<16xi32>, vector<16xi32>], vector<16xf32>,
        %parallel_loop3A_394 = tpu.vector_load_idx %arg14[%add3A_296, %parallel_loop3A_392] : memref<64x128xf32, #tpu.memory_space<vmem>>[vector<16xi32>, vector<16xi32>], vector<16xf32>,
        %parallel_loop3A_395 = tpu.vector_load_idx %arg15[%add3A_296, %parallel_loop3A_392] : memref<64x128xf32, #tpu.memory_space<vmem>>[vector<16xi32>, vector<16xi32>], vector<16xf32>,
        %parallel_loop3A_396 = arith.subf %parallel_loop3A_393, %parallel_loop3A_394 : vector<16xf32>
        %parallel_loop3A_397 = arith.subf %parallel_loop3A_396, %parallel_loop3A_395 : vector<16xf32>
        %parallel_loop3A_398 = arith.mulf %parallel_loop3A_397, %parallel_loop3A_397 : vector<16xf32>
        %parallel_loop3A_399 = arith.addf %parallel_loop3A_347, %parallel_loop3A_398 : vector<16xf32>
        %parallel_loop3A_400 = arith.constant 5 : i32
        %parallel_loop3A_401 = vector.broadcast %parallel_loop3A_400 : i32 to vector<16xi32>
        %parallel_loop3A_402 = arith.addi %parallel_loop3A_330, %parallel_loop3A_401 : vector<16xi32>
        %parallel_loop3A_403 = arith.constant 127 : i32
        %parallel_loop3A_404 = vector.broadcast %parallel_loop3A_403 : i32 to vector<16xi32>
        %parallel_loop3A_405 = arith.andi %parallel_loop3A_402, %parallel_loop3A_404 : vector<16xi32>
        %parallel_loop3A_406 = tpu.vector_load_idx %arg16[%add3A_296, %parallel_loop3A_405] : memref<64x128xf32, #tpu.memory_space<vmem>>[vector<16xi32>, vector<16xi32>], vector<16xf32>,
        %parallel_loop3A_407 = tpu.vector_load_idx %arg14[%add3A_296, %parallel_loop3A_405] : memref<64x128xf32, #tpu.memory_space<vmem>>[vector<16xi32>, vector<16xi32>], vector<16xf32>,
        %parallel_loop3A_408 = tpu.vector_load_idx %arg15[%add3A_296, %parallel_loop3A_405] : memref<64x128xf32, #tpu.memory_space<vmem>>[vector<16xi32>, vector<16xi32>], vector<16xf32>,
        %parallel_loop3A_409 = arith.subf %parallel_loop3A_406, %parallel_loop3A_407 : vector<16xf32>
        %parallel_loop3A_410 = arith.subf %parallel_loop3A_409, %parallel_loop3A_408 : vector<16xf32>
        %parallel_loop3A_411 = arith.mulf %parallel_loop3A_410, %parallel_loop3A_410 : vector<16xf32>
        %parallel_loop3A_412 = arith.addf %parallel_loop3A_360, %parallel_loop3A_411 : vector<16xf32>
        %parallel_loop3A_413 = arith.constant 6 : i32
        %parallel_loop3A_414 = vector.broadcast %parallel_loop3A_413 : i32 to vector<16xi32>
        %parallel_loop3A_415 = arith.addi %parallel_loop3A_330, %parallel_loop3A_414 : vector<16xi32>
        %parallel_loop3A_416 = arith.constant 127 : i32
        %parallel_loop3A_417 = vector.broadcast %parallel_loop3A_416 : i32 to vector<16xi32>
        %parallel_loop3A_418 = arith.andi %parallel_loop3A_415, %parallel_loop3A_417 : vector<16xi32>
        %parallel_loop3A_419 = tpu.vector_load_idx %arg16[%add3A_296, %parallel_loop3A_418] : memref<64x128xf32, #tpu.memory_space<vmem>>[vector<16xi32>, vector<16xi32>], vector<16xf32>,
        %parallel_loop3A_420 = tpu.vector_load_idx %arg14[%add3A_296, %parallel_loop3A_418] : memref<64x128xf32, #tpu.memory_space<vmem>>[vector<16xi32>, vector<16xi32>], vector<16xf32>,
        %parallel_loop3A_421 = tpu.vector_load_idx %arg15[%add3A_296, %parallel_loop3A_418] : memref<64x128xf32, #tpu.memory_space<vmem>>[vector<16xi32>, vector<16xi32>], vector<16xf32>,
        %parallel_loop3A_422 = arith.subf %parallel_loop3A_419, %parallel_loop3A_420 : vector<16xf32>
        %parallel_loop3A_423 = arith.subf %parallel_loop3A_422, %parallel_loop3A_421 : vector<16xf32>
        %parallel_loop3A_424 = arith.mulf %parallel_loop3A_423, %parallel_loop3A_423 : vector<16xf32>
        %parallel_loop3A_425 = arith.addf %parallel_loop3A_373, %parallel_loop3A_424 : vector<16xf32>
        %parallel_loop3A_426 = arith.constant 7 : i32
        %parallel_loop3A_427 = vector.broadcast %parallel_loop3A_426 : i32 to vector<16xi32>
        %parallel_loop3A_428 = arith.addi %parallel_loop3A_330, %parallel_loop3A_427 : vector<16xi32>
        %parallel_loop3A_429 = arith.constant 127 : i32
        %parallel_loop3A_430 = vector.broadcast %parallel_loop3A_429 : i32 to vector<16xi32>
        %parallel_loop3A_431 = arith.andi %parallel_loop3A_428, %parallel_loop3A_430 : vector<16xi32>
        %parallel_loop3A_432 = tpu.vector_load_idx %arg16[%add3A_296, %parallel_loop3A_431] : memref<64x128xf32, #tpu.memory_space<vmem>>[vector<16xi32>, vector<16xi32>], vector<16xf32>,
        %parallel_loop3A_433 = tpu.vector_load_idx %arg14[%add3A_296, %parallel_loop3A_431] : memref<64x128xf32, #tpu.memory_space<vmem>>[vector<16xi32>, vector<16xi32>], vector<16xf32>,
        %parallel_loop3A_434 = tpu.vector_load_idx %arg15[%add3A_296, %parallel_loop3A_431] : memref<64x128xf32, #tpu.memory_space<vmem>>[vector<16xi32>, vector<16xi32>], vector<16xf32>,
        %parallel_loop3A_435 = arith.subf %parallel_loop3A_432, %parallel_loop3A_433 : vector<16xf32>
        %parallel_loop3A_436 = arith.subf %parallel_loop3A_435, %parallel_loop3A_434 : vector<16xf32>
        %parallel_loop3A_437 = arith.mulf %parallel_loop3A_436, %parallel_loop3A_436 : vector<16xf32>
        %parallel_loop3A_438 = arith.addf %parallel_loop3A_386, %parallel_loop3A_437 : vector<16xf32>
        %parallel_loop3A_439 = arith.constant 8 : i32
        %parallel_loop3A_440 = vector.broadcast %parallel_loop3A_439 : i32 to vector<16xi32>
        %parallel_loop3A_441 = arith.addi %parallel_loop3A_330, %parallel_loop3A_440 : vector<16xi32>
        scf.yield %parallel_loop3A_441, %parallel_loop3A_399, %parallel_loop3A_412, %parallel_loop3A_425, %parallel_loop3A_438 : vector<16xi32>, vector<16xf32>, vector<16xf32>, vector<16xf32>, vector<16xf32>
      } {sc.loop_unroll_factor = 1 : i64, sc.parallel_access}
      %add3A_301 = arith.addf %parallel_loop3A_300#1, %parallel_loop3A_300#2 : vector<16xf32>
      %add3A_302 = arith.addf %parallel_loop3A_300#3, %parallel_loop3A_300#4 : vector<16xf32>
      %add3A_303 = arith.addf %add3A_301, %add3A_302 : vector<16xf32>
      %bitcast_convert_type3A = tpu.bitcast %add3A_303 : vector<16xf32> -> vector<16xi32>
      %shift_right_arithmetic3A = arith.constant 1 : i32
      %shift_right_arithmetic3A_304 = vector.broadcast %shift_right_arithmetic3A : i32 to vector<16xi32>
      %shift_right_arithmetic3A_305 = arith.shrsi %bitcast_convert_type3A, %shift_right_arithmetic3A_304 : vector<16xi32>
      %add3A_306 = arith.constant 532487669 : i32
      %add3A_307 = vector.broadcast %add3A_306 : i32 to vector<16xi32>
      %add3A_308 = arith.addi %add3A_307, %shift_right_arithmetic3A_305 : vector<16xi32>
      %bitcast_convert_type3A_309 = tpu.bitcast %add3A_308 : vector<16xi32> -> vector<16xf32>
      %div3A = arith.divf %add3A_303, %bitcast_convert_type3A_309 : vector<16xf32>
      %add3A_310 = arith.addf %bitcast_convert_type3A_309, %div3A : vector<16xf32>
      %mul3A_311 = arith.constant 5.000000e-01 : f32
      %mul3A_312 = vector.broadcast %mul3A_311 : f32 to vector<16xf32>
      %mul3A_313 = arith.mulf %mul3A_312, %add3A_310 : vector<16xf32>
      %div3A_314 = arith.divf %add3A_303, %mul3A_313 : vector<16xf32>
      %add3A_315 = arith.addf %mul3A_313, %div3A_314 : vector<16xf32>
      %mul3A_316 = arith.constant 5.000000e-01 : f32
      %mul3A_317 = vector.broadcast %mul3A_316 : f32 to vector<16xf32>
      %mul3A_318 = arith.mulf %mul3A_317, %add3A_315 : vector<16xf32>
      %div3A_319 = arith.divf %add3A_303, %mul3A_318 : vector<16xf32>
      %add3A_320 = arith.addf %mul3A_318, %div3A_319 : vector<16xf32>
      %mul3A_321 = arith.constant 5.000000e-01 : f32
      %mul3A_322 = vector.broadcast %mul3A_321 : f32 to vector<16xf32>
      %mul3A_323 = arith.mulf %mul3A_322, %add3A_320 : vector<16xf32>
      %mul3A_324 = arith.constant 16 : i32
      %mul3A_325 = arith.muli %scan3A_292, %mul3A_324 : i32
      %add3A_326 = arith.constant 448 : i32
      %add3A_327 = arith.addi %add3A_326, %mul3A_325 : i32
      %swap3A = arith.index_cast %add3A_327 : i32 to index
      %swap3A_328 = tpu.vector_load %arg20[%swap3A] {strides = array<i32>} : memref<512xf32, #tpu.memory_space<vmem>>, vector<16xf32>,
      tpu.vector_store %arg20[%swap3A], %mul3A_323 {strides = array<i32>} : memref<512xf32, #tpu.memory_space<vmem>>, vector<16xf32>,
    }
    %scan3A_291 = arith.constant 4 : i32
    "tpu.region"() ({
      %run_scoped3A = tpu.sem_alloc : memref<!tpu.dma_semaphore, #tpu.memory_space<semaphore_mem>>
      %dma_start3A_292 = tpu.memref_slice %arg7[%mul3A_2] : memref<16384xf32, #tpu.memory_space<hbm>> -> memref<512xf32, #tpu.memory_space<hbm>>
      %dma_start3A_293 = tpu.memref_slice %arg7[%mul3A_2] : memref<16384xf32, #tpu.memory_space<hbm>> -> memref<512xf32, #tpu.memory_space<hbm>>
      tpu.enqueue_dma source(%arg20 : memref<512xf32, #tpu.memory_space<vmem>>) target(%dma_start3A_293 : memref<512xf32, #tpu.memory_space<hbm>>) target_semaphore(%run_scoped3A : memref<!tpu.dma_semaphore, #tpu.memory_space<semaphore_mem>>)
      %dma_wait3A_294 = tpu.memref_slice %arg7[%mul3A_2] : memref<16384xf32, #tpu.memory_space<hbm>> -> memref<512xf32, #tpu.memory_space<hbm>>
      %dma_wait3A_295 = tpu.memref_slice %arg7[%mul3A_2] : memref<16384xf32, #tpu.memory_space<hbm>> -> memref<512xf32, #tpu.memory_space<hbm>>
      tpu.wait_dma2 semaphore(%run_scoped3A : memref<!tpu.dma_semaphore, #tpu.memory_space<semaphore_mem>>) src(%arg20 : memref<512xf32, #tpu.memory_space<vmem>>) dst(%dma_wait3A_295 : memref<512xf32, #tpu.memory_space<hbm>>)
      tpu.yield
    }) : () -> ()
    return
  }
}

</mosaic_0001>

<sc_bundles>
// kernel: kernel.3.cloned.1.call-start
scs
__scs_entry_jumppad:
0x0: {  	(pc) =	sbr.rel $0x88, $3  }
0x1: {  	(tag) =	ssettag $0x0;
	lr =	simm.s32 $0x1  }
0x2: {  	[smem:$0x3F9C] =	sst lr;
	_ =	strace $0xD0000000  }
0x3: {  	_ = 	snop  }
0x4: {  	_ = 	snop  }
0x5: {  	_ = 	snop  }
0x6: {  	_ = 	snop  }
0x7: {  	_ = 	snop  }
__scs_overlays_trampoline_lowered:
0x8: {  	[smem:$0x3FAB] =	sst s0  }
0x9: {  	[smem:$0x3FAC] =	sst s1  }
0xa: {  	[smem:$0x3FAD] =	sst s2  }
0xb: {  	[smem:$0x3FAE] =	sst s3  }
0xc: {  	[smem:$0x3FAF] =	sst s4  }
0xd: {  	[smem:$0x3FB0] =	sst s5  }
0xe: {  	[smem:$0x3FB1] =	sst s6  }
0xf: {  	[smem:$0x3FB2] =	sst s7  }
0x10: {  	[smem:$0x3FB3] =	sst s8  }
0x11: {  	[smem:$0x3FB4] =	sst s9;
	s0 =	simm.s32 @!p0 $0x0  }
0x12: {  	s1 =	sld [smem:$0x3F9A];
	s0 =	simm.s32 @p0 $0x1  }
0x13: {  	[smem:$0x3FB5] =	sst s0;
	s0 =	simm.s32 @!p1 $0x0  }
0x14: {  	s2 =	sld [smem:$0x3F99];
	s0 =	simm.s32 @p1 $0x1  }
0x15: {  	[smem:$0x3FB6] =	sst s0;
	s0 =	simm.s32 @!p2 $0x0  }
0x16: {  	s3 =	sld [smem:$0x3FDB];
	s0 =	simm.s32 @p2 $0x1  }
0x17: {  	s4 =	simm.s32 $0x1BF5;
	[smem:$0x3FB8] =	sst s0  }
0x18: {  	s0 =	sld [smem:$0x3F9B];
	_ =	swait.ge [sflag:s4], $0x0  }
0x19: {  	s7 =	sld [smem:$0x3F9C]  }
0x1a: {  	s8 =	sadd.s32 $0xFFFFE003, lr  }
0x1b: {  	s9 =	sadd.s32 $0xFFFFFEF7, lr;
	s5 =	simm.s32 $0xFFFFFFFF;
	p2 =	slt.u32 s8, $0xFFFFF086  }
0x1c: {  	p1 =	slt.u32 s9, $0xF7A;
	s5 =	simm.s32 @!p2 $0x0  }
0x1d: {  	s5 =	simm.s32 @p1 $0x1;
	p0 =	seq.s32 s7, s2  }
0x1e: {  	s7 =	smul.u32 @!p0 $0xF7A, s2;
	p2 =	seq.s32 @!p0 s5, $0x0  }
0x1f: {  	s9 =	smul.u32 $0xF7A, s1;
	s8 =	simm.s32 @!p0 $0x1BF5;
	p2 =	por !p2, p0  }
0x20: {  	[sflag:s8] =	ssyncset.s32 @!p0 $0xFFFFF086;
	s6 =	sadd.s32 @!p0 s3, s7;
	s7 =	simm.s32 @!p0 $0x108  }
0x21: {  	s3 =	sadd.s32 s3, s9;
	s6 =	sadd.s32 @!p0 $0x88, s6;
	s7 =	simm.s32 @p2 $0x1082  }
0x22: {  	[simem:s7], [sflag:s8] =	dma.local @!p0 [hbm:s6], $0xF7A  }
0x23: {  	s9 =	sor.u32 $0xD0000000, s2;
	s6 =	simm.s32 $0x108;
	_ =	swait.ge @!p0 [sflag:s8], $0x0  }
0x24: {  	s3 =	sadd.s32 $0x88, s3;
	s6 =	simm.s32 @!p1 $0x1082;
	[sflag:s4] =	ssyncset.s32 $0xFFFFF086  }
0x25: {  	[simem:s6], [sflag:s4] =	dma.local [hbm:s3], $0xF7A  }
0x26: {  	[smem:$0x3F9C] =	sst s1;
	(tag) =	ssettag s2;
	_ =	strace s9  }
0x27: {  	s1 =	sld [smem:$0x3FAC]  }
0x28: {  	s2 =	sld [smem:$0x3FAD]  }
0x29: {  	s4 =	sld [smem:$0x3FAF]  }
0x2a: {  	p0 =	seq.s32 s5, $0x0;
	s5 =	sld [smem:$0x3FB0]  }
0x2b: {  	s6 =	sld [smem:$0x3FB1]  }
0x2c: {  	s7 =	sld [smem:$0x3FB2]  }
0x2d: {  	s3 =	simm.s32 $0x108;
	s8 =	sld [smem:$0x3FB3]  }
0x2e: {  	s3 =	simm.s32 @!p0 $0x1082;
	s9 =	sld [smem:$0x3FB4]  }
0x2f: {  	lr =	sadd.s32 s0, s3;
	s0 =	sld [smem:$0x3FAB]  }
0x30: {  	s3 =	sld [smem:$0x3FAE]  }
0x31: {  	[smem:$0x3FB7] =	sst s10  }
0x32: {  	s10 =	sld [smem:$0x3FB5];
	_ =	sdelay $0x3  }
0x33: {  	p0 =	seq.s32 s10, $0x1;
	s10 =	sld [smem:$0x3FB7];
	_ =	sdelay $0x3  }
0x34: {  	[smem:$0x3FB7] =	sst s10  }
0x35: {  	s10 =	sld [smem:$0x3FB6];
	_ =	sdelay $0x3  }
0x36: {  	p1 =	seq.s32 s10, $0x1;
	s10 =	sld [smem:$0x3FB7];
	_ =	sdelay $0x3  }
0x37: {  	[smem:$0x3FB7] =	sst s10  }
0x38: {  	s10 =	sld [smem:$0x3FB8]  }
0x39: {  	_ = 	snop;
	(pc) =	sbr.ind lr, $3  }
0x3a: {  	_ = 	snop  }
0x3b: {  	_ = 	snop  }
0x3c: {  	p2 =	seq.s32 s10, $0x1;
	s10 =	sld [smem:$0x3FB7]  }
0x3d: {  	_ =	shalt  }
0x3e: {  	_ =	shalt  }
0x3f: {  	_ =	shalt  }
0x40: {  	_ =	shalt  }
0x41: {  	_ =	shalt  }
0x42: {  	_ =	shalt  }
0x43: {  	_ =	shalt  }
0x44: {  	_ =	shalt  }
0x45: {  	_ =	shalt  }
0x46: {  	_ =	shalt  }
0x47: {  	_ =	shalt  }
0x48: {  	_ =	shalt  }
0x49: {  	_ =	shalt  }
0x4a: {  	_ =	shalt  }
0x4b: {  	_ =	shalt  }
0x4c: {  	_ =	shalt  }
0x4d: {  	_ =	shalt  }
0x4e: {  	_ =	shalt  }
0x4f: {  	_ =	shalt  }
0x50: {  	_ =	shalt  }
0x51: {  	_ =	shalt  }
0x52: {  	_ =	shalt  }
0x53: {  	_ =	shalt  }
0x54: {  	_ =	shalt  }
0x55: {  	_ =	shalt  }
0x56: {  	_ =	shalt  }
0x57: {  	_ =	shalt  }
0x58: {  	_ =	shalt  }
0x59: {  	_ =	shalt  }
0x5a: {  	_ =	shalt  }
0x5b: {  	_ =	shalt  }
0x5c: {  	_ =	shalt  }
0x5d: {  	_ =	shalt  }
0x5e: {  	_ =	shalt  }
0x5f: {  	_ =	shalt  }
0x60: {  	_ =	shalt  }
0x61: {  	_ =	shalt  }
0x62: {  	_ =	shalt  }
0x63: {  	_ =	shalt  }
0x64: {  	_ =	shalt  }
0x65: {  	_ =	shalt  }
0x66: {  	_ =	shalt  }
0x67: {  	_ =	shalt  }
0x68: {  	_ =	shalt  }
0x69: {  	_ =	shalt  }
0x6a: {  	_ =	shalt  }
0x6b: {  	_ =	shalt  }
0x6c: {  	_ =	shalt  }
0x6d: {  	_ =	shalt  }
0x6e: {  	_ =	shalt  }
0x6f: {  	_ =	shalt  }
0x70: {  	_ =	shalt  }
0x71: {  	_ =	shalt  }
0x72: {  	_ =	shalt  }
0x73: {  	_ =	shalt  }
0x74: {  	_ =	shalt  }
0x75: {  	_ =	shalt  }
0x76: {  	_ =	shalt  }
0x77: {  	_ =	shalt  }
0x78: {  	_ =	shalt  }
0x79: {  	_ =	shalt  }
0x7a: {  	_ =	shalt  }
0x7b: {  	_ =	shalt  }
0x7c: {  	_ =	shalt  }
0x7d: {  	_ =	shalt  }
0x7e: {  	_ =	shalt  }
0x7f: {  	_ =	shalt  }
0x80: {  	_ =	shalt  }
0x81: {  	_ =	shalt  }
0x82: {  	_ =	shalt  }
0x83: {  	_ =	shalt  }
0x84: {  	_ =	shalt  }
0x85: {  	_ =	shalt  }
0x86: {  	_ =	shalt  }
0x87: {  	_ =	shalt  }
.Lfunc_end0:
.L_simem_size_0:
called_computation_lowered:
.L_overlay_start_0:
0x88: {  	s2 =	sld [smem:$0x3FD9]  }
0x89: {  	s3 =	sld [smem:$0x3FFE];
	_ =	sdelay $0x1  }
0x8a: {  	s1 =	srdreg.scid  }
0x8b: {  	s0 =	sand.u32 $0x1, s1  }
0x8c: {  	s18 =	sshll.u32 s0, $0xA;
	s2 =	sadd.s32 s3, s2  }
0x8d: {  	s2 =	sadd.s32 s2, s18  }
0x8e: {  	[smem:$0x3FC3] =	sst s2  }
0x8f: {  	_ = 	snop  }
0x90: {  	s2 =	sld [smem:$0x3FC9]  }
0x91: {  	s19 =	sld [smem:$0x3FC8]  }
0x92: {  	s4 =	sld [smem:$0x3FC7]  }
0x93: {  	s5 =	sld [smem:$0x3FC6]  }
0x94: {  	s6 =	sld [smem:$0x3FC5]  }
0x95: {  	s7 =	sld [smem:$0x3FD0];
	(tm) =	ssettm $0x1  }
0x96: {  	s8 =	sld [smem:$0x3FFB];
	_ =	sdelay $0x3  }
0x97: {  	_ =	strace s8  }
0x98: {  	s8 =	sld [smem:$0x3FFC];
	_ =	sdelay $0x3  }
0x99: {  	_ =	strace s8  }
0x9a: {  	s8 =	sld [smem:$0x3FFD];
	_ =	sdelay $0x3  }
0x9b: {  	_ =	strace s8  }
0x9c: {  	_ =	strace $0x8FFFFFFF  }
0x9d: {  	s20 =	sld [smem:$0x3FDB];
	_ =	sdelay $0x1  }
0x9e: {  	s9 =	simm.s32 $_scs_section_size  }
0x9f: {  	s10 =	simm.s32 $_size__tile_overlayer_lowered;
	s11 =	simm.s32 $_tile_overlayer_lowered  }
0xa0: {  	s23 =	simm.s32 $0x1BFF;
	s22 =	sshll.u32 s11, $0x1;
	s8 =	sadd.s32 s9, s20  }
0xa1: {  	s12 =	simm.s32 $0x0;
	s21 =	sshll.u32 s10, $0x1;
	s10 =	sadd.s32 s22, s8  }
0xa2: {  	[timem:s12], [sflag:s23] =	dma.local [hbm:s10], s21  }
0xa3: {  	_ =	swait.ge [sflag:s23], s21  }
0xa4: {  	s9 =	ssub.s32 $0x0, s21;
	[sflag:s23] =	ssyncset.done $0x0  }
0xa5: {  	[sflag:s23] =	ssyncadd.s32 s9;
	_ =	sdelay $0x1  }
0xa6: {  	s24 =	simm.s32 $0x1B8B  }
0xa7: {  	_ =	swait.ge [sflag:s24], $0x1  }
0xa8: {  	[sflag:s24] =	ssyncset.done $0x0  }
0xa9: {  	s25 =	simm.s32 $0x1B8E;
	[sflag:s24] =	ssyncadd.s32 $0xFFFFFFFF  }
0xaa: {  	s26 =	simm.s32 $execute0_lowered;
	[smem:$0x3FD2] =	sst s25  }
0xab: {  	s9 =	sshll.u32 s26, $0x1;
	_ =	strace $0x80000046;
	[dreg:$0x1] =	wrdreg $0xFFFFFFFF  }
0xac: {  	s28 =	simm.s32 $_size_execute0_lowered;
	s8 =	sadd.s32 s8, s9;
	[dreg:$0x0] =	wrdreg $0x0  }
0xad: {  	s9 =	sshll.u32 s28, $0x1;
	[dreg:$0x2] =	wrdreg s8  }
0xae: {  	[dreg:$0x3] =	wrdreg s9  }
0xaf: {  	[dreg:$0x4] =	wrdreg $0xC0  }
0xb0: {  	_ =	task [dreg:s12], $0x5FFFF  }
0xb1: {  	[dreg:$0x1] =	wrdreg $0xFFFFFFFF  }
0xb2: {  	[dreg:$0x0] =	wrdreg $0x60  }
0xb3: {  	[dreg:$0x2] =	wrdreg s2  }
0xb4: {  	[dreg:$0x3] =	wrdreg s19  }
0xb5: {  	[dreg:$0x4] =	wrdreg s4  }
0xb6: {  	[dreg:$0x5] =	wrdreg s5  }
0xb7: {  	[dreg:$0x6] =	wrdreg s6  }
0xb8: {  	[dreg:$0x7] =	wrdreg s7  }
0xb9: {  	[dreg:$0x8] =	wrdreg $0x9  }
0xba: {  	_ =	task.clear_ibuf [dreg:s12], $0x9FFFF;
	_ =	strace $0x90000046  }
0xbb: {  	s29 =	simm.s32 $0x9;
	_ =	strace $0x80000048  }
0xbc: {  	_ =	swait.ge [sflag:s29], $0x1  }
0xbd: {  	[sflag:s29] =	ssyncadd.s32 $0xFFFFFFFF  }
0xbe: {  	_ =	strace $0x90000048  }
0xbf: {  	_ =	sfence  }
0xc0: {  	s30 =	sld [smem:$0x0];
	_ =	sdelay $0x2  }
0xc1: {  	s31 =	sshll.u32 s1, $0xD;
	s1 =	sshrl.u32 s1, $0x2  }
0xc2: {  	s3 =	sand.u32 $0x4000, s31;
	s1 =	sadd.s32 s1, s30  }
0xc3: {  	s0 =	sor.u32 s3, s0;
	s1 =	sshll.u32 s1, $0x11  }
0xc4: {  	s0 =	sor.u32 s1, s0  }
0xc5: {  	s0 =	sadd.s32 $0x8F2B, s0  }
0xc6: {  	[sflag:s0] =	ssyncadd.remote.s32 $0x1  }
0xc7: {  	_ =	sfence.sel $0xFFFF  }
0xc8: {  	[dreg:$0x0] =	wrdreg $0xFFFFFFFF;
	(pc) =	sbr.abs _section_cstart, $3  }
0xc9: {  	[dreg:$0x1] =	wrdreg $0xFFFFFFFF  }
0xca: {  	_ =	task.clear_ibuf [dreg:s12], $0x2FFFF;
	_ =	strace $0x9FFFFFFF  }
0xcb: {  	(tm) =	ssettm $0x7FFFFFFF  }
tec
execute0_lowered:
.L_overlay_start_1:
0x0: {  	(tag) =	ssettag $0x1  }
0x1: {  	s0 =	rddreg [dreg:$0x0]  }
0x2: {  	s3 =	rddreg [dreg:$0x1]  }
0x3: {  	s7 =	rddreg [dreg:$0x2]  }
0x4: {  	s1 =	rddreg [dreg:$0x3]  }
0x5: {  	s2 =	rddreg [dreg:$0x4]  }
0x6: {  	s8 =	rddreg [dreg:$0x5];
	s4 =	simm.s32 $0x0  }
0x7: {  	s5 =	srdreg.scid;
	s9 =	stileid.u32;
	s11 =	simm.s32 $0x400  }
0x8: {  	s12 =	simm.s32 $0x4;
	s13 =	simm.s32 $0x40;
	s14 =	simm.s32 $0x600  }
0x9: {  	s15 =	simm.s32 $0x2600;
	s16 =	simm.s32 $0x4600;
	s17 =	simm.s32 $0x6600  }
0xa: {  	s19 =	simm.s32 $0x8600;
	s21 =	simm.s32 $0xA600;
	s23 =	simm.s32 $0xC600  }
0xb: {  	s25 =	simm.s32 $0xE600;
	s28 =	simm.s32 $0x10600;
	s29 =	simm.s32 $0x1  }
0xc: {  	s24 =	simm.s32 $0x3;
	s30 =	simm.s32 $0x5C0;
	s31 =	simm.s32 $0x12600  }
0xd: {  	s18 =	simm.s32 $0x0;
	[smem:$0x7FF] =	sst s4;
	s5 =	sand.u32 $0x1, s5  }
0xe: {  	s9 =	sshll.u32 s9, $0x7;
	s6 =	ssub.s32 $0x2, s5;
	s5 =	sshll.u32 s5, $0x6  }
0xf: {  	_ =	strace $0x80000047;
	s10 =	sshrl.u32 s6, $0x1;
	s9 =	sor.u32 s5, s9  }
0x10: {  	s10 =	ssub.s32 s6, s10;
	s5 =	sadd.s32 s0, s9;
	s6 =	sadd.s32 s3, s9  }
0x11: {  	s7 =	sadd.s32 s7, s9;
	s8 =	sadd.s32 s8, s9;
	s3 =	simm.s32 $0x2  }
0x12: {  	s0 =	simm.s32 $0x5;
	s9 =	smax.u32 s10, $0x1;
	s10 =	simm.s32 $0x200  }
.LBB2_1:
0x13: {  	[tilespmem:s4], [sflag:$0x4] =	stream.linear.gather [hbm4b:s5+s4], $0x200, $0x38;
	[tilespmem:$0x12800] =	vst v63  }
0x14: {  	_ = 	snop  }
0x15: {  	[tilespmem:s10], [sflag:$0x4] =	stream.linear.gather [hbm4b:s6+s4], $0x200, $0x38;
	[tilespmem:$0x12800] =	vst v63  }
0x16: {  	_ = 	snop  }
0x17: {  	[tilespmem:s11], [sflag:$0x4] =	stream.linear.gather [hbm4b:s7+s4], $0x200, $0x38;
	[tilespmem:$0x12800] =	vst v63  }
0x18: {  	_ =	swait.ge [sflag:s12], $0x200  }
0x19: {  	[sflag:s12] =	ssyncset.done $0x0  }
0x1a: {  	[sflag:s12] =	ssyncadd.s32 $0xFFFFFE00  }
0x1b: {  	_ =	swait.ge [sflag:s12], $0x200  }
0x1c: {  	[sflag:s12] =	ssyncset.done $0x0  }
0x1d: {  	[sflag:s12] =	ssyncadd.s32 $0xFFFFFE00  }
0x1e: {  	_ =	swait.ge [sflag:s12], $0x200  }
0x1f: {  	[sflag:s12] =	ssyncset.done $0x0  }
0x20: {  	[sflag:s12] =	ssyncadd.s32 $0xFFFFFE00  }
0x21: {  	[tilespmem:s14], [sflag:$0x1] =	stream.indirect.gather [hbm4b:s1+s13], $0x80, s4, s13, $0xb8;
	[tilespmem:$0x12800] =	vst v63  }
0x22: {  	_ = 	snop  }
0x23: {  	[tilespmem:s15], [sflag:$0x1] =	stream.indirect.gather [hbm4b:s2+s13], $0x80, s10, s13, $0xb8;
	[tilespmem:$0x12800] =	vst v63  }
0x24: {  	_ = 	snop  }
0x25: {  	[tilespmem:s16], [sflag:$0x1] =	stream.indirect.gather [hbm4b:s1+s13], $0x80, s11, s13, $0xb8;
	[tilespmem:$0x12800] =	vst v63  }
0x26: {  	_ = 	snop  }
0x27: {  	[tilespmem:s17], [sflag:$0x2] =	stream.indirect.gather [hbm4b:s1+s13], $0x80, s13, s13, $0xb8;
	[tilespmem:$0x12800] =	vst v63  }
0x28: {  	s20 =	simm.s32 $0x240  }
0x29: {  	[tilespmem:s19], [sflag:$0x2] =	stream.indirect.gather [hbm4b:s2+s13], $0x80, s20, s13, $0xb8;
	[tilespmem:$0x12800] =	vst v63  }
0x2a: {  	s22 =	simm.s32 $0x440  }
0x2b: {  	[tilespmem:s21], [sflag:$0x2] =	stream.indirect.gather [hbm4b:s1+s13], $0x80, s22, s13, $0xb8;
	[tilespmem:$0x12800] =	vst v63  }
0x2c: {  	s26 =	simm.s32 $0x80  }
0x2d: {  	[tilespmem:s23], [sflag:$0x3] =	stream.indirect.gather [hbm4b:s1+s13], $0x80, s26, s13, $0xb8;
	[tilespmem:$0x12800] =	vst v63  }
0x2e: {  	s22 =	simm.s32 $0x280  }
0x2f: {  	[tilespmem:s25], [sflag:$0x3] =	stream.indirect.gather [hbm4b:s2+s13], $0x80, s22, s13, $0xb8;
	[tilespmem:$0x12800] =	vst v63  }
0x30: {  	s26 =	simm.s32 $0x480  }
0x31: {  	[tilespmem:s28], [sflag:$0x3] =	stream.indirect.gather [hbm4b:s1+s13], $0x80, s26, s13, $0xb8;
	[tilespmem:$0x12800] =	vst v63  }
0x32: {  	_ =	swait.ge [sflag:s29], $0x2000  }
0x33: {  	[sflag:s29] =	ssyncset.done $0x0  }
0x34: {  	[sflag:s29] =	ssyncadd.s32 $0xFFFFE000  }
0x35: {  	_ =	swait.ge [sflag:s29], $0x2000  }
0x36: {  	[sflag:s29] =	ssyncset.done $0x0  }
0x37: {  	[sflag:s29] =	ssyncadd.s32 $0xFFFFE000  }
0x38: {  	_ =	swait.ge [sflag:s29], $0x2000  }
0x39: {  	[sflag:s29] =	ssyncset.done $0x0  }
0x3a: {  	s20 =	simm.s32 $0x0;
	[sflag:s29] =	ssyncadd.s32 $0xFFFFE000  }
.LBB2_2:
0x3b: {  	s22 =	sshll.u32 s20, $0x4;
	v1 =	vlaneseq.u32  }
0x3c: {  	v0 =	vmov s22;
	v2 =	vmul.u32 $0x80, v1  }
0x3d: {  	v0 =	vshll.u32 v0, $0x7  }
0x3e: {  	v3 =	vor.u32 v2, v0;
	v0 =	vand.u32 $0x7F, v1  }
0x3f: {  	v2 =	vor.u32 v3, v0  }
0x40: {  	v4 =	vadd.s32 $0x5, v1  }
0x41: {  	v4 =	vand.u32 $0x7F, v4;
	v0 =	vadd.s32 $0x4, v1  }
0x42: {  	v7 =	vor.u32 v3, v4;
	v0 =	vand.u32 $0x7F, v0  }
0x43: {  	v6 =	vor.u32 v3, v0  }
0x44: {  	v0 =	vld.idx.msk [tilespmem:v2+s15+$0x0], $0xffff  }
0x45: {  	v11 =	vld.idx.msk [tilespmem:v2+s16+$0x0], $0xffff  }
0x46: {  	v4 =	vadd.s32 $0x6, v1;
	v12 =	vld.idx.msk [tilespmem:v2+s14+$0x0], $0xffff  }
0x47: {  	v2 =	vand.u32 $0x7F, v4;
	v5 =	vld.idx.msk [tilespmem:v7+s15+$0x0], $0xffff  }
0x48: {  	v8 =	vadd.s32 $0x7, v1;
	v10 =	vor.u32 v3, v2;
	v4 =	vld.idx.msk [tilespmem:v6+s15+$0x0], $0xffff  }
0x49: {  	v2 =	vand.u32 $0x7F, v8;
	v13 =	vld.idx.msk [tilespmem:v6+s16+$0x0], $0xffff  }
0x4a: {  	v8 =	vor.u32 v3, v2;
	v14 =	vld.idx.msk [tilespmem:v6+s14+$0x0], $0xffff;
	v6 =	vadd.s32 $0x1, v1  }
0x4b: {  	v15 =	vld.idx.msk [tilespmem:v7+s16+$0x0], $0xffff;
	v6 =	vand.u32 $0x7F, v6  }
0x4c: {  	v16 =	vld.idx.msk [tilespmem:v7+s14+$0x0], $0xffff;
	v7 =	vadd.s32 $0x2, v1;
	v20 =	vor.u32 v3, v6  }
0x4d: {  	v9 =	vadd.s32 $0x3, v1;
	v7 =	vand.u32 $0x7F, v7;
	v17 =	vld.idx.msk [tilespmem:v10+s16+$0x0], $0xffff  }
0x4e: {  	v9 =	vand.u32 $0x7F, v9;
	v22 =	vor.u32 v3, v7;
	v18 =	vld.idx.msk [tilespmem:v10+s14+$0x0], $0xffff  }
0x4f: {  	v23 =	vor.u32 v3, v9;
	v9 =	vimm.f32 $0.0e+00;
	v19 =	vld.idx.msk [tilespmem:v8+s16+$0x0], $0xffff  }
0x50: {  	s26 =	simm.s32 $0xF;
	v2 =	vimm.f32 $0.0e+00;
	v7 =	vimm.f32 $0.0e+00;
	v6 =	vimm.f32 $0.0e+00;
	v21 =	vld.idx.msk [tilespmem:v8+s14+$0x0], $0xffff  }
.LBB2_3:
0x51: {  	p0 =	sne.s32 s26, $0x1;
	v24 =	vld.idx.msk [tilespmem:v20+s16+$0x0], $0xffff  }
0x52: {  	v25 =	vld.idx.msk [tilespmem:v20+s14+$0x0], $0xffff  }
0x53: {  	v26 =	vld.idx.msk [tilespmem:v22+s16+$0x0], $0xffff  }
0x54: {  	v1 =	vadd.s32 $0x8, v1;
	v27 =	vld.idx.msk [tilespmem:v22+s14+$0x0], $0xffff  }
0x55: {  	v28 =	vadd.s32 $0x4, v1;
	v29 =	vadd.s32 $0x5, v1;
	v30 =	vadd.s32 $0x6, v1;
	v31 =	vld.idx.msk [tilespmem:v23+s16+$0x0], $0xffff  }
0x56: {  	v32 =	vand.u32 $0x7F, v1;
	v33 =	vadd.s32 $0x1, v1;
	v34 =	vadd.s32 $0x7, v1;
	v35 =	vld.idx.msk [tilespmem:v23+s14+$0x0], $0xffff  }
0x57: {  	v36 =	vadd.s32 $0x2, v1;
	v32 =	vor.u32 v3, v32;
	v28 =	vand.u32 $0x7F, v28;
	v20 =	vld.idx.msk [tilespmem:v20+s15+$0x0], $0xffff  }
0x58: {  	v11 =	vsub.f32 v11, v12;
	v29 =	vand.u32 $0x7F, v29;
	v30 =	vand.u32 $0x7F, v30;
	v22 =	vld.idx.msk [tilespmem:v22+s15+$0x0], $0xffff  }
0x59: {  	v12 =	vsub.f32 v13, v14;
	v13 =	vsub.f32 v15, v16;
	v34 =	vand.u32 $0x7F, v34;
	v23 =	vld.idx.msk [tilespmem:v23+s15+$0x0], $0xffff  }
0x5a: {  	v16 =	vsub.f32 v17, v18;
	v14 =	vor.u32 v3, v28;
	v17 =	vsub.f32 v19, v21;
	v15 =	vld.idx.msk [tilespmem:v10+s15+$0x0], $0xffff  }
0x5b: {  	v18 =	vor.u32 v3, v29;
	v19 =	vsub.f32 v24, v25;
	v21 =	vsub.f32 v26, v27;
	v24 =	vld.idx.msk [tilespmem:v8+s15+$0x0], $0xffff  }
0x5c: {  	v25 =	vand.u32 $0x7F, v33;
	v26 =	vsub.f32 v11, v0;
	v27 =	vsub.f32 v31, v35;
	v0 =	vld.idx.msk [tilespmem:v32+s15+$0x0], $0xffff  }
0x5d: {  	v13 =	vsub.f32 v13, v5;
	v28 =	vsub.f32 v12, v4;
	v10 =	vor.u32 v3, v30;
	v11 =	vld.idx.msk [tilespmem:v32+s16+$0x0], $0xffff  }
0x5e: {  	v8 =	vor.u32 v3, v34;
	v19 =	vsub.f32 v19, v20;
	v20 =	vsub.f32 v21, v22;
	v12 =	vld.idx.msk [tilespmem:v32+s14+$0x0], $0xffff  }
0x5f: {  	v21 =	vmul.f32 v26, v26;
	v22 =	vsub.f32 v27, v23;
	v23 =	vmul.f32 v28, v28;
	v4 =	vld.idx.msk [tilespmem:v14+s15+$0x0], $0xffff  }
0x60: {  	v26 =	vmul.f32 v13, v13;
	v19 =	vmul.f32 v19, v19;
	v15 =	vsub.f32 v16, v15;
	v5 =	vld.idx.msk [tilespmem:v18+s15+$0x0], $0xffff  }
0x61: {  	v16 =	vmul.f32 v20, v20;
	v20 =	vmul.f32 v22, v22;
	v17 =	vsub.f32 v17, v24;
	v13 =	vld.idx.msk [tilespmem:v14+s16+$0x0], $0xffff  }
0x62: {  	v2 =	vadd.f32 v21, v2;
	v9 =	vadd.f32 v19, v9;
	v19 =	vmul.f32 v15, v15;
	v14 =	vld.idx.msk [tilespmem:v14+s14+$0x0], $0xffff  }
0x63: {  	v6 =	vadd.f32 v16, v6;
	v7 =	vadd.f32 v20, v7;
	v21 =	vmul.f32 v17, v17;
	v15 =	vld.idx.msk [tilespmem:v18+s16+$0x0], $0xffff  }
.Ltmp0:
0x64: {  	v2 =	vadd.f32 v23, v2;
	v20 =	vor.u32 v3, v25;
	v9 =	vadd.f32 v26, v9;
	v16 =	vld.idx.msk [tilespmem:v18+s14+$0x0], $0xffff;
	(pc) =	sbr.rel @p0 .LBB2_3-.Ltmp0, $4  }
0x65: {  	v6 =	vadd.f32 v19, v6;
	v18 =	vand.u32 $0x7F, v36;
	v7 =	vadd.f32 v21, v7;
	v17 =	vld.idx.msk [tilespmem:v10+s16+$0x0], $0xffff  }
0x66: {  	v19 =	vadd.s32 $0x3, v1;
	v22 =	vor.u32 v3, v18;
	v18 =	vld.idx.msk [tilespmem:v10+s14+$0x0], $0xffff  }
0x67: {  	v21 =	vand.u32 $0x7F, v19;
	v19 =	vld.idx.msk [tilespmem:v8+s16+$0x0], $0xffff  }
0x68: {  	s26 =	sadd.s32 $0xFFFFFFFF, s26;
	v23 =	vor.u32 v3, v21;
	v21 =	vld.idx.msk [tilespmem:v8+s14+$0x0], $0xffff  }
0x69: {  	_ =	sdelay $0x3  }
0x6a: {  	v1 =	vld.idx.msk [tilespmem:v20+s16+$0x0], $0xffff  }
0x6b: {  	v3 =	vld.idx.msk [tilespmem:v20+s14+$0x0], $0xffff  }
0x6c: {  	v24 =	vld.idx.msk [tilespmem:v22+s16+$0x0], $0xffff  }
0x6d: {  	v25 =	vld.idx.msk [tilespmem:v22+s14+$0x0], $0xffff  }
0x6e: {  	v26 =	vld.idx.msk [tilespmem:v23+s16+$0x0], $0xffff  }
0x6f: {  	v27 =	vld.idx.msk [tilespmem:v23+s14+$0x0], $0xffff  }
0x70: {  	v48 =	vld.idx.msk [tilespmem:v20+s15+$0x0], $0xffff  }
0x71: {  	v11 =	vsub.f32 v11, v12;
	v49 =	vld.idx.msk [tilespmem:v22+s15+$0x0], $0xffff;
	v13 =	vsub.f32 v13, v14  }
0x72: {  	v50 =	vsub.f32 v15, v16;
	v51 =	vld.idx.msk [tilespmem:v23+s15+$0x0], $0xffff;
	v52 =	vsub.f32 v17, v18  }
0x73: {  	v10 =	vld.idx.msk [tilespmem:v10+s15+$0x0], $0xffff;
	v0 =	vsub.f32 v11, v0;
	v4 =	vsub.f32 v13, v4  }
0x74: {  	v8 =	vld.idx.msk [tilespmem:v8+s15+$0x0], $0xffff;
	v5 =	vsub.f32 v50, v5;
	v1 =	vsub.f32 v1, v3  }
0x75: {  	v54 =	vsub.f32 v24, v25;
	v55 =	vsub.f32 v26, v27  }
0x76: {  	v53 =	vsub.f32 v19, v21;
	v0 =	vmul.f32 v0, v0;
	v1 =	vsub.f32 v1, v48  }
0x77: {  	v4 =	vmul.f32 v4, v4;
	v3 =	vsub.f32 v54, v49;
	v11 =	vsub.f32 v55, v51  }
0x78: {  	v5 =	vmul.f32 v5, v5;
	v10 =	vsub.f32 v52, v10;
	v1 =	vmul.f32 v1, v1  }
0x79: {  	v8 =	vsub.f32 v53, v8;
	v3 =	vmul.f32 v3, v3;
	v11 =	vmul.f32 v11, v11  }
0x7a: {  	v0 =	vadd.f32 v0, v2;
	v56 =	vmul.f32 v10, v10;
	v1 =	vadd.f32 v1, v9  }
0x7b: {  	v58 =	vmul.f32 v8, v8;
	v3 =	vadd.f32 v3, v6;
	v57 =	vadd.f32 v11, v7  }
0x7c: {  	v0 =	vadd.f32 v4, v0;
	v1 =	vadd.f32 v5, v1  }
0x7d: {  	v2 =	vadd.f32 v56, v3;
	v59 =	vadd.f32 v58, v57;
	_ =	sdelay $0x1  }
0x7e: {  	v0 =	vadd.f32 v1, v0;
	v60 =	vadd.f32 v59, v2;
	_ =	sdelay $0x1  }
0x7f: {  	v0 =	vadd.f32 v60, v0;
	_ =	sdelay $0x1  }
0x80: {  	v1 =	vshra.s32 v0, $0x1  }
0x81: {  	v1 =	vadd.s32 $0x1FBD1DF5, v1  }
0x82: {  	(erf) = vrcp.f32 v1;
	_ =	sdelay $0x8  }
0x83: {  	v61 =	vpop (erf)  }
0x84: {  	v2 =	vmul.f32 v61, v0;
	_ =	sdelay $0x1  }
0x85: {  	v1 =	vadd.f32 v1, v2;
	_ =	sdelay $0x1  }
0x86: {  	v1 =	vmul.f32 $5.000000000e-01, v1;
	_ =	sdelay $0x1  }
0x87: {  	(erf) = vrcp.f32 v1;
	_ =	sdelay $0x8  }
0x88: {  	v62 =	vpop (erf)  }
0x89: {  	v2 =	vmul.f32 v62, v0;
	_ =	sdelay $0x1  }
0x8a: {  	v1 =	vadd.f32 v2, v1;
	_ =	sdelay $0x1  }
0x8b: {  	v1 =	vmul.f32 $5.000000000e-01, v1;
	_ =	sdelay $0x1  }
0x8c: {  	(erf) = vrcp.f32 v1;
	_ =	sdelay $0x8  }
0x8d: {  	v63 =	vpop (erf)  }
0x8e: {  	s20 =	sadd.s32 $0x1, s20;
	v0 =	vmul.f32 v63, v0  }
0x8f: {  	p0 =	sne.s32 s20, $0x4  }
.Ltmp1:
0x90: {  	v0 =	vadd.f32 v0, v1;
	(pc) =	sbr.rel @p0 .LBB2_2-.Ltmp1, $3  }
0x91: {  	_ = 	snop  }
0x92: {  	v0 =	vmul.f32 $5.000000000e-01, v0;
	_ =	sdelay $0x1  }
0x93: {  	[tilespmem:s22+$0x12600] =	vst v0  }
0x94: {  	s20 =	simm.s32 $0xC0  }
0x95: {  	[tilespmem:s14], [sflag:$0x1] =	stream.indirect.gather [hbm4b:s1+s13], $0x80, s20, s13, $0xb8;
	[tilespmem:$0x12800] =	vst v63  }
0x96: {  	s22 =	simm.s32 $0x2C0  }
0x97: {  	[tilespmem:s15], [sflag:$0x1] =	stream.indirect.gather [hbm4b:s2+s13], $0x80, s22, s13, $0xb8;
	[tilespmem:$0x12800] =	vst v63  }
0x98: {  	s26 =	simm.s32 $0x4C0  }
0x99: {  	[tilespmem:s16], [sflag:$0x1] =	stream.indirect.gather [hbm4b:s1+s13], $0x80, s26, s13, $0xb8;
	[tilespmem:$0x12800] =	vst v63  }
0x9a: {  	_ =	swait.ge [sflag:s3], $0x2000  }
0x9b: {  	[sflag:s3] =	ssyncset.done $0x0  }
0x9c: {  	[sflag:s3] =	ssyncadd.s32 $0xFFFFE000  }
0x9d: {  	_ =	swait.ge [sflag:s3], $0x2000  }
0x9e: {  	[sflag:s3] =	ssyncset.done $0x0  }
0x9f: {  	[sflag:s3] =	ssyncadd.s32 $0xFFFFE000  }
0xa0: {  	_ =	swait.ge [sflag:s3], $0x2000  }
0xa1: {  	[sflag:s3] =	ssyncset.done $0x0  }
0xa2: {  	s20 =	simm.s32 $0x0;
	[sflag:s3] =	ssyncadd.s32 $0xFFFFE000  }
.LBB2_6:
0xa3: {  	s22 =	sshll.u32 s20, $0x4;
	v1 =	vlaneseq.u32  }
0xa4: {  	v0 =	vmov s22;
	v2 =	vmul.u32 $0x80, v1  }
0xa5: {  	v0 =	vshll.u32 v0, $0x7  }
0xa6: {  	v3 =	vor.u32 v2, v0;
	v0 =	vand.u32 $0x7F, v1  }
0xa7: {  	v2 =	vor.u32 v3, v0  }
0xa8: {  	v4 =	vadd.s32 $0x5, v1  }
0xa9: {  	v4 =	vand.u32 $0x7F, v4;
	v0 =	vadd.s32 $0x4, v1  }
0xaa: {  	v7 =	vor.u32 v3, v4;
	v0 =	vand.u32 $0x7F, v0  }
0xab: {  	v6 =	vor.u32 v3, v0  }
0xac: {  	v0 =	vld.idx.msk [tilespmem:v2+s19+$0x0], $0xffff  }
0xad: {  	v11 =	vld.idx.msk [tilespmem:v2+s21+$0x0], $0xffff  }
0xae: {  	v4 =	vadd.s32 $0x6, v1;
	v12 =	vld.idx.msk [tilespmem:v2+s17+$0x0], $0xffff  }
0xaf: {  	v2 =	vand.u32 $0x7F, v4;
	v5 =	vld.idx.msk [tilespmem:v7+s19+$0x0], $0xffff  }
0xb0: {  	v8 =	vadd.s32 $0x7, v1;
	v10 =	vor.u32 v3, v2;
	v4 =	vld.idx.msk [tilespmem:v6+s19+$0x0], $0xffff  }
0xb1: {  	v2 =	vand.u32 $0x7F, v8;
	v13 =	vld.idx.msk [tilespmem:v6+s21+$0x0], $0xffff  }
0xb2: {  	v8 =	vor.u32 v3, v2;
	v14 =	vld.idx.msk [tilespmem:v6+s17+$0x0], $0xffff;
	v6 =	vadd.s32 $0x1, v1  }
0xb3: {  	v15 =	vld.idx.msk [tilespmem:v7+s21+$0x0], $0xffff;
	v6 =	vand.u32 $0x7F, v6  }
0xb4: {  	v16 =	vld.idx.msk [tilespmem:v7+s17+$0x0], $0xffff;
	v7 =	vadd.s32 $0x2, v1;
	v20 =	vor.u32 v3, v6  }
0xb5: {  	v9 =	vadd.s32 $0x3, v1;
	v7 =	vand.u32 $0x7F, v7;
	v17 =	vld.idx.msk [tilespmem:v10+s21+$0x0], $0xffff  }
0xb6: {  	v9 =	vand.u32 $0x7F, v9;
	v22 =	vor.u32 v3, v7;
	v18 =	vld.idx.msk [tilespmem:v10+s17+$0x0], $0xffff  }
0xb7: {  	v23 =	vor.u32 v3, v9;
	v9 =	vimm.f32 $0.0e+00;
	v19 =	vld.idx.msk [tilespmem:v8+s21+$0x0], $0xffff  }
0xb8: {  	s26 =	simm.s32 $0xF;
	v2 =	vimm.f32 $0.0e+00;
	v7 =	vimm.f32 $0.0e+00;
	v6 =	vimm.f32 $0.0e+00;
	v21 =	vld.idx.msk [tilespmem:v8+s17+$0x0], $0xffff  }
.LBB2_7:
0xb9: {  	p0 =	sne.s32 s26, $0x1;
	v24 =	vld.idx.msk [tilespmem:v20+s21+$0x0], $0xffff  }
0xba: {  	v25 =	vld.idx.msk [tilespmem:v20+s17+$0x0], $0xffff  }
0xbb: {  	v26 =	vld.idx.msk [tilespmem:v22+s21+$0x0], $0xffff  }
0xbc: {  	v1 =	vadd.s32 $0x8, v1;
	v27 =	vld.idx.msk [tilespmem:v22+s17+$0x0], $0xffff  }
0xbd: {  	v28 =	vadd.s32 $0x4, v1;
	v29 =	vadd.s32 $0x5, v1;
	v30 =	vadd.s32 $0x6, v1;
	v31 =	vld.idx.msk [tilespmem:v23+s21+$0x0], $0xffff  }
0xbe: {  	v32 =	vand.u32 $0x7F, v1;
	v33 =	vadd.s32 $0x1, v1;
	v34 =	vadd.s32 $0x7, v1;
	v35 =	vld.idx.msk [tilespmem:v23+s17+$0x0], $0xffff  }
0xbf: {  	v36 =	vadd.s32 $0x2, v1;
	v32 =	vor.u32 v3, v32;
	v28 =	vand.u32 $0x7F, v28;
	v20 =	vld.idx.msk [tilespmem:v20+s19+$0x0], $0xffff  }
0xc0: {  	v11 =	vsub.f32 v11, v12;
	v29 =	vand.u32 $0x7F, v29;
	v30 =	vand.u32 $0x7F, v30;
	v22 =	vld.idx.msk [tilespmem:v22+s19+$0x0], $0xffff  }
0xc1: {  	v12 =	vsub.f32 v13, v14;
	v13 =	vsub.f32 v15, v16;
	v34 =	vand.u32 $0x7F, v34;
	v23 =	vld.idx.msk [tilespmem:v23+s19+$0x0], $0xffff  }
0xc2: {  	v16 =	vsub.f32 v17, v18;
	v14 =	vor.u32 v3, v28;
	v17 =	vsub.f32 v19, v21;
	v15 =	vld.idx.msk [tilespmem:v10+s19+$0x0], $0xffff  }
0xc3: {  	v18 =	vor.u32 v3, v29;
	v19 =	vsub.f32 v24, v25;
	v21 =	vsub.f32 v26, v27;
	v24 =	vld.idx.msk [tilespmem:v8+s19+$0x0], $0xffff  }
0xc4: {  	v25 =	vand.u32 $0x7F, v33;
	v26 =	vsub.f32 v11, v0;
	v27 =	vsub.f32 v31, v35;
	v0 =	vld.idx.msk [tilespmem:v32+s19+$0x0], $0xffff  }
0xc5: {  	v13 =	vsub.f32 v13, v5;
	v28 =	vsub.f32 v12, v4;
	v10 =	vor.u32 v3, v30;
	v11 =	vld.idx.msk [tilespmem:v32+s21+$0x0], $0xffff  }
0xc6: {  	v8 =	vor.u32 v3, v34;
	v19 =	vsub.f32 v19, v20;
	v20 =	vsub.f32 v21, v22;
	v12 =	vld.idx.msk [tilespmem:v32+s17+$0x0], $0xffff  }
0xc7: {  	v21 =	vmul.f32 v26, v26;
	v22 =	vsub.f32 v27, v23;
	v23 =	vmul.f32 v28, v28;
	v4 =	vld.idx.msk [tilespmem:v14+s19+$0x0], $0xffff  }
0xc8: {  	v26 =	vmul.f32 v13, v13;
	v19 =	vmul.f32 v19, v19;
	v15 =	vsub.f32 v16, v15;
	v5 =	vld.idx.msk [tilespmem:v18+s19+$0x0], $0xffff  }
0xc9: {  	v16 =	vmul.f32 v20, v20;
	v20 =	vmul.f32 v22, v22;
	v17 =	vsub.f32 v17, v24;
	v13 =	vld.idx.msk [tilespmem:v14+s21+$0x0], $0xffff  }
0xca: {  	v2 =	vadd.f32 v21, v2;
	v9 =	vadd.f32 v19, v9;
	v19 =	vmul.f32 v15, v15;
	v14 =	vld.idx.msk [tilespmem:v14+s17+$0x0], $0xffff  }
0xcb: {  	v6 =	vadd.f32 v16, v6;
	v7 =	vadd.f32 v20, v7;
	v21 =	vmul.f32 v17, v17;
	v15 =	vld.idx.msk [tilespmem:v18+s21+$0x0], $0xffff  }
.Ltmp2:
0xcc: {  	v2 =	vadd.f32 v23, v2;
	v20 =	vor.u32 v3, v25;
	v9 =	vadd.f32 v26, v9;
	v16 =	vld.idx.msk [tilespmem:v18+s17+$0x0], $0xffff;
	(pc) =	sbr.rel @p0 .LBB2_7-.Ltmp2, $4  }
0xcd: {  	v6 =	vadd.f32 v19, v6;
	v18 =	vand.u32 $0x7F, v36;
	v7 =	vadd.f32 v21, v7;
	v17 =	vld.idx.msk [tilespmem:v10+s21+$0x0], $0xffff  }
0xce: {  	v19 =	vadd.s32 $0x3, v1;
	v22 =	vor.u32 v3, v18;
	v18 =	vld.idx.msk [tilespmem:v10+s17+$0x0], $0xffff  }
0xcf: {  	v21 =	vand.u32 $0x7F, v19;
	v19 =	vld.idx.msk [tilespmem:v8+s21+$0x0], $0xffff  }
0xd0: {  	s26 =	sadd.s32 $0xFFFFFFFF, s26;
	v23 =	vor.u32 v3, v21;
	v21 =	vld.idx.msk [tilespmem:v8+s17+$0x0], $0xffff  }
0xd1: {  	_ =	sdelay $0x3  }
0xd2: {  	v1 =	vld.idx.msk [tilespmem:v20+s21+$0x0], $0xffff  }
0xd3: {  	v3 =	vld.idx.msk [tilespmem:v20+s17+$0x0], $0xffff  }
0xd4: {  	v24 =	vld.idx.msk [tilespmem:v22+s21+$0x0], $0xffff  }
0xd5: {  	v25 =	vld.idx.msk [tilespmem:v22+s17+$0x0], $0xffff  }
0xd6: {  	v26 =	vld.idx.msk [tilespmem:v23+s21+$0x0], $0xffff  }
0xd7: {  	v27 =	vld.idx.msk [tilespmem:v23+s17+$0x0], $0xffff  }
0xd8: {  	v48 =	vld.idx.msk [tilespmem:v20+s19+$0x0], $0xffff  }
0xd9: {  	v11 =	vsub.f32 v11, v12;
	v49 =	vld.idx.msk [tilespmem:v22+s19+$0x0], $0xffff;
	v13 =	vsub.f32 v13, v14  }
0xda: {  	v50 =	vsub.f32 v15, v16;
	v51 =	vld.idx.msk [tilespmem:v23+s19+$0x0], $0xffff;
	v52 =	vsub.f32 v17, v18  }
0xdb: {  	v10 =	vld.idx.msk [tilespmem:v10+s19+$0x0], $0xffff;
	v0 =	vsub.f32 v11, v0;
	v4 =	vsub.f32 v13, v4  }
0xdc: {  	v8 =	vld.idx.msk [tilespmem:v8+s19+$0x0], $0xffff;
	v5 =	vsub.f32 v50, v5;
	v1 =	vsub.f32 v1, v3  }
0xdd: {  	v54 =	vsub.f32 v24, v25;
	v55 =	vsub.f32 v26, v27  }
0xde: {  	v53 =	vsub.f32 v19, v21;
	v0 =	vmul.f32 v0, v0;
	v1 =	vsub.f32 v1, v48  }
0xdf: {  	v4 =	vmul.f32 v4, v4;
	v3 =	vsub.f32 v54, v49;
	v11 =	vsub.f32 v55, v51  }
0xe0: {  	v5 =	vmul.f32 v5, v5;
	v10 =	vsub.f32 v52, v10;
	v1 =	vmul.f32 v1, v1  }
0xe1: {  	v8 =	vsub.f32 v53, v8;
	v3 =	vmul.f32 v3, v3;
	v11 =	vmul.f32 v11, v11  }
0xe2: {  	v0 =	vadd.f32 v0, v2;
	v56 =	vmul.f32 v10, v10;
	v1 =	vadd.f32 v1, v9  }
0xe3: {  	v58 =	vmul.f32 v8, v8;
	v3 =	vadd.f32 v3, v6;
	v57 =	vadd.f32 v11, v7  }
0xe4: {  	v0 =	vadd.f32 v4, v0;
	v1 =	vadd.f32 v5, v1  }
0xe5: {  	v2 =	vadd.f32 v56, v3;
	v59 =	vadd.f32 v58, v57;
	_ =	sdelay $0x1  }
0xe6: {  	v0 =	vadd.f32 v1, v0;
	v60 =	vadd.f32 v59, v2;
	_ =	sdelay $0x1  }
0xe7: {  	v0 =	vadd.f32 v60, v0;
	_ =	sdelay $0x1  }
0xe8: {  	v1 =	vshra.s32 v0, $0x1  }
0xe9: {  	v1 =	vadd.s32 $0x1FBD1DF5, v1  }
0xea: {  	(erf) = vrcp.f32 v1;
	_ =	sdelay $0x8  }
0xeb: {  	v61 =	vpop (erf)  }
0xec: {  	v2 =	vmul.f32 v61, v0;
	_ =	sdelay $0x1  }
0xed: {  	v1 =	vadd.f32 v1, v2;
	_ =	sdelay $0x1  }
0xee: {  	v1 =	vmul.f32 $5.000000000e-01, v1;
	_ =	sdelay $0x1  }
0xef: {  	(erf) = vrcp.f32 v1;
	_ =	sdelay $0x8  }
0xf0: {  	v62 =	vpop (erf)  }
0xf1: {  	v2 =	vmul.f32 v62, v0;
	_ =	sdelay $0x1  }
0xf2: {  	v1 =	vadd.f32 v2, v1;
	_ =	sdelay $0x1  }
0xf3: {  	v1 =	vmul.f32 $5.000000000e-01, v1;
	_ =	sdelay $0x1  }
0xf4: {  	(erf) = vrcp.f32 v1;
	_ =	sdelay $0x8  }
0xf5: {  	v63 =	vpop (erf)  }
0xf6: {  	s20 =	sadd.s32 $0x1, s20;
	v0 =	vmul.f32 v63, v0  }
0xf7: {  	p0 =	sne.s32 s20, $0x4  }
.Ltmp3:
0xf8: {  	v0 =	vadd.f32 v0, v1;
	(pc) =	sbr.rel @p0 .LBB2_6-.Ltmp3, $3  }
0xf9: {  	_ = 	snop  }
0xfa: {  	v0 =	vmul.f32 $5.000000000e-01, v0;
	_ =	sdelay $0x1  }
0xfb: {  	[tilespmem:s22+$0x12640] =	vst v0  }
0xfc: {  	s20 =	simm.s32 $0x100  }
0xfd: {  	[tilespmem:s17], [sflag:$0x2] =	stream.indirect.gather [hbm4b:s1+s13], $0x80, s20, s13, $0xb8;
	[tilespmem:$0x12800] =	vst v63  }
0xfe: {  	s22 =	simm.s32 $0x300  }
0xff: {  	[tilespmem:s19], [sflag:$0x2] =	stream.indirect.gather [hbm4b:s2+s13], $0x80, s22, s13, $0xb8;
	[tilespmem:$0x12800] =	vst v63  }
0x100: {  	s26 =	simm.s32 $0x500  }
0x101: {  	[tilespmem:s21], [sflag:$0x2] =	stream.indirect.gather [hbm4b:s1+s13], $0x80, s26, s13, $0xb8;
	[tilespmem:$0x12800] =	vst v63  }
0x102: {  	_ =	swait.ge [sflag:s24], $0x2000  }
0x103: {  	[sflag:s24] =	ssyncset.done $0x0  }
0x104: {  	[sflag:s24] =	ssyncadd.s32 $0xFFFFE000  }
0x105: {  	_ =	swait.ge [sflag:s24], $0x2000  }
0x106: {  	[sflag:s24] =	ssyncset.done $0x0  }
0x107: {  	[sflag:s24] =	ssyncadd.s32 $0xFFFFE000  }
0x108: {  	_ =	swait.ge [sflag:s24], $0x2000  }
0x109: {  	[sflag:s24] =	ssyncset.done $0x0  }
0x10a: {  	s20 =	simm.s32 $0x0;
	[sflag:s24] =	ssyncadd.s32 $0xFFFFE000  }
.LBB2_10:
0x10b: {  	s22 =	sshll.u32 s20, $0x4;
	v1 =	vlaneseq.u32  }
0x10c: {  	v0 =	vmov s22;
	v2 =	vmul.u32 $0x80, v1  }
0x10d: {  	v0 =	vshll.u32 v0, $0x7  }
0x10e: {  	v3 =	vor.u32 v2, v0;
	v0 =	vand.u32 $0x7F, v1  }
0x10f: {  	v2 =	vor.u32 v3, v0  }
0x110: {  	v4 =	vadd.s32 $0x5, v1  }
0x111: {  	v4 =	vand.u32 $0x7F, v4;
	v0 =	vadd.s32 $0x4, v1  }
0x112: {  	v7 =	vor.u32 v3, v4;
	v0 =	vand.u32 $0x7F, v0  }
0x113: {  	v6 =	vor.u32 v3, v0  }
0x114: {  	v0 =	vld.idx.msk [tilespmem:v2+s25+$0x0], $0xffff  }
0x115: {  	v11 =	vld.idx.msk [tilespmem:v2+s28+$0x0], $0xffff  }
0x116: {  	v4 =	vadd.s32 $0x6, v1;
	v12 =	vld.idx.msk [tilespmem:v2+s23+$0x0], $0xffff  }
0x117: {  	v2 =	vand.u32 $0x7F, v4;
	v5 =	vld.idx.msk [tilespmem:v7+s25+$0x0], $0xffff  }
0x118: {  	v8 =	vadd.s32 $0x7, v1;
	v10 =	vor.u32 v3, v2;
	v4 =	vld.idx.msk [tilespmem:v6+s25+$0x0], $0xffff  }
0x119: {  	v2 =	vand.u32 $0x7F, v8;
	v13 =	vld.idx.msk [tilespmem:v6+s28+$0x0], $0xffff  }
0x11a: {  	v8 =	vor.u32 v3, v2;
	v14 =	vld.idx.msk [tilespmem:v6+s23+$0x0], $0xffff;
	v6 =	vadd.s32 $0x1, v1  }
0x11b: {  	v15 =	vld.idx.msk [tilespmem:v7+s28+$0x0], $0xffff;
	v6 =	vand.u32 $0x7F, v6  }
0x11c: {  	v16 =	vld.idx.msk [tilespmem:v7+s23+$0x0], $0xffff;
	v7 =	vadd.s32 $0x2, v1;
	v20 =	vor.u32 v3, v6  }
0x11d: {  	v9 =	vadd.s32 $0x3, v1;
	v7 =	vand.u32 $0x7F, v7;
	v17 =	vld.idx.msk [tilespmem:v10+s28+$0x0], $0xffff  }
0x11e: {  	v9 =	vand.u32 $0x7F, v9;
	v22 =	vor.u32 v3, v7;
	v18 =	vld.idx.msk [tilespmem:v10+s23+$0x0], $0xffff  }
0x11f: {  	v23 =	vor.u32 v3, v9;
	v9 =	vimm.f32 $0.0e+00;
	v19 =	vld.idx.msk [tilespmem:v8+s28+$0x0], $0xffff  }
0x120: {  	s26 =	simm.s32 $0xF;
	v2 =	vimm.f32 $0.0e+00;
	v7 =	vimm.f32 $0.0e+00;
	v6 =	vimm.f32 $0.0e+00;
	v21 =	vld.idx.msk [tilespmem:v8+s23+$0x0], $0xffff  }
.LBB2_11:
0x121: {  	p0 =	sne.s32 s26, $0x1;
	v24 =	vld.idx.msk [tilespmem:v20+s28+$0x0], $0xffff  }
0x122: {  	v25 =	vld.idx.msk [tilespmem:v20+s23+$0x0], $0xffff  }
0x123: {  	v26 =	vld.idx.msk [tilespmem:v22+s28+$0x0], $0xffff  }
0x124: {  	v1 =	vadd.s32 $0x8, v1;
	v27 =	vld.idx.msk [tilespmem:v22+s23+$0x0], $0xffff  }
0x125: {  	v28 =	vadd.s32 $0x4, v1;
	v29 =	vadd.s32 $0x5, v1;
	v30 =	vadd.s32 $0x6, v1;
	v31 =	vld.idx.msk [tilespmem:v23+s28+$0x0], $0xffff  }
0x126: {  	v32 =	vand.u32 $0x7F, v1;
	v33 =	vadd.s32 $0x1, v1;
	v34 =	vadd.s32 $0x7, v1;
	v35 =	vld.idx.msk [tilespmem:v23+s23+$0x0], $0xffff  }
0x127: {  	v36 =	vadd.s32 $0x2, v1;
	v32 =	vor.u32 v3, v32;
	v28 =	vand.u32 $0x7F, v28;
	v20 =	vld.idx.msk [tilespmem:v20+s25+$0x0], $0xffff  }
0x128: {  	v11 =	vsub.f32 v11, v12;
	v29 =	vand.u32 $0x7F, v29;
	v30 =	vand.u32 $0x7F, v30;
	v22 =	vld.idx.msk [tilespmem:v22+s25+$0x0], $0xffff  }
0x129: {  	v12 =	vsub.f32 v13, v14;
	v13 =	vsub.f32 v15, v16;
	v34 =	vand.u32 $0x7F, v34;
	v23 =	vld.idx.msk [tilespmem:v23+s25+$0x0], $0xffff  }
0x12a: {  	v16 =	vsub.f32 v17, v18;
	v14 =	vor.u32 v3, v28;
	v17 =	vsub.f32 v19, v21;
	v15 =	vld.idx.msk [tilespmem:v10+s25+$0x0], $0xffff  }
0x12b: {  	v18 =	vor.u32 v3, v29;
	v19 =	vsub.f32 v24, v25;
	v21 =	vsub.f32 v26, v27;
	v24 =	vld.idx.msk [tilespmem:v8+s25+$0x0], $0xffff  }
0x12c: {  	v25 =	vand.u32 $0x7F, v33;
	v26 =	vsub.f32 v11, v0;
	v27 =	vsub.f32 v31, v35;
	v0 =	vld.idx.msk [tilespmem:v32+s25+$0x0], $0xffff  }
0x12d: {  	v13 =	vsub.f32 v13, v5;
	v28 =	vsub.f32 v12, v4;
	v10 =	vor.u32 v3, v30;
	v11 =	vld.idx.msk [tilespmem:v32+s28+$0x0], $0xffff  }
0x12e: {  	v8 =	vor.u32 v3, v34;
	v19 =	vsub.f32 v19, v20;
	v20 =	vsub.f32 v21, v22;
	v12 =	vld.idx.msk [tilespmem:v32+s23+$0x0], $0xffff  }
0x12f: {  	v21 =	vmul.f32 v26, v26;
	v22 =	vsub.f32 v27, v23;
	v23 =	vmul.f32 v28, v28;
	v4 =	vld.idx.msk [tilespmem:v14+s25+$0x0], $0xffff  }
0x130: {  	v26 =	vmul.f32 v13, v13;
	v19 =	vmul.f32 v19, v19;
	v15 =	vsub.f32 v16, v15;
	v5 =	vld.idx.msk [tilespmem:v18+s25+$0x0], $0xffff  }
0x131: {  	v16 =	vmul.f32 v20, v20;
	v20 =	vmul.f32 v22, v22;
	v17 =	vsub.f32 v17, v24;
	v13 =	vld.idx.msk [tilespmem:v14+s28+$0x0], $0xffff  }
0x132: {  	v2 =	vadd.f32 v21, v2;
	v9 =	vadd.f32 v19, v9;
	v19 =	vmul.f32 v15, v15;
	v14 =	vld.idx.msk [tilespmem:v14+s23+$0x0], $0xffff  }
0x133: {  	v6 =	vadd.f32 v16, v6;
	v7 =	vadd.f32 v20, v7;
	v21 =	vmul.f32 v17, v17;
	v15 =	vld.idx.msk [tilespmem:v18+s28+$0x0], $0xffff  }
.Ltmp4:
0x134: {  	v2 =	vadd.f32 v23, v2;
	v20 =	vor.u32 v3, v25;
	v9 =	vadd.f32 v26, v9;
	v16 =	vld.idx.msk [tilespmem:v18+s23+$0x0], $0xffff;
	(pc) =	sbr.rel @p0 .LBB2_11-.Ltmp4, $4  }
0x135: {  	v6 =	vadd.f32 v19, v6;
	v18 =	vand.u32 $0x7F, v36;
	v7 =	vadd.f32 v21, v7;
	v17 =	vld.idx.msk [tilespmem:v10+s28+$0x0], $0xffff  }
0x136: {  	v19 =	vadd.s32 $0x3, v1;
	v22 =	vor.u32 v3, v18;
	v18 =	vld.idx.msk [tilespmem:v10+s23+$0x0], $0xffff  }
0x137: {  	v21 =	vand.u32 $0x7F, v19;
	v19 =	vld.idx.msk [tilespmem:v8+s28+$0x0], $0xffff  }
0x138: {  	s26 =	sadd.s32 $0xFFFFFFFF, s26;
	v23 =	vor.u32 v3, v21;
	v21 =	vld.idx.msk [tilespmem:v8+s23+$0x0], $0xffff  }
0x139: {  	_ =	sdelay $0x3  }
0x13a: {  	v1 =	vld.idx.msk [tilespmem:v20+s28+$0x0], $0xffff  }
0x13b: {  	v3 =	vld.idx.msk [tilespmem:v20+s23+$0x0], $0xffff  }
0x13c: {  	v24 =	vld.idx.msk [tilespmem:v22+s28+$0x0], $0xffff  }
0x13d: {  	v25 =	vld.idx.msk [tilespmem:v22+s23+$0x0], $0xffff  }
0x13e: {  	v26 =	vld.idx.msk [tilespmem:v23+s28+$0x0], $0xffff  }
0x13f: {  	v27 =	vld.idx.msk [tilespmem:v23+s23+$0x0], $0xffff  }
0x140: {  	v48 =	vld.idx.msk [tilespmem:v20+s25+$0x0], $0xffff  }
0x141: {  	v11 =	vsub.f32 v11, v12;
	v49 =	vld.idx.msk [tilespmem:v22+s25+$0x0], $0xffff;
	v13 =	vsub.f32 v13, v14  }
0x142: {  	v50 =	vsub.f32 v15, v16;
	v51 =	vld.idx.msk [tilespmem:v23+s25+$0x0], $0xffff;
	v52 =	vsub.f32 v17, v18  }
0x143: {  	v10 =	vld.idx.msk [tilespmem:v10+s25+$0x0], $0xffff;
	v0 =	vsub.f32 v11, v0;
	v4 =	vsub.f32 v13, v4  }
0x144: {  	v8 =	vld.idx.msk [tilespmem:v8+s25+$0x0], $0xffff;
	v5 =	vsub.f32 v50, v5;
	v1 =	vsub.f32 v1, v3  }
0x145: {  	v54 =	vsub.f32 v24, v25;
	v55 =	vsub.f32 v26, v27  }
0x146: {  	v53 =	vsub.f32 v19, v21;
	v0 =	vmul.f32 v0, v0;
	v1 =	vsub.f32 v1, v48  }
0x147: {  	v4 =	vmul.f32 v4, v4;
	v3 =	vsub.f32 v54, v49;
	v11 =	vsub.f32 v55, v51  }
0x148: {  	v5 =	vmul.f32 v5, v5;
	v10 =	vsub.f32 v52, v10;
	v1 =	vmul.f32 v1, v1  }
0x149: {  	v8 =	vsub.f32 v53, v8;
	v3 =	vmul.f32 v3, v3;
	v11 =	vmul.f32 v11, v11  }
0x14a: {  	v0 =	vadd.f32 v0, v2;
	v56 =	vmul.f32 v10, v10;
	v1 =	vadd.f32 v1, v9  }
0x14b: {  	v58 =	vmul.f32 v8, v8;
	v3 =	vadd.f32 v3, v6;
	v57 =	vadd.f32 v11, v7  }
0x14c: {  	v0 =	vadd.f32 v4, v0;
	v1 =	vadd.f32 v5, v1  }
0x14d: {  	v2 =	vadd.f32 v56, v3;
	v59 =	vadd.f32 v58, v57;
	_ =	sdelay $0x1  }
0x14e: {  	v0 =	vadd.f32 v1, v0;
	v60 =	vadd.f32 v59, v2;
	_ =	sdelay $0x1  }
0x14f: {  	v0 =	vadd.f32 v60, v0;
	_ =	sdelay $0x1  }
0x150: {  	v1 =	vshra.s32 v0, $0x1  }
0x151: {  	v1 =	vadd.s32 $0x1FBD1DF5, v1  }
0x152: {  	(erf) = vrcp.f32 v1;
	_ =	sdelay $0x8  }
0x153: {  	v61 =	vpop (erf)  }
0x154: {  	v2 =	vmul.f32 v61, v0;
	_ =	sdelay $0x1  }
0x155: {  	v1 =	vadd.f32 v1, v2;
	_ =	sdelay $0x1  }
0x156: {  	v1 =	vmul.f32 $5.000000000e-01, v1;
	_ =	sdelay $0x1  }
0x157: {  	(erf) = vrcp.f32 v1;
	_ =	sdelay $0x8  }
0x158: {  	v62 =	vpop (erf)  }
0x159: {  	v2 =	vmul.f32 v62, v0;
	_ =	sdelay $0x1  }
0x15a: {  	v1 =	vadd.f32 v2, v1;
	_ =	sdelay $0x1  }
0x15b: {  	v1 =	vmul.f32 $5.000000000e-01, v1;
	_ =	sdelay $0x1  }
0x15c: {  	(erf) = vrcp.f32 v1;
	_ =	sdelay $0x8  }
0x15d: {  	v63 =	vpop (erf)  }
0x15e: {  	s20 =	sadd.s32 $0x1, s20;
	v0 =	vmul.f32 v63, v0  }
0x15f: {  	p0 =	sne.s32 s20, $0x4  }
.Ltmp5:
0x160: {  	v0 =	vadd.f32 v0, v1;
	(pc) =	sbr.rel @p0 .LBB2_10-.Ltmp5, $3  }
0x161: {  	_ = 	snop  }
0x162: {  	v0 =	vmul.f32 $5.000000000e-01, v0;
	_ =	sdelay $0x1  }
0x163: {  	[tilespmem:s22+$0x12680] =	vst v0  }
0x164: {  	s20 =	simm.s32 $0x140  }
0x165: {  	[tilespmem:s23], [sflag:$0x3] =	stream.indirect.gather [hbm4b:s1+s13], $0x80, s20, s13, $0xb8;
	[tilespmem:$0x12800] =	vst v63  }
0x166: {  	s22 =	simm.s32 $0x340  }
0x167: {  	[tilespmem:s25], [sflag:$0x3] =	stream.indirect.gather [hbm4b:s2+s13], $0x80, s22, s13, $0xb8;
	[tilespmem:$0x12800] =	vst v63  }
0x168: {  	s26 =	simm.s32 $0x540  }
0x169: {  	[tilespmem:s28], [sflag:$0x3] =	stream.indirect.gather [hbm4b:s1+s13], $0x80, s26, s13, $0xb8;
	[tilespmem:$0x12800] =	vst v63  }
0x16a: {  	_ =	swait.ge [sflag:s29], $0x2000  }
0x16b: {  	[sflag:s29] =	ssyncset.done $0x0  }
0x16c: {  	[sflag:s29] =	ssyncadd.s32 $0xFFFFE000  }
0x16d: {  	_ =	swait.ge [sflag:s29], $0x2000  }
0x16e: {  	[sflag:s29] =	ssyncset.done $0x0  }
0x16f: {  	[sflag:s29] =	ssyncadd.s32 $0xFFFFE000  }
0x170: {  	_ =	swait.ge [sflag:s29], $0x2000  }
0x171: {  	[sflag:s29] =	ssyncset.done $0x0  }
0x172: {  	s20 =	simm.s32 $0x0;
	[sflag:s29] =	ssyncadd.s32 $0xFFFFE000  }
.LBB2_14:
0x173: {  	s22 =	sshll.u32 s20, $0x4;
	v1 =	vlaneseq.u32  }
0x174: {  	v0 =	vmov s22;
	v2 =	vmul.u32 $0x80, v1  }
0x175: {  	v0 =	vshll.u32 v0, $0x7  }
0x176: {  	v3 =	vor.u32 v2, v0;
	v0 =	vand.u32 $0x7F, v1  }
0x177: {  	v2 =	vor.u32 v3, v0  }
0x178: {  	v4 =	vadd.s32 $0x5, v1  }
0x179: {  	v4 =	vand.u32 $0x7F, v4;
	v0 =	vadd.s32 $0x4, v1  }
0x17a: {  	v7 =	vor.u32 v3, v4;
	v0 =	vand.u32 $0x7F, v0  }
0x17b: {  	v6 =	vor.u32 v3, v0  }
0x17c: {  	v0 =	vld.idx.msk [tilespmem:v2+s15+$0x0], $0xffff  }
0x17d: {  	v11 =	vld.idx.msk [tilespmem:v2+s16+$0x0], $0xffff  }
0x17e: {  	v4 =	vadd.s32 $0x6, v1;
	v12 =	vld.idx.msk [tilespmem:v2+s14+$0x0], $0xffff  }
0x17f: {  	v2 =	vand.u32 $0x7F, v4;
	v5 =	vld.idx.msk [tilespmem:v7+s15+$0x0], $0xffff  }
0x180: {  	v8 =	vadd.s32 $0x7, v1;
	v10 =	vor.u32 v3, v2;
	v4 =	vld.idx.msk [tilespmem:v6+s15+$0x0], $0xffff  }
0x181: {  	v2 =	vand.u32 $0x7F, v8;
	v13 =	vld.idx.msk [tilespmem:v6+s16+$0x0], $0xffff  }
0x182: {  	v8 =	vor.u32 v3, v2;
	v14 =	vld.idx.msk [tilespmem:v6+s14+$0x0], $0xffff;
	v6 =	vadd.s32 $0x1, v1  }
0x183: {  	v15 =	vld.idx.msk [tilespmem:v7+s16+$0x0], $0xffff;
	v6 =	vand.u32 $0x7F, v6  }
0x184: {  	v16 =	vld.idx.msk [tilespmem:v7+s14+$0x0], $0xffff;
	v7 =	vadd.s32 $0x2, v1;
	v20 =	vor.u32 v3, v6  }
0x185: {  	v9 =	vadd.s32 $0x3, v1;
	v7 =	vand.u32 $0x7F, v7;
	v17 =	vld.idx.msk [tilespmem:v10+s16+$0x0], $0xffff  }
0x186: {  	v9 =	vand.u32 $0x7F, v9;
	v22 =	vor.u32 v3, v7;
	v18 =	vld.idx.msk [tilespmem:v10+s14+$0x0], $0xffff  }
0x187: {  	v23 =	vor.u32 v3, v9;
	v9 =	vimm.f32 $0.0e+00;
	v19 =	vld.idx.msk [tilespmem:v8+s16+$0x0], $0xffff  }
0x188: {  	s26 =	simm.s32 $0xF;
	v2 =	vimm.f32 $0.0e+00;
	v7 =	vimm.f32 $0.0e+00;
	v6 =	vimm.f32 $0.0e+00;
	v21 =	vld.idx.msk [tilespmem:v8+s14+$0x0], $0xffff  }
.LBB2_15:
0x189: {  	p0 =	sne.s32 s26, $0x1;
	v24 =	vld.idx.msk [tilespmem:v20+s16+$0x0], $0xffff  }
0x18a: {  	v25 =	vld.idx.msk [tilespmem:v20+s14+$0x0], $0xffff  }
0x18b: {  	v26 =	vld.idx.msk [tilespmem:v22+s16+$0x0], $0xffff  }
0x18c: {  	v1 =	vadd.s32 $0x8, v1;
	v27 =	vld.idx.msk [tilespmem:v22+s14+$0x0], $0xffff  }
0x18d: {  	v28 =	vadd.s32 $0x4, v1;
	v29 =	vadd.s32 $0x5, v1;
	v30 =	vadd.s32 $0x6, v1;
	v31 =	vld.idx.msk [tilespmem:v23+s16+$0x0], $0xffff  }
0x18e: {  	v32 =	vand.u32 $0x7F, v1;
	v33 =	vadd.s32 $0x1, v1;
	v34 =	vadd.s32 $0x7, v1;
	v35 =	vld.idx.msk [tilespmem:v23+s14+$0x0], $0xffff  }
0x18f: {  	v36 =	vadd.s32 $0x2, v1;
	v32 =	vor.u32 v3, v32;
	v28 =	vand.u32 $0x7F, v28;
	v20 =	vld.idx.msk [tilespmem:v20+s15+$0x0], $0xffff  }
0x190: {  	v11 =	vsub.f32 v11, v12;
	v29 =	vand.u32 $0x7F, v29;
	v30 =	vand.u32 $0x7F, v30;
	v22 =	vld.idx.msk [tilespmem:v22+s15+$0x0], $0xffff  }
0x191: {  	v12 =	vsub.f32 v13, v14;
	v13 =	vsub.f32 v15, v16;
	v34 =	vand.u32 $0x7F, v34;
	v23 =	vld.idx.msk [tilespmem:v23+s15+$0x0], $0xffff  }
0x192: {  	v16 =	vsub.f32 v17, v18;
	v14 =	vor.u32 v3, v28;
	v17 =	vsub.f32 v19, v21;
	v15 =	vld.idx.msk [tilespmem:v10+s15+$0x0], $0xffff  }
0x193: {  	v18 =	vor.u32 v3, v29;
	v19 =	vsub.f32 v24, v25;
	v21 =	vsub.f32 v26, v27;
	v24 =	vld.idx.msk [tilespmem:v8+s15+$0x0], $0xffff  }
0x194: {  	v25 =	vand.u32 $0x7F, v33;
	v26 =	vsub.f32 v11, v0;
	v27 =	vsub.f32 v31, v35;
	v0 =	vld.idx.msk [tilespmem:v32+s15+$0x0], $0xffff  }
0x195: {  	v13 =	vsub.f32 v13, v5;
	v28 =	vsub.f32 v12, v4;
	v10 =	vor.u32 v3, v30;
	v11 =	vld.idx.msk [tilespmem:v32+s16+$0x0], $0xffff  }
0x196: {  	v8 =	vor.u32 v3, v34;
	v19 =	vsub.f32 v19, v20;
	v20 =	vsub.f32 v21, v22;
	v12 =	vld.idx.msk [tilespmem:v32+s14+$0x0], $0xffff  }
0x197: {  	v21 =	vmul.f32 v26, v26;
	v22 =	vsub.f32 v27, v23;
	v23 =	vmul.f32 v28, v28;
	v4 =	vld.idx.msk [tilespmem:v14+s15+$0x0], $0xffff  }
0x198: {  	v26 =	vmul.f32 v13, v13;
	v19 =	vmul.f32 v19, v19;
	v15 =	vsub.f32 v16, v15;
	v5 =	vld.idx.msk [tilespmem:v18+s15+$0x0], $0xffff  }
0x199: {  	v16 =	vmul.f32 v20, v20;
	v20 =	vmul.f32 v22, v22;
	v17 =	vsub.f32 v17, v24;
	v13 =	vld.idx.msk [tilespmem:v14+s16+$0x0], $0xffff  }
0x19a: {  	v2 =	vadd.f32 v21, v2;
	v9 =	vadd.f32 v19, v9;
	v19 =	vmul.f32 v15, v15;
	v14 =	vld.idx.msk [tilespmem:v14+s14+$0x0], $0xffff  }
0x19b: {  	v6 =	vadd.f32 v16, v6;
	v7 =	vadd.f32 v20, v7;
	v21 =	vmul.f32 v17, v17;
	v15 =	vld.idx.msk [tilespmem:v18+s16+$0x0], $0xffff  }
.Ltmp6:
0x19c: {  	v2 =	vadd.f32 v23, v2;
	v20 =	vor.u32 v3, v25;
	v9 =	vadd.f32 v26, v9;
	v16 =	vld.idx.msk [tilespmem:v18+s14+$0x0], $0xffff;
	(pc) =	sbr.rel @p0 .LBB2_15-.Ltmp6, $4  }
0x19d: {  	v6 =	vadd.f32 v19, v6;
	v18 =	vand.u32 $0x7F, v36;
	v7 =	vadd.f32 v21, v7;
	v17 =	vld.idx.msk [tilespmem:v10+s16+$0x0], $0xffff  }
0x19e: {  	v19 =	vadd.s32 $0x3, v1;
	v22 =	vor.u32 v3, v18;
	v18 =	vld.idx.msk [tilespmem:v10+s14+$0x0], $0xffff  }
0x19f: {  	v21 =	vand.u32 $0x7F, v19;
	v19 =	vld.idx.msk [tilespmem:v8+s16+$0x0], $0xffff  }
0x1a0: {  	s26 =	sadd.s32 $0xFFFFFFFF, s26;
	v23 =	vor.u32 v3, v21;
	v21 =	vld.idx.msk [tilespmem:v8+s14+$0x0], $0xffff  }
0x1a1: {  	_ =	sdelay $0x3  }
0x1a2: {  	v1 =	vld.idx.msk [tilespmem:v20+s16+$0x0], $0xffff  }
0x1a3: {  	v3 =	vld.idx.msk [tilespmem:v20+s14+$0x0], $0xffff  }
0x1a4: {  	v24 =	vld.idx.msk [tilespmem:v22+s16+$0x0], $0xffff  }
0x1a5: {  	v25 =	vld.idx.msk [tilespmem:v22+s14+$0x0], $0xffff  }
0x1a6: {  	v26 =	vld.idx.msk [tilespmem:v23+s16+$0x0], $0xffff  }
0x1a7: {  	v27 =	vld.idx.msk [tilespmem:v23+s14+$0x0], $0xffff  }
0x1a8: {  	v48 =	vld.idx.msk [tilespmem:v20+s15+$0x0], $0xffff  }
0x1a9: {  	v11 =	vsub.f32 v11, v12;
	v49 =	vld.idx.msk [tilespmem:v22+s15+$0x0], $0xffff;
	v13 =	vsub.f32 v13, v14  }
0x1aa: {  	v50 =	vsub.f32 v15, v16;
	v51 =	vld.idx.msk [tilespmem:v23+s15+$0x0], $0xffff;
	v52 =	vsub.f32 v17, v18  }
0x1ab: {  	v10 =	vld.idx.msk [tilespmem:v10+s15+$0x0], $0xffff;
	v0 =	vsub.f32 v11, v0;
	v4 =	vsub.f32 v13, v4  }
0x1ac: {  	v8 =	vld.idx.msk [tilespmem:v8+s15+$0x0], $0xffff;
	v5 =	vsub.f32 v50, v5;
	v1 =	vsub.f32 v1, v3  }
0x1ad: {  	v54 =	vsub.f32 v24, v25;
	v55 =	vsub.f32 v26, v27  }
0x1ae: {  	v53 =	vsub.f32 v19, v21;
	v0 =	vmul.f32 v0, v0;
	v1 =	vsub.f32 v1, v48  }
0x1af: {  	v4 =	vmul.f32 v4, v4;
	v3 =	vsub.f32 v54, v49;
	v11 =	vsub.f32 v55, v51  }
0x1b0: {  	v5 =	vmul.f32 v5, v5;
	v10 =	vsub.f32 v52, v10;
	v1 =	vmul.f32 v1, v1  }
0x1b1: {  	v8 =	vsub.f32 v53, v8;
	v3 =	vmul.f32 v3, v3;
	v11 =	vmul.f32 v11, v11  }
0x1b2: {  	v0 =	vadd.f32 v0, v2;
	v56 =	vmul.f32 v10, v10;
	v1 =	vadd.f32 v1, v9  }
0x1b3: {  	v58 =	vmul.f32 v8, v8;
	v3 =	vadd.f32 v3, v6;
	v57 =	vadd.f32 v11, v7  }
0x1b4: {  	v0 =	vadd.f32 v4, v0;
	v1 =	vadd.f32 v5, v1  }
0x1b5: {  	v2 =	vadd.f32 v56, v3;
	v59 =	vadd.f32 v58, v57;
	_ =	sdelay $0x1  }
0x1b6: {  	v0 =	vadd.f32 v1, v0;
	v60 =	vadd.f32 v59, v2;
	_ =	sdelay $0x1  }
0x1b7: {  	v0 =	vadd.f32 v60, v0;
	_ =	sdelay $0x1  }
0x1b8: {  	v1 =	vshra.s32 v0, $0x1  }
0x1b9: {  	v1 =	vadd.s32 $0x1FBD1DF5, v1  }
0x1ba: {  	(erf) = vrcp.f32 v1;
	_ =	sdelay $0x8  }
0x1bb: {  	v61 =	vpop (erf)  }
0x1bc: {  	v2 =	vmul.f32 v61, v0;
	_ =	sdelay $0x1  }
0x1bd: {  	v1 =	vadd.f32 v1, v2;
	_ =	sdelay $0x1  }
0x1be: {  	v1 =	vmul.f32 $5.000000000e-01, v1;
	_ =	sdelay $0x1  }
0x1bf: {  	(erf) = vrcp.f32 v1;
	_ =	sdelay $0x8  }
0x1c0: {  	v62 =	vpop (erf)  }
0x1c1: {  	v2 =	vmul.f32 v62, v0;
	_ =	sdelay $0x1  }
0x1c2: {  	v1 =	vadd.f32 v2, v1;
	_ =	sdelay $0x1  }
0x1c3: {  	v1 =	vmul.f32 $5.000000000e-01, v1;
	_ =	sdelay $0x1  }
0x1c4: {  	(erf) = vrcp.f32 v1;
	_ =	sdelay $0x8  }
0x1c5: {  	v63 =	vpop (erf)  }
0x1c6: {  	s20 =	sadd.s32 $0x1, s20;
	v0 =	vmul.f32 v63, v0  }
0x1c7: {  	p0 =	sne.s32 s20, $0x4  }
.Ltmp7:
0x1c8: {  	v0 =	vadd.f32 v0, v1;
	(pc) =	sbr.rel @p0 .LBB2_14-.Ltmp7, $3  }
0x1c9: {  	_ = 	snop  }
0x1ca: {  	v0 =	vmul.f32 $5.000000000e-01, v0;
	_ =	sdelay $0x1  }
0x1cb: {  	[tilespmem:s22+$0x126C0] =	vst v0  }
0x1cc: {  	s20 =	simm.s32 $0x180  }
0x1cd: {  	[tilespmem:s14], [sflag:$0x1] =	stream.indirect.gather [hbm4b:s1+s13], $0x80, s20, s13, $0xb8;
	[tilespmem:$0x12800] =	vst v63  }
0x1ce: {  	s22 =	simm.s32 $0x380  }
0x1cf: {  	[tilespmem:s15], [sflag:$0x1] =	stream.indirect.gather [hbm4b:s2+s13], $0x80, s22, s13, $0xb8;
	[tilespmem:$0x12800] =	vst v63  }
0x1d0: {  	s26 =	simm.s32 $0x580  }
0x1d1: {  	[tilespmem:s16], [sflag:$0x1] =	stream.indirect.gather [hbm4b:s1+s13], $0x80, s26, s13, $0xb8;
	[tilespmem:$0x12800] =	vst v63  }
0x1d2: {  	_ =	swait.ge [sflag:s3], $0x2000  }
0x1d3: {  	[sflag:s3] =	ssyncset.done $0x0  }
0x1d4: {  	[sflag:s3] =	ssyncadd.s32 $0xFFFFE000  }
0x1d5: {  	_ =	swait.ge [sflag:s3], $0x2000  }
0x1d6: {  	[sflag:s3] =	ssyncset.done $0x0  }
0x1d7: {  	[sflag:s3] =	ssyncadd.s32 $0xFFFFE000  }
0x1d8: {  	_ =	swait.ge [sflag:s3], $0x2000  }
0x1d9: {  	[sflag:s3] =	ssyncset.done $0x0  }
0x1da: {  	s20 =	simm.s32 $0x0;
	[sflag:s3] =	ssyncadd.s32 $0xFFFFE000  }
.LBB2_18:
0x1db: {  	s22 =	sshll.u32 s20, $0x4;
	v1 =	vlaneseq.u32  }
0x1dc: {  	v0 =	vmov s22;
	v2 =	vmul.u32 $0x80, v1  }
0x1dd: {  	v0 =	vshll.u32 v0, $0x7  }
0x1de: {  	v3 =	vor.u32 v2, v0;
	v0 =	vand.u32 $0x7F, v1  }
0x1df: {  	v2 =	vor.u32 v3, v0  }
0x1e0: {  	v4 =	vadd.s32 $0x5, v1  }
0x1e1: {  	v4 =	vand.u32 $0x7F, v4;
	v0 =	vadd.s32 $0x4, v1  }
0x1e2: {  	v7 =	vor.u32 v3, v4;
	v0 =	vand.u32 $0x7F, v0  }
0x1e3: {  	v6 =	vor.u32 v3, v0  }
0x1e4: {  	v0 =	vld.idx.msk [tilespmem:v2+s19+$0x0], $0xffff  }
0x1e5: {  	v11 =	vld.idx.msk [tilespmem:v2+s21+$0x0], $0xffff  }
0x1e6: {  	v4 =	vadd.s32 $0x6, v1;
	v12 =	vld.idx.msk [tilespmem:v2+s17+$0x0], $0xffff  }
0x1e7: {  	v2 =	vand.u32 $0x7F, v4;
	v5 =	vld.idx.msk [tilespmem:v7+s19+$0x0], $0xffff  }
0x1e8: {  	v8 =	vadd.s32 $0x7, v1;
	v10 =	vor.u32 v3, v2;
	v4 =	vld.idx.msk [tilespmem:v6+s19+$0x0], $0xffff  }
0x1e9: {  	v2 =	vand.u32 $0x7F, v8;
	v13 =	vld.idx.msk [tilespmem:v6+s21+$0x0], $0xffff  }
0x1ea: {  	v8 =	vor.u32 v3, v2;
	v14 =	vld.idx.msk [tilespmem:v6+s17+$0x0], $0xffff;
	v6 =	vadd.s32 $0x1, v1  }
0x1eb: {  	v15 =	vld.idx.msk [tilespmem:v7+s21+$0x0], $0xffff;
	v6 =	vand.u32 $0x7F, v6  }
0x1ec: {  	v16 =	vld.idx.msk [tilespmem:v7+s17+$0x0], $0xffff;
	v7 =	vadd.s32 $0x2, v1;
	v20 =	vor.u32 v3, v6  }
0x1ed: {  	v9 =	vadd.s32 $0x3, v1;
	v7 =	vand.u32 $0x7F, v7;
	v17 =	vld.idx.msk [tilespmem:v10+s21+$0x0], $0xffff  }
0x1ee: {  	v9 =	vand.u32 $0x7F, v9;
	v22 =	vor.u32 v3, v7;
	v18 =	vld.idx.msk [tilespmem:v10+s17+$0x0], $0xffff  }
0x1ef: {  	v23 =	vor.u32 v3, v9;
	v9 =	vimm.f32 $0.0e+00;
	v19 =	vld.idx.msk [tilespmem:v8+s21+$0x0], $0xffff  }
0x1f0: {  	s26 =	simm.s32 $0xF;
	v2 =	vimm.f32 $0.0e+00;
	v7 =	vimm.f32 $0.0e+00;
	v6 =	vimm.f32 $0.0e+00;
	v21 =	vld.idx.msk [tilespmem:v8+s17+$0x0], $0xffff  }
.LBB2_19:
0x1f1: {  	p0 =	sne.s32 s26, $0x1;
	v24 =	vld.idx.msk [tilespmem:v20+s21+$0x0], $0xffff  }
0x1f2: {  	v25 =	vld.idx.msk [tilespmem:v20+s17+$0x0], $0xffff  }
0x1f3: {  	v26 =	vld.idx.msk [tilespmem:v22+s21+$0x0], $0xffff  }
0x1f4: {  	v1 =	vadd.s32 $0x8, v1;
	v27 =	vld.idx.msk [tilespmem:v22+s17+$0x0], $0xffff  }
0x1f5: {  	v28 =	vadd.s32 $0x4, v1;
	v29 =	vadd.s32 $0x5, v1;
	v30 =	vadd.s32 $0x6, v1;
	v31 =	vld.idx.msk [tilespmem:v23+s21+$0x0], $0xffff  }
0x1f6: {  	v32 =	vand.u32 $0x7F, v1;
	v33 =	vadd.s32 $0x1, v1;
	v34 =	vadd.s32 $0x7, v1;
	v35 =	vld.idx.msk [tilespmem:v23+s17+$0x0], $0xffff  }
0x1f7: {  	v36 =	vadd.s32 $0x2, v1;
	v32 =	vor.u32 v3, v32;
	v28 =	vand.u32 $0x7F, v28;
	v20 =	vld.idx.msk [tilespmem:v20+s19+$0x0], $0xffff  }
0x1f8: {  	v11 =	vsub.f32 v11, v12;
	v29 =	vand.u32 $0x7F, v29;
	v30 =	vand.u32 $0x7F, v30;
	v22 =	vld.idx.msk [tilespmem:v22+s19+$0x0], $0xffff  }
0x1f9: {  	v12 =	vsub.f32 v13, v14;
	v13 =	vsub.f32 v15, v16;
	v34 =	vand.u32 $0x7F, v34;
	v23 =	vld.idx.msk [tilespmem:v23+s19+$0x0], $0xffff  }
0x1fa: {  	v16 =	vsub.f32 v17, v18;
	v14 =	vor.u32 v3, v28;
	v17 =	vsub.f32 v19, v21;
	v15 =	vld.idx.msk [tilespmem:v10+s19+$0x0], $0xffff  }
0x1fb: {  	v18 =	vor.u32 v3, v29;
	v19 =	vsub.f32 v24, v25;
	v21 =	vsub.f32 v26, v27;
	v24 =	vld.idx.msk [tilespmem:v8+s19+$0x0], $0xffff  }
0x1fc: {  	v25 =	vand.u32 $0x7F, v33;
	v26 =	vsub.f32 v11, v0;
	v27 =	vsub.f32 v31, v35;
	v0 =	vld.idx.msk [tilespmem:v32+s19+$0x0], $0xffff  }
0x1fd: {  	v13 =	vsub.f32 v13, v5;
	v28 =	vsub.f32 v12, v4;
	v10 =	vor.u32 v3, v30;
	v11 =	vld.idx.msk [tilespmem:v32+s21+$0x0], $0xffff  }
0x1fe: {  	v8 =	vor.u32 v3, v34;
	v19 =	vsub.f32 v19, v20;
	v20 =	vsub.f32 v21, v22;
	v12 =	vld.idx.msk [tilespmem:v32+s17+$0x0], $0xffff  }
0x1ff: {  	v21 =	vmul.f32 v26, v26;
	v22 =	vsub.f32 v27, v23;
	v23 =	vmul.f32 v28, v28;
	v4 =	vld.idx.msk [tilespmem:v14+s19+$0x0], $0xffff  }
0x200: {  	v26 =	vmul.f32 v13, v13;
	v19 =	vmul.f32 v19, v19;
	v15 =	vsub.f32 v16, v15;
	v5 =	vld.idx.msk [tilespmem:v18+s19+$0x0], $0xffff  }
0x201: {  	v16 =	vmul.f32 v20, v20;
	v20 =	vmul.f32 v22, v22;
	v17 =	vsub.f32 v17, v24;
	v13 =	vld.idx.msk [tilespmem:v14+s21+$0x0], $0xffff  }
0x202: {  	v2 =	vadd.f32 v21, v2;
	v9 =	vadd.f32 v19, v9;
	v19 =	vmul.f32 v15, v15;
	v14 =	vld.idx.msk [tilespmem:v14+s17+$0x0], $0xffff  }
0x203: {  	v6 =	vadd.f32 v16, v6;
	v7 =	vadd.f32 v20, v7;
	v21 =	vmul.f32 v17, v17;
	v15 =	vld.idx.msk [tilespmem:v18+s21+$0x0], $0xffff  }
.Ltmp8:
0x204: {  	v2 =	vadd.f32 v23, v2;
	v20 =	vor.u32 v3, v25;
	v9 =	vadd.f32 v26, v9;
	v16 =	vld.idx.msk [tilespmem:v18+s17+$0x0], $0xffff;
	(pc) =	sbr.rel @p0 .LBB2_19-.Ltmp8, $4  }
0x205: {  	v6 =	vadd.f32 v19, v6;
	v18 =	vand.u32 $0x7F, v36;
	v7 =	vadd.f32 v21, v7;
	v17 =	vld.idx.msk [tilespmem:v10+s21+$0x0], $0xffff  }
0x206: {  	v19 =	vadd.s32 $0x3, v1;
	v22 =	vor.u32 v3, v18;
	v18 =	vld.idx.msk [tilespmem:v10+s17+$0x0], $0xffff  }
0x207: {  	v21 =	vand.u32 $0x7F, v19;
	v19 =	vld.idx.msk [tilespmem:v8+s21+$0x0], $0xffff  }
0x208: {  	s26 =	sadd.s32 $0xFFFFFFFF, s26;
	v23 =	vor.u32 v3, v21;
	v21 =	vld.idx.msk [tilespmem:v8+s17+$0x0], $0xffff  }
0x209: {  	_ =	sdelay $0x3  }
0x20a: {  	v1 =	vld.idx.msk [tilespmem:v20+s21+$0x0], $0xffff  }
0x20b: {  	v3 =	vld.idx.msk [tilespmem:v20+s17+$0x0], $0xffff  }
0x20c: {  	v24 =	vld.idx.msk [tilespmem:v22+s21+$0x0], $0xffff  }
0x20d: {  	v25 =	vld.idx.msk [tilespmem:v22+s17+$0x0], $0xffff  }
0x20e: {  	v26 =	vld.idx.msk [tilespmem:v23+s21+$0x0], $0xffff  }
0x20f: {  	v27 =	vld.idx.msk [tilespmem:v23+s17+$0x0], $0xffff  }
0x210: {  	v48 =	vld.idx.msk [tilespmem:v20+s19+$0x0], $0xffff  }
0x211: {  	v11 =	vsub.f32 v11, v12;
	v49 =	vld.idx.msk [tilespmem:v22+s19+$0x0], $0xffff;
	v13 =	vsub.f32 v13, v14  }
0x212: {  	v50 =	vsub.f32 v15, v16;
	v51 =	vld.idx.msk [tilespmem:v23+s19+$0x0], $0xffff;
	v52 =	vsub.f32 v17, v18  }
0x213: {  	v10 =	vld.idx.msk [tilespmem:v10+s19+$0x0], $0xffff;
	v0 =	vsub.f32 v11, v0;
	v4 =	vsub.f32 v13, v4  }
0x214: {  	v8 =	vld.idx.msk [tilespmem:v8+s19+$0x0], $0xffff;
	v5 =	vsub.f32 v50, v5;
	v1 =	vsub.f32 v1, v3  }
0x215: {  	v54 =	vsub.f32 v24, v25;
	v55 =	vsub.f32 v26, v27  }
0x216: {  	v53 =	vsub.f32 v19, v21;
	v0 =	vmul.f32 v0, v0;
	v1 =	vsub.f32 v1, v48  }
0x217: {  	v4 =	vmul.f32 v4, v4;
	v3 =	vsub.f32 v54, v49;
	v11 =	vsub.f32 v55, v51  }
0x218: {  	v5 =	vmul.f32 v5, v5;
	v10 =	vsub.f32 v52, v10;
	v1 =	vmul.f32 v1, v1  }
0x219: {  	v8 =	vsub.f32 v53, v8;
	v3 =	vmul.f32 v3, v3;
	v11 =	vmul.f32 v11, v11  }
0x21a: {  	v0 =	vadd.f32 v0, v2;
	v56 =	vmul.f32 v10, v10;
	v1 =	vadd.f32 v1, v9  }
0x21b: {  	v58 =	vmul.f32 v8, v8;
	v3 =	vadd.f32 v3, v6;
	v57 =	vadd.f32 v11, v7  }
0x21c: {  	v0 =	vadd.f32 v4, v0;
	v1 =	vadd.f32 v5, v1  }
0x21d: {  	v2 =	vadd.f32 v56, v3;
	v59 =	vadd.f32 v58, v57;
	_ =	sdelay $0x1  }
0x21e: {  	v0 =	vadd.f32 v1, v0;
	v60 =	vadd.f32 v59, v2;
	_ =	sdelay $0x1  }
0x21f: {  	v0 =	vadd.f32 v60, v0;
	_ =	sdelay $0x1  }
0x220: {  	v1 =	vshra.s32 v0, $0x1  }
0x221: {  	v1 =	vadd.s32 $0x1FBD1DF5, v1  }
0x222: {  	(erf) = vrcp.f32 v1;
	_ =	sdelay $0x8  }
0x223: {  	v61 =	vpop (erf)  }
0x224: {  	v2 =	vmul.f32 v61, v0;
	_ =	sdelay $0x1  }
0x225: {  	v1 =	vadd.f32 v1, v2;
	_ =	sdelay $0x1  }
0x226: {  	v1 =	vmul.f32 $5.000000000e-01, v1;
	_ =	sdelay $0x1  }
0x227: {  	(erf) = vrcp.f32 v1;
	_ =	sdelay $0x8  }
0x228: {  	v62 =	vpop (erf)  }
0x229: {  	v2 =	vmul.f32 v62, v0;
	_ =	sdelay $0x1  }
0x22a: {  	v1 =	vadd.f32 v2, v1;
	_ =	sdelay $0x1  }
0x22b: {  	v1 =	vmul.f32 $5.000000000e-01, v1;
	_ =	sdelay $0x1  }
0x22c: {  	(erf) = vrcp.f32 v1;
	_ =	sdelay $0x8  }
0x22d: {  	v63 =	vpop (erf)  }
0x22e: {  	s20 =	sadd.s32 $0x1, s20;
	v0 =	vmul.f32 v63, v0  }
0x22f: {  	p0 =	sne.s32 s20, $0x4  }
.Ltmp9:
0x230: {  	v0 =	vadd.f32 v0, v1;
	(pc) =	sbr.rel @p0 .LBB2_18-.Ltmp9, $3  }
0x231: {  	_ = 	snop  }
0x232: {  	v0 =	vmul.f32 $5.000000000e-01, v0;
	_ =	sdelay $0x1  }
0x233: {  	[tilespmem:s22+$0x12700] =	vst v0  }
0x234: {  	s20 =	simm.s32 $0x1C0  }
0x235: {  	[tilespmem:s17], [sflag:$0x2] =	stream.indirect.gather [hbm4b:s1+s13], $0x80, s20, s13, $0xb8;
	[tilespmem:$0x12800] =	vst v63  }
0x236: {  	s26 =	simm.s32 $0x3C0  }
0x237: {  	[tilespmem:s19], [sflag:$0x2] =	stream.indirect.gather [hbm4b:s2+s13], $0x80, s26, s13, $0xb8;
	[tilespmem:$0x12800] =	vst v63  }
0x238: {  	_ = 	snop  }
0x239: {  	[tilespmem:s21], [sflag:$0x2] =	stream.indirect.gather [hbm4b:s1+s13], $0x80, s30, s13, $0xb8;
	[tilespmem:$0x12800] =	vst v63  }
0x23a: {  	_ =	swait.ge [sflag:s24], $0x2000  }
0x23b: {  	[sflag:s24] =	ssyncset.done $0x0  }
0x23c: {  	[sflag:s24] =	ssyncadd.s32 $0xFFFFE000  }
0x23d: {  	_ =	swait.ge [sflag:s24], $0x2000  }
0x23e: {  	[sflag:s24] =	ssyncset.done $0x0  }
0x23f: {  	[sflag:s24] =	ssyncadd.s32 $0xFFFFE000  }
0x240: {  	_ =	swait.ge [sflag:s24], $0x2000  }
0x241: {  	[sflag:s24] =	ssyncset.done $0x0  }
0x242: {  	s20 =	simm.s32 $0x0;
	[sflag:s24] =	ssyncadd.s32 $0xFFFFE000  }
.LBB2_22:
0x243: {  	s22 =	sshll.u32 s20, $0x4;
	v1 =	vlaneseq.u32  }
0x244: {  	v0 =	vmov s22;
	v2 =	vmul.u32 $0x80, v1  }
0x245: {  	v0 =	vshll.u32 v0, $0x7  }
0x246: {  	v3 =	vor.u32 v2, v0;
	v0 =	vand.u32 $0x7F, v1  }
0x247: {  	v2 =	vor.u32 v3, v0  }
0x248: {  	v4 =	vadd.s32 $0x5, v1  }
0x249: {  	v4 =	vand.u32 $0x7F, v4;
	v0 =	vadd.s32 $0x4, v1  }
0x24a: {  	v7 =	vor.u32 v3, v4;
	v0 =	vand.u32 $0x7F, v0  }
0x24b: {  	v6 =	vor.u32 v3, v0  }
0x24c: {  	v0 =	vld.idx.msk [tilespmem:v2+s25+$0x0], $0xffff  }
0x24d: {  	v11 =	vld.idx.msk [tilespmem:v2+s28+$0x0], $0xffff  }
0x24e: {  	v4 =	vadd.s32 $0x6, v1;
	v12 =	vld.idx.msk [tilespmem:v2+s23+$0x0], $0xffff  }
0x24f: {  	v2 =	vand.u32 $0x7F, v4;
	v5 =	vld.idx.msk [tilespmem:v7+s25+$0x0], $0xffff  }
0x250: {  	v8 =	vadd.s32 $0x7, v1;
	v10 =	vor.u32 v3, v2;
	v4 =	vld.idx.msk [tilespmem:v6+s25+$0x0], $0xffff  }
0x251: {  	v2 =	vand.u32 $0x7F, v8;
	v13 =	vld.idx.msk [tilespmem:v6+s28+$0x0], $0xffff  }
0x252: {  	v8 =	vor.u32 v3, v2;
	v14 =	vld.idx.msk [tilespmem:v6+s23+$0x0], $0xffff;
	v6 =	vadd.s32 $0x1, v1  }
0x253: {  	v15 =	vld.idx.msk [tilespmem:v7+s28+$0x0], $0xffff;
	v6 =	vand.u32 $0x7F, v6  }
0x254: {  	v16 =	vld.idx.msk [tilespmem:v7+s23+$0x0], $0xffff;
	v7 =	vadd.s32 $0x2, v1;
	v20 =	vor.u32 v3, v6  }
0x255: {  	v9 =	vadd.s32 $0x3, v1;
	v7 =	vand.u32 $0x7F, v7;
	v17 =	vld.idx.msk [tilespmem:v10+s28+$0x0], $0xffff  }
0x256: {  	v9 =	vand.u32 $0x7F, v9;
	v22 =	vor.u32 v3, v7;
	v18 =	vld.idx.msk [tilespmem:v10+s23+$0x0], $0xffff  }
0x257: {  	v23 =	vor.u32 v3, v9;
	v9 =	vimm.f32 $0.0e+00;
	v19 =	vld.idx.msk [tilespmem:v8+s28+$0x0], $0xffff  }
0x258: {  	s26 =	simm.s32 $0xF;
	v2 =	vimm.f32 $0.0e+00;
	v7 =	vimm.f32 $0.0e+00;
	v6 =	vimm.f32 $0.0e+00;
	v21 =	vld.idx.msk [tilespmem:v8+s23+$0x0], $0xffff  }
.LBB2_23:
0x259: {  	p0 =	sne.s32 s26, $0x1;
	v24 =	vld.idx.msk [tilespmem:v20+s28+$0x0], $0xffff  }
0x25a: {  	v25 =	vld.idx.msk [tilespmem:v20+s23+$0x0], $0xffff  }
0x25b: {  	v26 =	vld.idx.msk [tilespmem:v22+s28+$0x0], $0xffff  }
0x25c: {  	v1 =	vadd.s32 $0x8, v1;
	v27 =	vld.idx.msk [tilespmem:v22+s23+$0x0], $0xffff  }
0x25d: {  	v28 =	vadd.s32 $0x4, v1;
	v29 =	vadd.s32 $0x5, v1;
	v30 =	vadd.s32 $0x6, v1;
	v31 =	vld.idx.msk [tilespmem:v23+s28+$0x0], $0xffff  }
0x25e: {  	v32 =	vand.u32 $0x7F, v1;
	v33 =	vadd.s32 $0x1, v1;
	v34 =	vadd.s32 $0x7, v1;
	v35 =	vld.idx.msk [tilespmem:v23+s23+$0x0], $0xffff  }
0x25f: {  	v36 =	vadd.s32 $0x2, v1;
	v32 =	vor.u32 v3, v32;
	v28 =	vand.u32 $0x7F, v28;
	v20 =	vld.idx.msk [tilespmem:v20+s25+$0x0], $0xffff  }
0x260: {  	v11 =	vsub.f32 v11, v12;
	v29 =	vand.u32 $0x7F, v29;
	v30 =	vand.u32 $0x7F, v30;
	v22 =	vld.idx.msk [tilespmem:v22+s25+$0x0], $0xffff  }
0x261: {  	v12 =	vsub.f32 v13, v14;
	v13 =	vsub.f32 v15, v16;
	v34 =	vand.u32 $0x7F, v34;
	v23 =	vld.idx.msk [tilespmem:v23+s25+$0x0], $0xffff  }
0x262: {  	v16 =	vsub.f32 v17, v18;
	v14 =	vor.u32 v3, v28;
	v17 =	vsub.f32 v19, v21;
	v15 =	vld.idx.msk [tilespmem:v10+s25+$0x0], $0xffff  }
0x263: {  	v18 =	vor.u32 v3, v29;
	v19 =	vsub.f32 v24, v25;
	v21 =	vsub.f32 v26, v27;
	v24 =	vld.idx.msk [tilespmem:v8+s25+$0x0], $0xffff  }
0x264: {  	v25 =	vand.u32 $0x7F, v33;
	v26 =	vsub.f32 v11, v0;
	v27 =	vsub.f32 v31, v35;
	v0 =	vld.idx.msk [tilespmem:v32+s25+$0x0], $0xffff  }
0x265: {  	v13 =	vsub.f32 v13, v5;
	v28 =	vsub.f32 v12, v4;
	v10 =	vor.u32 v3, v30;
	v11 =	vld.idx.msk [tilespmem:v32+s28+$0x0], $0xffff  }
0x266: {  	v8 =	vor.u32 v3, v34;
	v19 =	vsub.f32 v19, v20;
	v20 =	vsub.f32 v21, v22;
	v12 =	vld.idx.msk [tilespmem:v32+s23+$0x0], $0xffff  }
0x267: {  	v21 =	vmul.f32 v26, v26;
	v22 =	vsub.f32 v27, v23;
	v23 =	vmul.f32 v28, v28;
	v4 =	vld.idx.msk [tilespmem:v14+s25+$0x0], $0xffff  }
0x268: {  	v26 =	vmul.f32 v13, v13;
	v19 =	vmul.f32 v19, v19;
	v15 =	vsub.f32 v16, v15;
	v5 =	vld.idx.msk [tilespmem:v18+s25+$0x0], $0xffff  }
0x269: {  	v16 =	vmul.f32 v20, v20;
	v20 =	vmul.f32 v22, v22;
	v17 =	vsub.f32 v17, v24;
	v13 =	vld.idx.msk [tilespmem:v14+s28+$0x0], $0xffff  }
0x26a: {  	v2 =	vadd.f32 v21, v2;
	v9 =	vadd.f32 v19, v9;
	v19 =	vmul.f32 v15, v15;
	v14 =	vld.idx.msk [tilespmem:v14+s23+$0x0], $0xffff  }
0x26b: {  	v6 =	vadd.f32 v16, v6;
	v7 =	vadd.f32 v20, v7;
	v21 =	vmul.f32 v17, v17;
	v15 =	vld.idx.msk [tilespmem:v18+s28+$0x0], $0xffff  }
.Ltmp10:
0x26c: {  	v2 =	vadd.f32 v23, v2;
	v20 =	vor.u32 v3, v25;
	v9 =	vadd.f32 v26, v9;
	v16 =	vld.idx.msk [tilespmem:v18+s23+$0x0], $0xffff;
	(pc) =	sbr.rel @p0 .LBB2_23-.Ltmp10, $4  }
0x26d: {  	v6 =	vadd.f32 v19, v6;
	v18 =	vand.u32 $0x7F, v36;
	v7 =	vadd.f32 v21, v7;
	v17 =	vld.idx.msk [tilespmem:v10+s28+$0x0], $0xffff  }
0x26e: {  	v19 =	vadd.s32 $0x3, v1;
	v22 =	vor.u32 v3, v18;
	v18 =	vld.idx.msk [tilespmem:v10+s23+$0x0], $0xffff  }
0x26f: {  	v21 =	vand.u32 $0x7F, v19;
	v19 =	vld.idx.msk [tilespmem:v8+s28+$0x0], $0xffff  }
0x270: {  	s26 =	sadd.s32 $0xFFFFFFFF, s26;
	v23 =	vor.u32 v3, v21;
	v21 =	vld.idx.msk [tilespmem:v8+s23+$0x0], $0xffff  }
0x271: {  	_ =	sdelay $0x3  }
0x272: {  	v1 =	vld.idx.msk [tilespmem:v20+s28+$0x0], $0xffff  }
0x273: {  	v3 =	vld.idx.msk [tilespmem:v20+s23+$0x0], $0xffff  }
0x274: {  	v24 =	vld.idx.msk [tilespmem:v22+s28+$0x0], $0xffff  }
0x275: {  	v25 =	vld.idx.msk [tilespmem:v22+s23+$0x0], $0xffff  }
0x276: {  	v26 =	vld.idx.msk [tilespmem:v23+s28+$0x0], $0xffff  }
0x277: {  	v27 =	vld.idx.msk [tilespmem:v23+s23+$0x0], $0xffff  }
0x278: {  	v48 =	vld.idx.msk [tilespmem:v20+s25+$0x0], $0xffff  }
0x279: {  	v11 =	vsub.f32 v11, v12;
	v49 =	vld.idx.msk [tilespmem:v22+s25+$0x0], $0xffff;
	v13 =	vsub.f32 v13, v14  }
0x27a: {  	v50 =	vsub.f32 v15, v16;
	v51 =	vld.idx.msk [tilespmem:v23+s25+$0x0], $0xffff;
	v52 =	vsub.f32 v17, v18  }
0x27b: {  	v10 =	vld.idx.msk [tilespmem:v10+s25+$0x0], $0xffff;
	v0 =	vsub.f32 v11, v0;
	v4 =	vsub.f32 v13, v4  }
0x27c: {  	v8 =	vld.idx.msk [tilespmem:v8+s25+$0x0], $0xffff;
	v5 =	vsub.f32 v50, v5;
	v1 =	vsub.f32 v1, v3  }
0x27d: {  	v54 =	vsub.f32 v24, v25;
	v55 =	vsub.f32 v26, v27  }
0x27e: {  	v53 =	vsub.f32 v19, v21;
	v0 =	vmul.f32 v0, v0;
	v1 =	vsub.f32 v1, v48  }
0x27f: {  	v4 =	vmul.f32 v4, v4;
	v3 =	vsub.f32 v54, v49;
	v11 =	vsub.f32 v55, v51  }
0x280: {  	v5 =	vmul.f32 v5, v5;
	v10 =	vsub.f32 v52, v10;
	v1 =	vmul.f32 v1, v1  }
0x281: {  	v8 =	vsub.f32 v53, v8;
	v3 =	vmul.f32 v3, v3;
	v11 =	vmul.f32 v11, v11  }
0x282: {  	v0 =	vadd.f32 v0, v2;
	v56 =	vmul.f32 v10, v10;
	v1 =	vadd.f32 v1, v9  }
0x283: {  	v58 =	vmul.f32 v8, v8;
	v3 =	vadd.f32 v3, v6;
	v57 =	vadd.f32 v11, v7  }
0x284: {  	v0 =	vadd.f32 v4, v0;
	v1 =	vadd.f32 v5, v1  }
0x285: {  	v2 =	vadd.f32 v56, v3;
	v59 =	vadd.f32 v58, v57;
	_ =	sdelay $0x1  }
0x286: {  	v0 =	vadd.f32 v1, v0;
	v60 =	vadd.f32 v59, v2;
	_ =	sdelay $0x1  }
0x287: {  	v0 =	vadd.f32 v60, v0;
	_ =	sdelay $0x1  }
0x288: {  	v1 =	vshra.s32 v0, $0x1  }
0x289: {  	v1 =	vadd.s32 $0x1FBD1DF5, v1  }
0x28a: {  	(erf) = vrcp.f32 v1;
	_ =	sdelay $0x8  }
0x28b: {  	v61 =	vpop (erf)  }
0x28c: {  	v2 =	vmul.f32 v61, v0;
	_ =	sdelay $0x1  }
0x28d: {  	v1 =	vadd.f32 v1, v2;
	_ =	sdelay $0x1  }
0x28e: {  	v1 =	vmul.f32 $5.000000000e-01, v1;
	_ =	sdelay $0x1  }
0x28f: {  	(erf) = vrcp.f32 v1;
	_ =	sdelay $0x8  }
0x290: {  	v62 =	vpop (erf)  }
0x291: {  	v2 =	vmul.f32 v62, v0;
	_ =	sdelay $0x1  }
0x292: {  	v1 =	vadd.f32 v2, v1;
	_ =	sdelay $0x1  }
0x293: {  	v1 =	vmul.f32 $5.000000000e-01, v1;
	_ =	sdelay $0x1  }
0x294: {  	(erf) = vrcp.f32 v1;
	_ =	sdelay $0x8  }
0x295: {  	v63 =	vpop (erf)  }
0x296: {  	s20 =	sadd.s32 $0x1, s20;
	v0 =	vmul.f32 v63, v0  }
0x297: {  	p0 =	sne.s32 s20, $0x4  }
.Ltmp11:
0x298: {  	v0 =	vadd.f32 v0, v1;
	(pc) =	sbr.rel @p0 .LBB2_22-.Ltmp11, $3  }
0x299: {  	_ = 	snop  }
0x29a: {  	v0 =	vmul.f32 $5.000000000e-01, v0;
	_ =	sdelay $0x1  }
0x29b: {  	[tilespmem:s22+$0x12740] =	vst v0  }
0x29c: {  	_ =	swait.ge [sflag:s29], $0x2000  }
0x29d: {  	[sflag:s29] =	ssyncset.done $0x0  }
0x29e: {  	[sflag:s29] =	ssyncadd.s32 $0xFFFFE000  }
0x29f: {  	_ =	swait.ge [sflag:s29], $0x2000  }
0x2a0: {  	[sflag:s29] =	ssyncset.done $0x0  }
0x2a1: {  	[sflag:s29] =	ssyncadd.s32 $0xFFFFE000  }
0x2a2: {  	_ =	swait.ge [sflag:s29], $0x2000  }
0x2a3: {  	[sflag:s29] =	ssyncset.done $0x0  }
0x2a4: {  	s20 =	simm.s32 $0x0;
	[sflag:s29] =	ssyncadd.s32 $0xFFFFE000  }
.LBB2_26:
0x2a5: {  	s22 =	sshll.u32 s20, $0x4;
	v1 =	vlaneseq.u32  }
0x2a6: {  	v0 =	vmov s22;
	v2 =	vmul.u32 $0x80, v1  }
0x2a7: {  	v0 =	vshll.u32 v0, $0x7  }
0x2a8: {  	v3 =	vor.u32 v2, v0;
	v0 =	vand.u32 $0x7F, v1  }
0x2a9: {  	v2 =	vor.u32 v3, v0  }
0x2aa: {  	v4 =	vadd.s32 $0x5, v1  }
0x2ab: {  	v4 =	vand.u32 $0x7F, v4;
	v0 =	vadd.s32 $0x4, v1  }
0x2ac: {  	v7 =	vor.u32 v3, v4;
	v0 =	vand.u32 $0x7F, v0  }
0x2ad: {  	v6 =	vor.u32 v3, v0  }
0x2ae: {  	v0 =	vld.idx.msk [tilespmem:v2+s15+$0x0], $0xffff  }
0x2af: {  	v11 =	vld.idx.msk [tilespmem:v2+s16+$0x0], $0xffff  }
0x2b0: {  	v4 =	vadd.s32 $0x6, v1;
	v12 =	vld.idx.msk [tilespmem:v2+s14+$0x0], $0xffff  }
0x2b1: {  	v2 =	vand.u32 $0x7F, v4;
	v5 =	vld.idx.msk [tilespmem:v7+s15+$0x0], $0xffff  }
0x2b2: {  	v8 =	vadd.s32 $0x7, v1;
	v10 =	vor.u32 v3, v2;
	v4 =	vld.idx.msk [tilespmem:v6+s15+$0x0], $0xffff  }
0x2b3: {  	v2 =	vand.u32 $0x7F, v8;
	v13 =	vld.idx.msk [tilespmem:v6+s16+$0x0], $0xffff  }
0x2b4: {  	v8 =	vor.u32 v3, v2;
	v14 =	vld.idx.msk [tilespmem:v6+s14+$0x0], $0xffff;
	v6 =	vadd.s32 $0x1, v1  }
0x2b5: {  	v15 =	vld.idx.msk [tilespmem:v7+s16+$0x0], $0xffff;
	v6 =	vand.u32 $0x7F, v6  }
0x2b6: {  	v16 =	vld.idx.msk [tilespmem:v7+s14+$0x0], $0xffff;
	v7 =	vadd.s32 $0x2, v1;
	v20 =	vor.u32 v3, v6  }
0x2b7: {  	v9 =	vadd.s32 $0x3, v1;
	v7 =	vand.u32 $0x7F, v7;
	v17 =	vld.idx.msk [tilespmem:v10+s16+$0x0], $0xffff  }
0x2b8: {  	v9 =	vand.u32 $0x7F, v9;
	v22 =	vor.u32 v3, v7;
	v18 =	vld.idx.msk [tilespmem:v10+s14+$0x0], $0xffff  }
0x2b9: {  	v23 =	vor.u32 v3, v9;
	v9 =	vimm.f32 $0.0e+00;
	v19 =	vld.idx.msk [tilespmem:v8+s16+$0x0], $0xffff  }
0x2ba: {  	s26 =	simm.s32 $0xF;
	v2 =	vimm.f32 $0.0e+00;
	v7 =	vimm.f32 $0.0e+00;
	v6 =	vimm.f32 $0.0e+00;
	v21 =	vld.idx.msk [tilespmem:v8+s14+$0x0], $0xffff  }
.LBB2_27:
0x2bb: {  	p0 =	sne.s32 s26, $0x1;
	v24 =	vld.idx.msk [tilespmem:v20+s16+$0x0], $0xffff  }
0x2bc: {  	v25 =	vld.idx.msk [tilespmem:v20+s14+$0x0], $0xffff  }
0x2bd: {  	v26 =	vld.idx.msk [tilespmem:v22+s16+$0x0], $0xffff  }
0x2be: {  	v1 =	vadd.s32 $0x8, v1;
	v27 =	vld.idx.msk [tilespmem:v22+s14+$0x0], $0xffff  }
0x2bf: {  	v28 =	vadd.s32 $0x4, v1;
	v29 =	vadd.s32 $0x5, v1;
	v30 =	vadd.s32 $0x6, v1;
	v31 =	vld.idx.msk [tilespmem:v23+s16+$0x0], $0xffff  }
0x2c0: {  	v32 =	vand.u32 $0x7F, v1;
	v33 =	vadd.s32 $0x1, v1;
	v34 =	vadd.s32 $0x7, v1;
	v35 =	vld.idx.msk [tilespmem:v23+s14+$0x0], $0xffff  }
0x2c1: {  	v36 =	vadd.s32 $0x2, v1;
	v32 =	vor.u32 v3, v32;
	v28 =	vand.u32 $0x7F, v28;
	v20 =	vld.idx.msk [tilespmem:v20+s15+$0x0], $0xffff  }
0x2c2: {  	v11 =	vsub.f32 v11, v12;
	v29 =	vand.u32 $0x7F, v29;
	v30 =	vand.u32 $0x7F, v30;
	v22 =	vld.idx.msk [tilespmem:v22+s15+$0x0], $0xffff  }
0x2c3: {  	v12 =	vsub.f32 v13, v14;
	v13 =	vsub.f32 v15, v16;
	v34 =	vand.u32 $0x7F, v34;
	v23 =	vld.idx.msk [tilespmem:v23+s15+$0x0], $0xffff  }
0x2c4: {  	v16 =	vsub.f32 v17, v18;
	v14 =	vor.u32 v3, v28;
	v17 =	vsub.f32 v19, v21;
	v15 =	vld.idx.msk [tilespmem:v10+s15+$0x0], $0xffff  }
0x2c5: {  	v18 =	vor.u32 v3, v29;
	v19 =	vsub.f32 v24, v25;
	v21 =	vsub.f32 v26, v27;
	v24 =	vld.idx.msk [tilespmem:v8+s15+$0x0], $0xffff  }
0x2c6: {  	v25 =	vand.u32 $0x7F, v33;
	v26 =	vsub.f32 v11, v0;
	v27 =	vsub.f32 v31, v35;
	v0 =	vld.idx.msk [tilespmem:v32+s15+$0x0], $0xffff  }
0x2c7: {  	v13 =	vsub.f32 v13, v5;
	v28 =	vsub.f32 v12, v4;
	v10 =	vor.u32 v3, v30;
	v11 =	vld.idx.msk [tilespmem:v32+s16+$0x0], $0xffff  }
0x2c8: {  	v8 =	vor.u32 v3, v34;
	v19 =	vsub.f32 v19, v20;
	v20 =	vsub.f32 v21, v22;
	v12 =	vld.idx.msk [tilespmem:v32+s14+$0x0], $0xffff  }
0x2c9: {  	v21 =	vmul.f32 v26, v26;
	v22 =	vsub.f32 v27, v23;
	v23 =	vmul.f32 v28, v28;
	v4 =	vld.idx.msk [tilespmem:v14+s15+$0x0], $0xffff  }
0x2ca: {  	v26 =	vmul.f32 v13, v13;
	v19 =	vmul.f32 v19, v19;
	v15 =	vsub.f32 v16, v15;
	v5 =	vld.idx.msk [tilespmem:v18+s15+$0x0], $0xffff  }
0x2cb: {  	v16 =	vmul.f32 v20, v20;
	v20 =	vmul.f32 v22, v22;
	v17 =	vsub.f32 v17, v24;
	v13 =	vld.idx.msk [tilespmem:v14+s16+$0x0], $0xffff  }
0x2cc: {  	v2 =	vadd.f32 v21, v2;
	v9 =	vadd.f32 v19, v9;
	v19 =	vmul.f32 v15, v15;
	v14 =	vld.idx.msk [tilespmem:v14+s14+$0x0], $0xffff  }
0x2cd: {  	v6 =	vadd.f32 v16, v6;
	v7 =	vadd.f32 v20, v7;
	v21 =	vmul.f32 v17, v17;
	v15 =	vld.idx.msk [tilespmem:v18+s16+$0x0], $0xffff  }
.Ltmp12:
0x2ce: {  	v2 =	vadd.f32 v23, v2;
	v20 =	vor.u32 v3, v25;
	v9 =	vadd.f32 v26, v9;
	v16 =	vld.idx.msk [tilespmem:v18+s14+$0x0], $0xffff;
	(pc) =	sbr.rel @p0 .LBB2_27-.Ltmp12, $4  }
0x2cf: {  	v6 =	vadd.f32 v19, v6;
	v18 =	vand.u32 $0x7F, v36;
	v7 =	vadd.f32 v21, v7;
	v17 =	vld.idx.msk [tilespmem:v10+s16+$0x0], $0xffff  }
0x2d0: {  	v19 =	vadd.s32 $0x3, v1;
	v22 =	vor.u32 v3, v18;
	v18 =	vld.idx.msk [tilespmem:v10+s14+$0x0], $0xffff  }
0x2d1: {  	v21 =	vand.u32 $0x7F, v19;
	v19 =	vld.idx.msk [tilespmem:v8+s16+$0x0], $0xffff  }
0x2d2: {  	s26 =	sadd.s32 $0xFFFFFFFF, s26;
	v23 =	vor.u32 v3, v21;
	v21 =	vld.idx.msk [tilespmem:v8+s14+$0x0], $0xffff  }
0x2d3: {  	_ =	sdelay $0x3  }
0x2d4: {  	v1 =	vld.idx.msk [tilespmem:v20+s16+$0x0], $0xffff  }
0x2d5: {  	v3 =	vld.idx.msk [tilespmem:v20+s14+$0x0], $0xffff  }
0x2d6: {  	v24 =	vld.idx.msk [tilespmem:v22+s16+$0x0], $0xffff  }
0x2d7: {  	v25 =	vld.idx.msk [tilespmem:v22+s14+$0x0], $0xffff  }
0x2d8: {  	v26 =	vld.idx.msk [tilespmem:v23+s16+$0x0], $0xffff  }
0x2d9: {  	v27 =	vld.idx.msk [tilespmem:v23+s14+$0x0], $0xffff  }
0x2da: {  	v48 =	vld.idx.msk [tilespmem:v20+s15+$0x0], $0xffff  }
0x2db: {  	v11 =	vsub.f32 v11, v12;
	v49 =	vld.idx.msk [tilespmem:v22+s15+$0x0], $0xffff;
	v13 =	vsub.f32 v13, v14  }
0x2dc: {  	v50 =	vsub.f32 v15, v16;
	v51 =	vld.idx.msk [tilespmem:v23+s15+$0x0], $0xffff;
	v52 =	vsub.f32 v17, v18  }
0x2dd: {  	v10 =	vld.idx.msk [tilespmem:v10+s15+$0x0], $0xffff;
	v0 =	vsub.f32 v11, v0;
	v4 =	vsub.f32 v13, v4  }
0x2de: {  	v8 =	vld.idx.msk [tilespmem:v8+s15+$0x0], $0xffff;
	v5 =	vsub.f32 v50, v5;
	v1 =	vsub.f32 v1, v3  }
0x2df: {  	v54 =	vsub.f32 v24, v25;
	v55 =	vsub.f32 v26, v27  }
0x2e0: {  	v53 =	vsub.f32 v19, v21;
	v0 =	vmul.f32 v0, v0;
	v1 =	vsub.f32 v1, v48  }
0x2e1: {  	v4 =	vmul.f32 v4, v4;
	v3 =	vsub.f32 v54, v49;
	v11 =	vsub.f32 v55, v51  }
0x2e2: {  	v5 =	vmul.f32 v5, v5;
	v10 =	vsub.f32 v52, v10;
	v1 =	vmul.f32 v1, v1  }
0x2e3: {  	v8 =	vsub.f32 v53, v8;
	v3 =	vmul.f32 v3, v3;
	v11 =	vmul.f32 v11, v11  }
0x2e4: {  	v0 =	vadd.f32 v0, v2;
	v56 =	vmul.f32 v10, v10;
	v1 =	vadd.f32 v1, v9  }
0x2e5: {  	v58 =	vmul.f32 v8, v8;
	v3 =	vadd.f32 v3, v6;
	v57 =	vadd.f32 v11, v7  }
0x2e6: {  	v0 =	vadd.f32 v4, v0;
	v1 =	vadd.f32 v5, v1  }
0x2e7: {  	v2 =	vadd.f32 v56, v3;
	v59 =	vadd.f32 v58, v57;
	_ =	sdelay $0x1  }
0x2e8: {  	v0 =	vadd.f32 v1, v0;
	v60 =	vadd.f32 v59, v2;
	_ =	sdelay $0x1  }
0x2e9: {  	v0 =	vadd.f32 v60, v0;
	_ =	sdelay $0x1  }
0x2ea: {  	v1 =	vshra.s32 v0, $0x1  }
0x2eb: {  	v1 =	vadd.s32 $0x1FBD1DF5, v1  }
0x2ec: {  	(erf) = vrcp.f32 v1;
	_ =	sdelay $0x8  }
0x2ed: {  	v61 =	vpop (erf)  }
0x2ee: {  	v2 =	vmul.f32 v61, v0;
	_ =	sdelay $0x1  }
0x2ef: {  	v1 =	vadd.f32 v1, v2;
	_ =	sdelay $0x1  }
0x2f0: {  	v1 =	vmul.f32 $5.000000000e-01, v1;
	_ =	sdelay $0x1  }
0x2f1: {  	(erf) = vrcp.f32 v1;
	_ =	sdelay $0x8  }
0x2f2: {  	v62 =	vpop (erf)  }
0x2f3: {  	v2 =	vmul.f32 v62, v0;
	_ =	sdelay $0x1  }
0x2f4: {  	v1 =	vadd.f32 v2, v1;
	_ =	sdelay $0x1  }
0x2f5: {  	v1 =	vmul.f32 $5.000000000e-01, v1;
	_ =	sdelay $0x1  }
0x2f6: {  	(erf) = vrcp.f32 v1;
	_ =	sdelay $0x8  }
0x2f7: {  	v63 =	vpop (erf)  }
0x2f8: {  	s20 =	sadd.s32 $0x1, s20;
	v0 =	vmul.f32 v63, v0  }
0x2f9: {  	p0 =	sne.s32 s20, $0x4  }
.Ltmp13:
0x2fa: {  	v0 =	vadd.f32 v0, v1;
	(pc) =	sbr.rel @p0 .LBB2_26-.Ltmp13, $3  }
0x2fb: {  	_ = 	snop  }
0x2fc: {  	v0 =	vmul.f32 $5.000000000e-01, v0;
	_ =	sdelay $0x1  }
0x2fd: {  	[tilespmem:s22+$0x12780] =	vst v0  }
0x2fe: {  	_ =	swait.ge [sflag:s3], $0x2000  }
0x2ff: {  	[sflag:s3] =	ssyncset.done $0x0  }
0x300: {  	[sflag:s3] =	ssyncadd.s32 $0xFFFFE000  }
0x301: {  	_ =	swait.ge [sflag:s3], $0x2000  }
0x302: {  	[sflag:s3] =	ssyncset.done $0x0  }
0x303: {  	[sflag:s3] =	ssyncadd.s32 $0xFFFFE000  }
0x304: {  	_ =	swait.ge [sflag:s3], $0x2000  }
0x305: {  	[sflag:s3] =	ssyncset.done $0x0  }
0x306: {  	s20 =	simm.s32 $0x0;
	[sflag:s3] =	ssyncadd.s32 $0xFFFFE000  }
.LBB2_30:
0x307: {  	s22 =	sshll.u32 s20, $0x4;
	v1 =	vlaneseq.u32  }
0x308: {  	v0 =	vmov s22;
	v2 =	vmul.u32 $0x80, v1  }
0x309: {  	v0 =	vshll.u32 v0, $0x7  }
0x30a: {  	v3 =	vor.u32 v2, v0;
	v0 =	vand.u32 $0x7F, v1  }
0x30b: {  	v2 =	vor.u32 v3, v0  }
0x30c: {  	v4 =	vadd.s32 $0x5, v1  }
0x30d: {  	v4 =	vand.u32 $0x7F, v4;
	v0 =	vadd.s32 $0x4, v1  }
0x30e: {  	v7 =	vor.u32 v3, v4;
	v0 =	vand.u32 $0x7F, v0  }
0x30f: {  	v6 =	vor.u32 v3, v0  }
0x310: {  	v0 =	vld.idx.msk [tilespmem:v2+s19+$0x0], $0xffff  }
0x311: {  	v11 =	vld.idx.msk [tilespmem:v2+s21+$0x0], $0xffff  }
0x312: {  	v4 =	vadd.s32 $0x6, v1;
	v12 =	vld.idx.msk [tilespmem:v2+s17+$0x0], $0xffff  }
0x313: {  	v2 =	vand.u32 $0x7F, v4;
	v5 =	vld.idx.msk [tilespmem:v7+s19+$0x0], $0xffff  }
0x314: {  	v8 =	vadd.s32 $0x7, v1;
	v10 =	vor.u32 v3, v2;
	v4 =	vld.idx.msk [tilespmem:v6+s19+$0x0], $0xffff  }
0x315: {  	v2 =	vand.u32 $0x7F, v8;
	v13 =	vld.idx.msk [tilespmem:v6+s21+$0x0], $0xffff  }
0x316: {  	v8 =	vor.u32 v3, v2;
	v14 =	vld.idx.msk [tilespmem:v6+s17+$0x0], $0xffff;
	v6 =	vadd.s32 $0x1, v1  }
0x317: {  	v15 =	vld.idx.msk [tilespmem:v7+s21+$0x0], $0xffff;
	v6 =	vand.u32 $0x7F, v6  }
0x318: {  	v16 =	vld.idx.msk [tilespmem:v7+s17+$0x0], $0xffff;
	v7 =	vadd.s32 $0x2, v1;
	v20 =	vor.u32 v3, v6  }
0x319: {  	v9 =	vadd.s32 $0x3, v1;
	v7 =	vand.u32 $0x7F, v7;
	v17 =	vld.idx.msk [tilespmem:v10+s21+$0x0], $0xffff  }
0x31a: {  	v9 =	vand.u32 $0x7F, v9;
	v22 =	vor.u32 v3, v7;
	v18 =	vld.idx.msk [tilespmem:v10+s17+$0x0], $0xffff  }
0x31b: {  	v23 =	vor.u32 v3, v9;
	v9 =	vimm.f32 $0.0e+00;
	v19 =	vld.idx.msk [tilespmem:v8+s21+$0x0], $0xffff  }
0x31c: {  	s26 =	simm.s32 $0xF;
	v2 =	vimm.f32 $0.0e+00;
	v7 =	vimm.f32 $0.0e+00;
	v6 =	vimm.f32 $0.0e+00;
	v21 =	vld.idx.msk [tilespmem:v8+s17+$0x0], $0xffff  }
.LBB2_31:
0x31d: {  	p0 =	sne.s32 s26, $0x1;
	v24 =	vld.idx.msk [tilespmem:v20+s21+$0x0], $0xffff  }
0x31e: {  	v25 =	vld.idx.msk [tilespmem:v20+s17+$0x0], $0xffff  }
0x31f: {  	v26 =	vld.idx.msk [tilespmem:v22+s21+$0x0], $0xffff  }
0x320: {  	v1 =	vadd.s32 $0x8, v1;
	v27 =	vld.idx.msk [tilespmem:v22+s17+$0x0], $0xffff  }
0x321: {  	v28 =	vadd.s32 $0x4, v1;
	v29 =	vadd.s32 $0x5, v1;
	v30 =	vadd.s32 $0x6, v1;
	v31 =	vld.idx.msk [tilespmem:v23+s21+$0x0], $0xffff  }
0x322: {  	v32 =	vand.u32 $0x7F, v1;
	v33 =	vadd.s32 $0x1, v1;
	v34 =	vadd.s32 $0x7, v1;
	v35 =	vld.idx.msk [tilespmem:v23+s17+$0x0], $0xffff  }
0x323: {  	v36 =	vadd.s32 $0x2, v1;
	v32 =	vor.u32 v3, v32;
	v28 =	vand.u32 $0x7F, v28;
	v20 =	vld.idx.msk [tilespmem:v20+s19+$0x0], $0xffff  }
0x324: {  	v11 =	vsub.f32 v11, v12;
	v29 =	vand.u32 $0x7F, v29;
	v30 =	vand.u32 $0x7F, v30;
	v22 =	vld.idx.msk [tilespmem:v22+s19+$0x0], $0xffff  }
0x325: {  	v12 =	vsub.f32 v13, v14;
	v13 =	vsub.f32 v15, v16;
	v34 =	vand.u32 $0x7F, v34;
	v23 =	vld.idx.msk [tilespmem:v23+s19+$0x0], $0xffff  }
0x326: {  	v16 =	vsub.f32 v17, v18;
	v14 =	vor.u32 v3, v28;
	v17 =	vsub.f32 v19, v21;
	v15 =	vld.idx.msk [tilespmem:v10+s19+$0x0], $0xffff  }
0x327: {  	v18 =	vor.u32 v3, v29;
	v19 =	vsub.f32 v24, v25;
	v21 =	vsub.f32 v26, v27;
	v24 =	vld.idx.msk [tilespmem:v8+s19+$0x0], $0xffff  }
0x328: {  	v25 =	vand.u32 $0x7F, v33;
	v26 =	vsub.f32 v11, v0;
	v27 =	vsub.f32 v31, v35;
	v0 =	vld.idx.msk [tilespmem:v32+s19+$0x0], $0xffff  }
0x329: {  	v13 =	vsub.f32 v13, v5;
	v28 =	vsub.f32 v12, v4;
	v10 =	vor.u32 v3, v30;
	v11 =	vld.idx.msk [tilespmem:v32+s21+$0x0], $0xffff  }
0x32a: {  	v8 =	vor.u32 v3, v34;
	v19 =	vsub.f32 v19, v20;
	v20 =	vsub.f32 v21, v22;
	v12 =	vld.idx.msk [tilespmem:v32+s17+$0x0], $0xffff  }
0x32b: {  	v21 =	vmul.f32 v26, v26;
	v22 =	vsub.f32 v27, v23;
	v23 =	vmul.f32 v28, v28;
	v4 =	vld.idx.msk [tilespmem:v14+s19+$0x0], $0xffff  }
0x32c: {  	v26 =	vmul.f32 v13, v13;
	v19 =	vmul.f32 v19, v19;
	v15 =	vsub.f32 v16, v15;
	v5 =	vld.idx.msk [tilespmem:v18+s19+$0x0], $0xffff  }
0x32d: {  	v16 =	vmul.f32 v20, v20;
	v20 =	vmul.f32 v22, v22;
	v17 =	vsub.f32 v17, v24;
	v13 =	vld.idx.msk [tilespmem:v14+s21+$0x0], $0xffff  }
0x32e: {  	v2 =	vadd.f32 v21, v2;
	v9 =	vadd.f32 v19, v9;
	v19 =	vmul.f32 v15, v15;
	v14 =	vld.idx.msk [tilespmem:v14+s17+$0x0], $0xffff  }
0x32f: {  	v6 =	vadd.f32 v16, v6;
	v7 =	vadd.f32 v20, v7;
	v21 =	vmul.f32 v17, v17;
	v15 =	vld.idx.msk [tilespmem:v18+s21+$0x0], $0xffff  }
.Ltmp14:
0x330: {  	v2 =	vadd.f32 v23, v2;
	v20 =	vor.u32 v3, v25;
	v9 =	vadd.f32 v26, v9;
	v16 =	vld.idx.msk [tilespmem:v18+s17+$0x0], $0xffff;
	(pc) =	sbr.rel @p0 .LBB2_31-.Ltmp14, $4  }
0x331: {  	v6 =	vadd.f32 v19, v6;
	v18 =	vand.u32 $0x7F, v36;
	v7 =	vadd.f32 v21, v7;
	v17 =	vld.idx.msk [tilespmem:v10+s21+$0x0], $0xffff  }
0x332: {  	v19 =	vadd.s32 $0x3, v1;
	v22 =	vor.u32 v3, v18;
	v18 =	vld.idx.msk [tilespmem:v10+s17+$0x0], $0xffff  }
0x333: {  	v21 =	vand.u32 $0x7F, v19;
	v19 =	vld.idx.msk [tilespmem:v8+s21+$0x0], $0xffff  }
0x334: {  	s26 =	sadd.s32 $0xFFFFFFFF, s26;
	v23 =	vor.u32 v3, v21;
	v21 =	vld.idx.msk [tilespmem:v8+s17+$0x0], $0xffff  }
0x335: {  	_ =	sdelay $0x3  }
0x336: {  	v1 =	vld.idx.msk [tilespmem:v20+s21+$0x0], $0xffff  }
0x337: {  	v3 =	vld.idx.msk [tilespmem:v20+s17+$0x0], $0xffff  }
0x338: {  	v24 =	vld.idx.msk [tilespmem:v22+s21+$0x0], $0xffff  }
0x339: {  	v25 =	vld.idx.msk [tilespmem:v22+s17+$0x0], $0xffff  }
0x33a: {  	v26 =	vld.idx.msk [tilespmem:v23+s21+$0x0], $0xffff  }
0x33b: {  	v27 =	vld.idx.msk [tilespmem:v23+s17+$0x0], $0xffff  }
0x33c: {  	v48 =	vld.idx.msk [tilespmem:v20+s19+$0x0], $0xffff  }
0x33d: {  	v11 =	vsub.f32 v11, v12;
	v49 =	vld.idx.msk [tilespmem:v22+s19+$0x0], $0xffff;
	v13 =	vsub.f32 v13, v14  }
0x33e: {  	v50 =	vsub.f32 v15, v16;
	v51 =	vld.idx.msk [tilespmem:v23+s19+$0x0], $0xffff;
	v52 =	vsub.f32 v17, v18  }
0x33f: {  	v10 =	vld.idx.msk [tilespmem:v10+s19+$0x0], $0xffff;
	v0 =	vsub.f32 v11, v0;
	v4 =	vsub.f32 v13, v4  }
0x340: {  	v8 =	vld.idx.msk [tilespmem:v8+s19+$0x0], $0xffff;
	v5 =	vsub.f32 v50, v5;
	v1 =	vsub.f32 v1, v3  }
0x341: {  	v54 =	vsub.f32 v24, v25;
	v55 =	vsub.f32 v26, v27  }
0x342: {  	v53 =	vsub.f32 v19, v21;
	v0 =	vmul.f32 v0, v0;
	v1 =	vsub.f32 v1, v48  }
0x343: {  	v4 =	vmul.f32 v4, v4;
	v3 =	vsub.f32 v54, v49;
	v11 =	vsub.f32 v55, v51  }
0x344: {  	v5 =	vmul.f32 v5, v5;
	v10 =	vsub.f32 v52, v10;
	v1 =	vmul.f32 v1, v1  }
0x345: {  	v8 =	vsub.f32 v53, v8;
	v3 =	vmul.f32 v3, v3;
	v11 =	vmul.f32 v11, v11  }
0x346: {  	v0 =	vadd.f32 v0, v2;
	v56 =	vmul.f32 v10, v10;
	v1 =	vadd.f32 v1, v9  }
0x347: {  	v58 =	vmul.f32 v8, v8;
	v3 =	vadd.f32 v3, v6;
	v57 =	vadd.f32 v11, v7  }
0x348: {  	v0 =	vadd.f32 v4, v0;
	v1 =	vadd.f32 v5, v1  }
0x349: {  	v2 =	vadd.f32 v56, v3;
	v59 =	vadd.f32 v58, v57;
	_ =	sdelay $0x1  }
0x34a: {  	v0 =	vadd.f32 v1, v0;
	v60 =	vadd.f32 v59, v2;
	_ =	sdelay $0x1  }
0x34b: {  	v0 =	vadd.f32 v60, v0;
	_ =	sdelay $0x1  }
0x34c: {  	v1 =	vshra.s32 v0, $0x1  }
0x34d: {  	v1 =	vadd.s32 $0x1FBD1DF5, v1  }
0x34e: {  	(erf) = vrcp.f32 v1;
	_ =	sdelay $0x8  }
0x34f: {  	v61 =	vpop (erf)  }
0x350: {  	v2 =	vmul.f32 v61, v0;
	_ =	sdelay $0x1  }
0x351: {  	v1 =	vadd.f32 v1, v2;
	_ =	sdelay $0x1  }
0x352: {  	v1 =	vmul.f32 $5.000000000e-01, v1;
	_ =	sdelay $0x1  }
0x353: {  	(erf) = vrcp.f32 v1;
	_ =	sdelay $0x8  }
0x354: {  	v62 =	vpop (erf)  }
0x355: {  	v2 =	vmul.f32 v62, v0;
	_ =	sdelay $0x1  }
0x356: {  	v1 =	vadd.f32 v2, v1;
	_ =	sdelay $0x1  }
0x357: {  	v1 =	vmul.f32 $5.000000000e-01, v1;
	_ =	sdelay $0x1  }
0x358: {  	(erf) = vrcp.f32 v1;
	_ =	sdelay $0x8  }
0x359: {  	v63 =	vpop (erf)  }
0x35a: {  	s20 =	sadd.s32 $0x1, s20;
	v0 =	vmul.f32 v63, v0  }
0x35b: {  	p0 =	sne.s32 s20, $0x4  }
.Ltmp15:
0x35c: {  	v0 =	vadd.f32 v0, v1;
	(pc) =	sbr.rel @p0 .LBB2_30-.Ltmp15, $3  }
0x35d: {  	_ = 	snop  }
0x35e: {  	v0 =	vmul.f32 $5.000000000e-01, v0;
	_ =	sdelay $0x1  }
0x35f: {  	[tilespmem:s22+$0x127C0] =	vst v0  }
0x360: {  	s18 =	sadd.s32 $0x1, s18  }
0x361: {  	p0 =	sne.s32 s18, s9  }
.Ltmp16:
0x362: {  	_ = 	snop;
	(pc) =	sbr.rel @p0 .LBB2_1-.Ltmp16, $4  }
0x363: {  	[hbm4b:s8+s4] =	stream.linear.scatter [tilespmem:s31], [sflag:$0x5], $0x200, $0x38;
	[tilespmem:$0x12800] =	vst v63  }
0x364: {  	_ =	swait.ge [sflag:s0], $0x200  }
0x365: {  	[sflag:s0] =	ssyncset.done $0x0  }
0x366: {  	[sflag:s0] =	ssyncadd.s32 $0xFFFFFE00  }
0x367: {  	_ =	sfence.sel $0x180000  }
0x368: {  	[bflag:$0x0] =	sbarrier.arrive $0xFFFF  }
0x369: {  	_ =	strace $0x90000047  }
0x36a: {  	s0 =	stileid.u32;
	[bflag:$0x2] =	sbarrier.arrive $0xFFFF  }
0x36b: {  	p0 =	sne.s32 s0, $0x0;
	s0 =	rddreg [dreg:$0x6]  }
0x36c: {  	s0 =	sadd.s32 @!p0 $0x100000, s0  }
0x36d: {  	[sflag:s0] =	ssyncadd.tile.s32 @!p0 $0x1;
	_ =	shalt  }
.Lfunc_end2:
_tile_overlayer_lowered:
.L_overlay_start_2:
0x36e: {  	(tag) =	ssettag $0x2  }
0x36f: {  	s0 =	rddreg [dreg:$0x0];
	s2 =	stileid.u32  }
0x370: {  	s1 =	rddreg [dreg:$0x1];
	p0 =	sne.s32 s2, $0x0  }
0x371: {  	s3 =	rddreg [dreg:$0x2];
	[bflag:$0x3] =	sbarrier.arrive $0xFFFF;
	s2 =	simm.s32 @!p0 $0x1C05  }
0x372: {  	[timem:s3], [sflag:s2] =	dma.local @!p0 [hbm:s0], s1  }
0x373: {  	s0 =	simm.s32 @!p0 $0x5  }
0x374: {  	_ =	swait.ge @!p0 [sflag:s0], s1  }
0x375: {  	s1 =	ssub.s32 @!p0 $0x0, s1;
	[sflag:s0] =	ssyncset.done @!p0 $0x0  }
0x376: {  	[sflag:s0] =	ssyncadd.s32 @!p0 s1  }
0x377: {  	[bflag:$0x3] =	sbarrier.arrive $0xFFFF  }
0x378: {  	_ =	shalt  }

</sc_bundles>
